<compile_context>
chip_gen: v7x
topology: tpu7x:2x2x1
jax: 0.10.2.dev20260603
libtpu: 0.0.44.dev20260713+nightly
codegen_flags: <defaults>
</compile_context>

<pallas_src>
import functools

import jax
import jax.numpy as jnp
from jax import lax
from jax.experimental import pallas as pl
from jax.experimental.pallas import tpu as pltpu
from jax.experimental.pallas import tpu_sc as plsc

_CHUNK = 8
_RING = 3
_GCHUNK = 16


@functools.cache
def _sc_embed(n, d, dtype):
    info = plsc.get_sparse_core_info()
    nw = info.num_cores * info.num_subcores
    rpw = n // nw
    nchunks = rpw // _CHUNK
    ngchunks = rpw // _GCHUNK
    mesh = plsc.VectorSubcoreMesh(core_axis_name="c", subcore_axis_name="s")

    @functools.partial(
        pl.kernel,
        mesh=mesh,
        out_type=jax.ShapeDtypeStruct((n, d), dtype),
        scratch_types=[
            pltpu.VMEM((16,), jnp.int32),
            pltpu.VMEM((_GCHUNK,), jnp.int32),
            pltpu.VMEM((_RING * _CHUNK, d), dtype),
            pltpu.SemaphoreType.DMA,
            pltpu.SemaphoreType.DMA,
            pltpu.SemaphoreType.DMA,
            pltpu.SemaphoreType.DMA,
            pltpu.SemaphoreType.DMA,
            pltpu.SemaphoreType.DMA,
        ],
    )
    def k(s_hbm, w_hbm, out_hbm, s_v, idx_v, buf_v, r0, r1, r2, w0, w1, w2):
        wid = lax.axis_index("s") * info.num_cores + lax.axis_index("c")
        base = wid * rpw
        pltpu.sync_copy(s_hbm, s_v)
        s = s_v[...][0]
        rsem = (r0, r1, r2)
        wsem = (w0, w1, w2)

        @pl.when(base + rpw <= s)
        def _identity():
            def read(c):
                slot = c % _RING
                return pltpu.async_copy(
                    w_hbm.at[pl.ds(base + c * _CHUNK, _CHUNK)],
                    buf_v.at[pl.ds(slot * _CHUNK, _CHUNK)],
                    rsem[slot],
                )

            def write(c):
                slot = c % _RING
                return pltpu.async_copy(
                    buf_v.at[pl.ds(slot * _CHUNK, _CHUNK)],
                    out_hbm.at[pl.ds(base + c * _CHUNK, _CHUNK)],
                    wsem[slot],
                )

            hr = [None] * _RING
            hw = [None] * _RING
            for c in range(min(_RING - 1, nchunks)):
                hr[c % _RING] = read(c)
            for c in range(nchunks):
                slot = c % _RING
                hr[slot].wait()
                hw[slot] = write(c)
                nc = c + _RING - 1
                if nc < nchunks:
                    ns = nc % _RING
                    if hw[ns] is not None:
                        hw[ns].wait()
                    hr[ns] = read(nc)
            for c in range(max(0, nchunks - _RING), nchunks):
                hw[c % _RING].wait()

        @pl.when(base + rpw > s)
        def _clamped():
            def body(c, carry):
                cb = base + c * _GCHUNK
                idx_v[...] = jnp.minimum(
                    cb + lax.iota(jnp.int32, _GCHUNK), s - 1
                )
                gbuf = buf_v.at[pl.ds(0, _GCHUNK)]
                pltpu.async_copy(w_hbm.at[idx_v], gbuf, r0).wait()
                pltpu.sync_copy(gbuf, out_hbm.at[pl.ds(cb, _GCHUNK)])
                return carry

            lax.fori_loop(0, ngchunks, body, 0)

    return k


def kernel(seq_len, weight):
    n, d = weight.shape
    s_arr = jnp.full((16,), seq_len, jnp.int32)
    return _sc_embed(n, d, weight.dtype)(s_arr, weight)

# --- scband reference (transcript-rebuilt; emitter-appended) ---
"""Pipeline reference for scband-learned-positional-embedding-31172872634903 (READ-ONLY COPY).

The authoritative reference and input builder live on the scoring server;
editing this copy changes nothing except your own understanding.
"""

import jax, jax.numpy as jnp
import numpy as np

MAX_SEQ_LEN = 8192
D_MODEL = 4096

def setup_inputs(seed: int = 0) -> dict:
    key = jax.random.key(seed)
    k_w, = jax.random.split(key, 1)
    weight = jax.random.normal(k_w, (MAX_SEQ_LEN, D_MODEL), dtype=jnp.float32)
    return {"seq_len": 8192, "weight": weight}

def reference(seq_len, weight):
    # positions = arange(seq_len); return embedding lookup weight[positions]
    n = weight.shape[0]
    positions = jnp.arange(n, dtype=jnp.int32)
    positions = jnp.minimum(positions, jnp.asarray(seq_len, dtype=jnp.int32) - 1)
    return jnp.take(weight, positions, axis=0)

if __name__ == "__main__":
    import jax
    _d = setup_inputs()
    print(jax.jit(kernel)(*tuple(_d.values())))

</pallas_src>

<mosaic_0001>
#map = affine_map<(d0, d1) -> (0)>
#map1 = affine_map<(d0, d1) -> (0, 0)>
module attributes {stable_mosaic.version = 14 : i64} {
  func.func @k(%arg0: i32, %arg1: i32, %arg2: memref<16xi32, #tpu.memory_space<hbm>>, %arg3: memref<8192x4096xf32, #tpu.memory_space<hbm>>, %arg4: memref<8192x4096xf32, #tpu.memory_space<hbm>>, %arg5: memref<16xi32, #tpu.memory_space<vmem>>, %arg6: memref<16xi32, #tpu.memory_space<vmem>>, %arg7: memref<24x4096xf32, #tpu.memory_space<vmem>>, %arg8: memref<!tpu.dma_semaphore, #tpu.memory_space<semaphore_mem>>, %arg9: memref<!tpu.dma_semaphore, #tpu.memory_space<semaphore_mem>>, %arg10: memref<!tpu.dma_semaphore, #tpu.memory_space<semaphore_mem>>, %arg11: memref<!tpu.dma_semaphore, #tpu.memory_space<semaphore_mem>>, %arg12: memref<!tpu.dma_semaphore, #tpu.memory_space<semaphore_mem>>, %arg13: memref<!tpu.dma_semaphore, #tpu.memory_space<semaphore_mem>>) attributes {dimension_semantics = [#tpu.dimension_semantics<core_parallel>, #tpu.dimension_semantics<subcore_parallel>], iteration_bounds = array<i64: 2, 16>, scalar_prefetch = 0 : i64, scratch_operands = 9 : i64, tpu.core_type = #tpu.core_type<sc_vector_subcore>, window_params = [{transform_indices = #map}, {transform_indices = #map1}, {transform_indices = #map1}]} {
    %mul3A = arith.constant 2 : i32
    %mul3A_0 = arith.muli %arg1, %mul3A : i32
    %add3A = arith.addi %mul3A_0, %arg0 : i32
    %mul3A_1 = arith.constant 256 : i32
    %mul3A_2 = arith.muli %add3A, %mul3A_1 : i32
    "tpu.region"() ({
      %run_scoped3A = tpu.sem_alloc : memref<!tpu.dma_semaphore, #tpu.memory_space<semaphore_mem>>
      tpu.enqueue_dma source(%arg2 : memref<16xi32, #tpu.memory_space<hbm>>) target(%arg5 : memref<16xi32, #tpu.memory_space<vmem>>) target_semaphore(%run_scoped3A : memref<!tpu.dma_semaphore, #tpu.memory_space<semaphore_mem>>)
      tpu.wait_dma2 semaphore(%run_scoped3A : memref<!tpu.dma_semaphore, #tpu.memory_space<semaphore_mem>>) src(%arg2 : memref<16xi32, #tpu.memory_space<hbm>>) dst(%arg5 : memref<16xi32, #tpu.memory_space<vmem>>)
      tpu.yield
    }) : () -> ()
    %get3A = arith.constant 0 : index
    %get3A_3 = tpu.vector_load %arg5[%get3A] {strides = array<i32>} : memref<16xi32, #tpu.memory_space<vmem>>, vector<16xi32>,
    %get3A_4 = vector.shape_cast %get3A_3 : vector<16xi32> to vector<16xi32>
    %slice3A = vector.extract_strided_slice %get3A_4 {offsets = [0], sizes = [1], strides = [1]} : vector<16xi32> to vector<1xi32>
    %squeeze3A = vector.extract %slice3A[0] : i32 from vector<1xi32>
    %add3A_5 = arith.constant 256 : i32
    %add3A_6 = arith.addi %mul3A_2, %add3A_5 : i32
    %le3A = arith.cmpi sle, %add3A_6, %squeeze3A : i32
    %convert_element_type3A = arith.extui %le3A : i1 to i32
    %cond3A = arith.constant 0 : i32
    %cond3A_7 = arith.cmpi ne, %convert_element_type3A, %cond3A : i32
    scf.if %cond3A_7 {
      %add3A_13 = arith.constant 0 : i32
      %add3A_14 = arith.addi %mul3A_2, %add3A_13 : i32
      %dma_start3A = arith.constant 0 : i32
      %dma_start3A_15 = arith.constant 0 : i32
      %dma_start3A_16 = tpu.memref_slice %arg7[%dma_start3A, %dma_start3A_15] : memref<24x4096xf32, #tpu.memory_space<vmem>> -> memref<8x4096xf32, #tpu.memory_space<vmem>>
      %dma_start3A_17 = arith.constant 0 : i32
      %dma_start3A_18 = tpu.memref_slice %arg3[%add3A_14, %dma_start3A_17] : memref<8192x4096xf32, #tpu.memory_space<hbm>> -> memref<8x4096xf32, #tpu.memory_space<hbm>>
      %dma_start3A_19 = arith.constant 0 : i32
      %dma_start3A_20 = arith.constant 0 : i32
      %dma_start3A_21 = tpu.memref_slice %arg7[%dma_start3A_19, %dma_start3A_20] : memref<24x4096xf32, #tpu.memory_space<vmem>> -> memref<8x4096xf32, #tpu.memory_space<vmem>>
      %dma_start3A_22 = arith.constant 0 : i32
      %dma_start3A_23 = tpu.memref_slice %arg3[%add3A_14, %dma_start3A_22] : memref<8192x4096xf32, #tpu.memory_space<hbm>> -> memref<8x4096xf32, #tpu.memory_space<hbm>>
      tpu.enqueue_dma source(%dma_start3A_23 : memref<8x4096xf32, #tpu.memory_space<hbm>>) target(%dma_start3A_21 : memref<8x4096xf32, #tpu.memory_space<vmem>>) target_semaphore(%arg8 : memref<!tpu.dma_semaphore, #tpu.memory_space<semaphore_mem>>)
      %add3A_24 = arith.constant 8 : i32
      %add3A_25 = arith.addi %mul3A_2, %add3A_24 : i32
      %dma_start3A_26 = arith.constant 8 : i32
      %dma_start3A_27 = arith.constant 0 : i32
      %dma_start3A_28 = tpu.memref_slice %arg7[%dma_start3A_26, %dma_start3A_27] : memref<24x4096xf32, #tpu.memory_space<vmem>> -> memref<8x4096xf32, #tpu.memory_space<vmem>>
      %dma_start3A_29 = arith.constant 0 : i32
      %dma_start3A_30 = tpu.memref_slice %arg3[%add3A_25, %dma_start3A_29] : memref<8192x4096xf32, #tpu.memory_space<hbm>> -> memref<8x4096xf32, #tpu.memory_space<hbm>>
      %dma_start3A_31 = arith.constant 8 : i32
      %dma_start3A_32 = arith.constant 0 : i32
      %dma_start3A_33 = tpu.memref_slice %arg7[%dma_start3A_31, %dma_start3A_32] : memref<24x4096xf32, #tpu.memory_space<vmem>> -> memref<8x4096xf32, #tpu.memory_space<vmem>>
      %dma_start3A_34 = arith.constant 0 : i32
      %dma_start3A_35 = tpu.memref_slice %arg3[%add3A_25, %dma_start3A_34] : memref<8192x4096xf32, #tpu.memory_space<hbm>> -> memref<8x4096xf32, #tpu.memory_space<hbm>>
      tpu.enqueue_dma source(%dma_start3A_35 : memref<8x4096xf32, #tpu.memory_space<hbm>>) target(%dma_start3A_33 : memref<8x4096xf32, #tpu.memory_space<vmem>>) target_semaphore(%arg9 : memref<!tpu.dma_semaphore, #tpu.memory_space<semaphore_mem>>)
      %dma_wait3A = arith.constant 0 : i32
      %dma_wait3A_36 = arith.constant 0 : i32
      %dma_wait3A_37 = tpu.memref_slice %arg7[%dma_wait3A, %dma_wait3A_36] : memref<24x4096xf32, #tpu.memory_space<vmem>> -> memref<8x4096xf32, #tpu.memory_space<vmem>>
      %dma_wait3A_38 = arith.constant 0 : i32
      %dma_wait3A_39 = tpu.memref_slice %arg3[%add3A_14, %dma_wait3A_38] : memref<8192x4096xf32, #tpu.memory_space<hbm>> -> memref<8x4096xf32, #tpu.memory_space<hbm>>
      %dma_wait3A_40 = arith.constant 0 : i32
      %dma_wait3A_41 = arith.constant 0 : i32
      %dma_wait3A_42 = tpu.memref_slice %arg7[%dma_wait3A_40, %dma_wait3A_41] : memref<24x4096xf32, #tpu.memory_space<vmem>> -> memref<8x4096xf32, #tpu.memory_space<vmem>>
      %dma_wait3A_43 = arith.constant 0 : i32
      %dma_wait3A_44 = tpu.memref_slice %arg3[%add3A_14, %dma_wait3A_43] : memref<8192x4096xf32, #tpu.memory_space<hbm>> -> memref<8x4096xf32, #tpu.memory_space<hbm>>
      tpu.wait_dma2 semaphore(%arg8 : memref<!tpu.dma_semaphore, #tpu.memory_space<semaphore_mem>>) src(%dma_wait3A_44 : memref<8x4096xf32, #tpu.memory_space<hbm>>) dst(%dma_wait3A_42 : memref<8x4096xf32, #tpu.memory_space<vmem>>)
      %add3A_45 = arith.constant 0 : i32
      %add3A_46 = arith.addi %mul3A_2, %add3A_45 : i32
      %dma_start3A_47 = arith.constant 0 : i32
      %dma_start3A_48 = arith.constant 0 : i32
      %dma_start3A_49 = tpu.memref_slice %arg7[%dma_start3A_47, %dma_start3A_48] : memref<24x4096xf32, #tpu.memory_space<vmem>> -> memref<8x4096xf32, #tpu.memory_space<vmem>>
      %dma_start3A_50 = arith.constant 0 : i32
      %dma_start3A_51 = tpu.memref_slice %arg4[%add3A_46, %dma_start3A_50] : memref<8192x4096xf32, #tpu.memory_space<hbm>> -> memref<8x4096xf32, #tpu.memory_space<hbm>>
      %dma_start3A_52 = arith.constant 0 : i32
      %dma_start3A_53 = tpu.memref_slice %arg4[%add3A_46, %dma_start3A_52] : memref<8192x4096xf32, #tpu.memory_space<hbm>> -> memref<8x4096xf32, #tpu.memory_space<hbm>>
      %dma_start3A_54 = arith.constant 0 : i32
      %dma_start3A_55 = arith.constant 0 : i32
      %dma_start3A_56 = tpu.memref_slice %arg7[%dma_start3A_54, %dma_start3A_55] : memref<24x4096xf32, #tpu.memory_space<vmem>> -> memref<8x4096xf32, #tpu.memory_space<vmem>>
      tpu.enqueue_dma source(%dma_start3A_56 : memref<8x4096xf32, #tpu.memory_space<vmem>>) target(%dma_start3A_53 : memref<8x4096xf32, #tpu.memory_space<hbm>>) target_semaphore(%arg11 : memref<!tpu.dma_semaphore, #tpu.memory_space<semaphore_mem>>)
      %add3A_57 = arith.constant 16 : i32
      %add3A_58 = arith.addi %mul3A_2, %add3A_57 : i32
      %dma_start3A_59 = arith.constant 16 : i32
      %dma_start3A_60 = arith.constant 0 : i32
      %dma_start3A_61 = tpu.memref_slice %arg7[%dma_start3A_59, %dma_start3A_60] : memref<24x4096xf32, #tpu.memory_space<vmem>> -> memref<8x4096xf32, #tpu.memory_space<vmem>>
      %dma_start3A_62 = arith.constant 0 : i32
      %dma_start3A_63 = tpu.memref_slice %arg3[%add3A_58, %dma_start3A_62] : memref<8192x4096xf32, #tpu.memory_space<hbm>> -> memref<8x4096xf32, #tpu.memory_space<hbm>>
      %dma_start3A_64 = arith.constant 16 : i32
      %dma_start3A_65 = arith.constant 0 : i32
      %dma_start3A_66 = tpu.memref_slice %arg7[%dma_start3A_64, %dma_start3A_65] : memref<24x4096xf32, #tpu.memory_space<vmem>> -> memref<8x4096xf32, #tpu.memory_space<vmem>>
      %dma_start3A_67 = arith.constant 0 : i32
      %dma_start3A_68 = tpu.memref_slice %arg3[%add3A_58, %dma_start3A_67] : memref<8192x4096xf32, #tpu.memory_space<hbm>> -> memref<8x4096xf32, #tpu.memory_space<hbm>>
      tpu.enqueue_dma source(%dma_start3A_68 : memref<8x4096xf32, #tpu.memory_space<hbm>>) target(%dma_start3A_66 : memref<8x4096xf32, #tpu.memory_space<vmem>>) target_semaphore(%arg10 : memref<!tpu.dma_semaphore, #tpu.memory_space<semaphore_mem>>)
      %dma_wait3A_69 = arith.constant 8 : i32
      %dma_wait3A_70 = arith.constant 0 : i32
      %dma_wait3A_71 = tpu.memref_slice %arg7[%dma_wait3A_69, %dma_wait3A_70] : memref<24x4096xf32, #tpu.memory_space<vmem>> -> memref<8x4096xf32, #tpu.memory_space<vmem>>
      %dma_wait3A_72 = arith.constant 0 : i32
      %dma_wait3A_73 = tpu.memref_slice %arg3[%add3A_25, %dma_wait3A_72] : memref<8192x4096xf32, #tpu.memory_space<hbm>> -> memref<8x4096xf32, #tpu.memory_space<hbm>>
      %dma_wait3A_74 = arith.constant 8 : i32
      %dma_wait3A_75 = arith.constant 0 : i32
      %dma_wait3A_76 = tpu.memref_slice %arg7[%dma_wait3A_74, %dma_wait3A_75] : memref<24x4096xf32, #tpu.memory_space<vmem>> -> memref<8x4096xf32, #tpu.memory_space<vmem>>
      %dma_wait3A_77 = arith.constant 0 : i32
      %dma_wait3A_78 = tpu.memref_slice %arg3[%add3A_25, %dma_wait3A_77] : memref<8192x4096xf32, #tpu.memory_space<hbm>> -> memref<8x4096xf32, #tpu.memory_space<hbm>>
      tpu.wait_dma2 semaphore(%arg9 : memref<!tpu.dma_semaphore, #tpu.memory_space<semaphore_mem>>) src(%dma_wait3A_78 : memref<8x4096xf32, #tpu.memory_space<hbm>>) dst(%dma_wait3A_76 : memref<8x4096xf32, #tpu.memory_space<vmem>>)
      %add3A_79 = arith.constant 8 : i32
      %add3A_80 = arith.addi %mul3A_2, %add3A_79 : i32
      %dma_start3A_81 = arith.constant 8 : i32
      %dma_start3A_82 = arith.constant 0 : i32
      %dma_start3A_83 = tpu.memref_slice %arg7[%dma_start3A_81, %dma_start3A_82] : memref<24x4096xf32, #tpu.memory_space<vmem>> -> memref<8x4096xf32, #tpu.memory_space<vmem>>
      %dma_start3A_84 = arith.constant 0 : i32
      %dma_start3A_85 = tpu.memref_slice %arg4[%add3A_80, %dma_start3A_84] : memref<8192x4096xf32, #tpu.memory_space<hbm>> -> memref<8x4096xf32, #tpu.memory_space<hbm>>
      %dma_start3A_86 = arith.constant 0 : i32
      %dma_start3A_87 = tpu.memref_slice %arg4[%add3A_80, %dma_start3A_86] : memref<8192x4096xf32, #tpu.memory_space<hbm>> -> memref<8x4096xf32, #tpu.memory_space<hbm>>
      %dma_start3A_88 = arith.constant 8 : i32
      %dma_start3A_89 = arith.constant 0 : i32
      %dma_start3A_90 = tpu.memref_slice %arg7[%dma_start3A_88, %dma_start3A_89] : memref<24x4096xf32, #tpu.memory_space<vmem>> -> memref<8x4096xf32, #tpu.memory_space<vmem>>
      tpu.enqueue_dma source(%dma_start3A_90 : memref<8x4096xf32, #tpu.memory_space<vmem>>) target(%dma_start3A_87 : memref<8x4096xf32, #tpu.memory_space<hbm>>) target_semaphore(%arg12 : memref<!tpu.dma_semaphore, #tpu.memory_space<semaphore_mem>>)
      %dma_wait3A_91 = arith.constant 0 : i32
      %dma_wait3A_92 = arith.constant 0 : i32
      %dma_wait3A_93 = tpu.memref_slice %arg7[%dma_wait3A_91, %dma_wait3A_92] : memref<24x4096xf32, #tpu.memory_space<vmem>> -> memref<8x4096xf32, #tpu.memory_space<vmem>>
      %dma_wait3A_94 = arith.constant 0 : i32
      %dma_wait3A_95 = tpu.memref_slice %arg4[%add3A_46, %dma_wait3A_94] : memref<8192x4096xf32, #tpu.memory_space<hbm>> -> memref<8x4096xf32, #tpu.memory_space<hbm>>
      %dma_wait3A_96 = arith.constant 0 : i32
      %dma_wait3A_97 = tpu.memref_slice %arg4[%add3A_46, %dma_wait3A_96] : memref<8192x4096xf32, #tpu.memory_space<hbm>> -> memref<8x4096xf32, #tpu.memory_space<hbm>>
      %dma_wait3A_98 = arith.constant 0 : i32
      %dma_wait3A_99 = arith.constant 0 : i32
      %dma_wait3A_100 = tpu.memref_slice %arg7[%dma_wait3A_98, %dma_wait3A_99] : memref<24x4096xf32, #tpu.memory_space<vmem>> -> memref<8x4096xf32, #tpu.memory_space<vmem>>
      tpu.wait_dma2 semaphore(%arg11 : memref<!tpu.dma_semaphore, #tpu.memory_space<semaphore_mem>>) src(%dma_wait3A_100 : memref<8x4096xf32, #tpu.memory_space<vmem>>) dst(%dma_wait3A_97 : memref<8x4096xf32, #tpu.memory_space<hbm>>)
      %add3A_101 = arith.constant 24 : i32
      %add3A_102 = arith.addi %mul3A_2, %add3A_101 : i32
      %dma_start3A_103 = arith.constant 0 : i32
      %dma_start3A_104 = arith.constant 0 : i32
      %dma_start3A_105 = tpu.memref_slice %arg7[%dma_start3A_103, %dma_start3A_104] : memref<24x4096xf32, #tpu.memory_space<vmem>> -> memref<8x4096xf32, #tpu.memory_space<vmem>>
      %dma_start3A_106 = arith.constant 0 : i32
      %dma_start3A_107 = tpu.memref_slice %arg3[%add3A_102, %dma_start3A_106] : memref<8192x4096xf32, #tpu.memory_space<hbm>> -> memref<8x4096xf32, #tpu.memory_space<hbm>>
      %dma_start3A_108 = arith.constant 0 : i32
      %dma_start3A_109 = arith.constant 0 : i32
      %dma_start3A_110 = tpu.memref_slice %arg7[%dma_start3A_108, %dma_start3A_109] : memref<24x4096xf32, #tpu.memory_space<vmem>> -> memref<8x4096xf32, #tpu.memory_space<vmem>>
      %dma_start3A_111 = arith.constant 0 : i32
      %dma_start3A_112 = tpu.memref_slice %arg3[%add3A_102, %dma_start3A_111] : memref<8192x4096xf32, #tpu.memory_space<hbm>> -> memref<8x4096xf32, #tpu.memory_space<hbm>>
      tpu.enqueue_dma source(%dma_start3A_112 : memref<8x4096xf32, #tpu.memory_space<hbm>>) target(%dma_start3A_110 : memref<8x4096xf32, #tpu.memory_space<vmem>>) target_semaphore(%arg8 : memref<!tpu.dma_semaphore, #tpu.memory_space<semaphore_mem>>)
      %dma_wait3A_113 = arith.constant 16 : i32
      %dma_wait3A_114 = arith.constant 0 : i32
      %dma_wait3A_115 = tpu.memref_slice %arg7[%dma_wait3A_113, %dma_wait3A_114] : memref<24x4096xf32, #tpu.memory_space<vmem>> -> memref<8x4096xf32, #tpu.memory_space<vmem>>
      %dma_wait3A_116 = arith.constant 0 : i32
      %dma_wait3A_117 = tpu.memref_slice %arg3[%add3A_58, %dma_wait3A_116] : memref<8192x4096xf32, #tpu.memory_space<hbm>> -> memref<8x4096xf32, #tpu.memory_space<hbm>>
      %dma_wait3A_118 = arith.constant 16 : i32
      %dma_wait3A_119 = arith.constant 0 : i32
      %dma_wait3A_120 = tpu.memref_slice %arg7[%dma_wait3A_118, %dma_wait3A_119] : memref<24x4096xf32, #tpu.memory_space<vmem>> -> memref<8x4096xf32, #tpu.memory_space<vmem>>
      %dma_wait3A_121 = arith.constant 0 : i32
      %dma_wait3A_122 = tpu.memref_slice %arg3[%add3A_58, %dma_wait3A_121] : memref<8192x4096xf32, #tpu.memory_space<hbm>> -> memref<8x4096xf32, #tpu.memory_space<hbm>>
      tpu.wait_dma2 semaphore(%arg10 : memref<!tpu.dma_semaphore, #tpu.memory_space<semaphore_mem>>) src(%dma_wait3A_122 : memref<8x4096xf32, #tpu.memory_space<hbm>>) dst(%dma_wait3A_120 : memref<8x4096xf32, #tpu.memory_space<vmem>>)
      %add3A_123 = arith.constant 16 : i32
      %add3A_124 = arith.addi %mul3A_2, %add3A_123 : i32
      %dma_start3A_125 = arith.constant 16 : i32
      %dma_start3A_126 = arith.constant 0 : i32
      %dma_start3A_127 = tpu.memref_slice %arg7[%dma_start3A_125, %dma_start3A_126] : memref<24x4096xf32, #tpu.memory_space<vmem>> -> memref<8x4096xf32, #tpu.memory_space<vmem>>
      %dma_start3A_128 = arith.constant 0 : i32
      %dma_start3A_129 = tpu.memref_slice %arg4[%add3A_124, %dma_start3A_128] : memref<8192x4096xf32, #tpu.memory_space<hbm>> -> memref<8x4096xf32, #tpu.memory_space<hbm>>
      %dma_start3A_130 = arith.constant 0 : i32
      %dma_start3A_131 = tpu.memref_slice %arg4[%add3A_124, %dma_start3A_130] : memref<8192x4096xf32, #tpu.memory_space<hbm>> -> memref<8x4096xf32, #tpu.memory_space<hbm>>
      %dma_start3A_132 = arith.constant 16 : i32
      %dma_start3A_133 = arith.constant 0 : i32
      %dma_start3A_134 = tpu.memref_slice %arg7[%dma_start3A_132, %dma_start3A_133] : memref<24x4096xf32, #tpu.memory_space<vmem>> -> memref<8x4096xf32, #tpu.memory_space<vmem>>
      tpu.enqueue_dma source(%dma_start3A_134 : memref<8x4096xf32, #tpu.memory_space<vmem>>) target(%dma_start3A_131 : memref<8x4096xf32, #tpu.memory_space<hbm>>) target_semaphore(%arg13 : memref<!tpu.dma_semaphore, #tpu.memory_space<semaphore_mem>>)
      %dma_wait3A_135 = arith.constant 8 : i32
      %dma_wait3A_136 = arith.constant 0 : i32
      %dma_wait3A_137 = tpu.memref_slice %arg7[%dma_wait3A_135, %dma_wait3A_136] : memref<24x4096xf32, #tpu.memory_space<vmem>> -> memref<8x4096xf32, #tpu.memory_space<vmem>>
      %dma_wait3A_138 = arith.constant 0 : i32
      %dma_wait3A_139 = tpu.memref_slice %arg4[%add3A_80, %dma_wait3A_138] : memref<8192x4096xf32, #tpu.memory_space<hbm>> -> memref<8x4096xf32, #tpu.memory_space<hbm>>
      %dma_wait3A_140 = arith.constant 0 : i32
      %dma_wait3A_141 = tpu.memref_slice %arg4[%add3A_80, %dma_wait3A_140] : memref<8192x4096xf32, #tpu.memory_space<hbm>> -> memref<8x4096xf32, #tpu.memory_space<hbm>>
      %dma_wait3A_142 = arith.constant 8 : i32
      %dma_wait3A_143 = arith.constant 0 : i32
      %dma_wait3A_144 = tpu.memref_slice %arg7[%dma_wait3A_142, %dma_wait3A_143] : memref<24x4096xf32, #tpu.memory_space<vmem>> -> memref<8x4096xf32, #tpu.memory_space<vmem>>
      tpu.wait_dma2 semaphore(%arg12 : memref<!tpu.dma_semaphore, #tpu.memory_space<semaphore_mem>>) src(%dma_wait3A_144 : memref<8x4096xf32, #tpu.memory_space<vmem>>) dst(%dma_wait3A_141 : memref<8x4096xf32, #tpu.memory_space<hbm>>)
      %add3A_145 = arith.constant 32 : i32
      %add3A_146 = arith.addi %mul3A_2, %add3A_145 : i32
      %dma_start3A_147 = arith.constant 8 : i32
      %dma_start3A_148 = arith.constant 0 : i32
      %dma_start3A_149 = tpu.memref_slice %arg7[%dma_start3A_147, %dma_start3A_148] : memref<24x4096xf32, #tpu.memory_space<vmem>> -> memref<8x4096xf32, #tpu.memory_space<vmem>>
      %dma_start3A_150 = arith.constant 0 : i32
      %dma_start3A_151 = tpu.memref_slice %arg3[%add3A_146, %dma_start3A_150] : memref<8192x4096xf32, #tpu.memory_space<hbm>> -> memref<8x4096xf32, #tpu.memory_space<hbm>>
      %dma_start3A_152 = arith.constant 8 : i32
      %dma_start3A_153 = arith.constant 0 : i32
      %dma_start3A_154 = tpu.memref_slice %arg7[%dma_start3A_152, %dma_start3A_153] : memref<24x4096xf32, #tpu.memory_space<vmem>> -> memref<8x4096xf32, #tpu.memory_space<vmem>>
      %dma_start3A_155 = arith.constant 0 : i32
      %dma_start3A_156 = tpu.memref_slice %arg3[%add3A_146, %dma_start3A_155] : memref<8192x4096xf32, #tpu.memory_space<hbm>> -> memref<8x4096xf32, #tpu.memory_space<hbm>>
      tpu.enqueue_dma source(%dma_start3A_156 : memref<8x4096xf32, #tpu.memory_space<hbm>>) target(%dma_start3A_154 : memref<8x4096xf32, #tpu.memory_space<vmem>>) target_semaphore(%arg9 : memref<!tpu.dma_semaphore, #tpu.memory_space<semaphore_mem>>)
      %dma_wait3A_157 = arith.constant 0 : i32
      %dma_wait3A_158 = arith.constant 0 : i32
      %dma_wait3A_159 = tpu.memref_slice %arg7[%dma_wait3A_157, %dma_wait3A_158] : memref<24x4096xf32, #tpu.memory_space<vmem>> -> memref<8x4096xf32, #tpu.memory_space<vmem>>
      %dma_wait3A_160 = arith.constant 0 : i32
      %dma_wait3A_161 = tpu.memref_slice %arg3[%add3A_102, %dma_wait3A_160] : memref<8192x4096xf32, #tpu.memory_space<hbm>> -> memref<8x4096xf32, #tpu.memory_space<hbm>>
      %dma_wait3A_162 = arith.constant 0 : i32
      %dma_wait3A_163 = arith.constant 0 : i32
      %dma_wait3A_164 = tpu.memref_slice %arg7[%dma_wait3A_162, %dma_wait3A_163] : memref<24x4096xf32, #tpu.memory_space<vmem>> -> memref<8x4096xf32, #tpu.memory_space<vmem>>
      %dma_wait3A_165 = arith.constant 0 : i32
      %dma_wait3A_166 = tpu.memref_slice %arg3[%add3A_102, %dma_wait3A_165] : memref<8192x4096xf32, #tpu.memory_space<hbm>> -> memref<8x4096xf32, #tpu.memory_space<hbm>>
      tpu.wait_dma2 semaphore(%arg8 : memref<!tpu.dma_semaphore, #tpu.memory_space<semaphore_mem>>) src(%dma_wait3A_166 : memref<8x4096xf32, #tpu.memory_space<hbm>>) dst(%dma_wait3A_164 : memref<8x4096xf32, #tpu.memory_space<vmem>>)
      %add3A_167 = arith.constant 24 : i32
      %add3A_168 = arith.addi %mul3A_2, %add3A_167 : i32
      %dma_start3A_169 = arith.constant 0 : i32
      %dma_start3A_170 = arith.constant 0 : i32
      %dma_start3A_171 = tpu.memref_slice %arg7[%dma_start3A_169, %dma_start3A_170] : memref<24x4096xf32, #tpu.memory_space<vmem>> -> memref<8x4096xf32, #tpu.memory_space<vmem>>
      %dma_start3A_172 = arith.constant 0 : i32
      %dma_start3A_173 = tpu.memref_slice %arg4[%add3A_168, %dma_start3A_172] : memref<8192x4096xf32, #tpu.memory_space<hbm>> -> memref<8x4096xf32, #tpu.memory_space<hbm>>
      %dma_start3A_174 = arith.constant 0 : i32
      %dma_start3A_175 = tpu.memref_slice %arg4[%add3A_168, %dma_start3A_174] : memref<8192x4096xf32, #tpu.memory_space<hbm>> -> memref<8x4096xf32, #tpu.memory_space<hbm>>
      %dma_start3A_176 = arith.constant 0 : i32
      %dma_start3A_177 = arith.constant 0 : i32
      %dma_start3A_178 = tpu.memref_slice %arg7[%dma_start3A_176, %dma_start3A_177] : memref<24x4096xf32, #tpu.memory_space<vmem>> -> memref<8x4096xf32, #tpu.memory_space<vmem>>
      tpu.enqueue_dma source(%dma_start3A_178 : memref<8x4096xf32, #tpu.memory_space<vmem>>) target(%dma_start3A_175 : memref<8x4096xf32, #tpu.memory_space<hbm>>) target_semaphore(%arg11 : memref<!tpu.dma_semaphore, #tpu.memory_space<semaphore_mem>>)
      %dma_wait3A_179 = arith.constant 16 : i32
      %dma_wait3A_180 = arith.constant 0 : i32
      %dma_wait3A_181 = tpu.memref_slice %arg7[%dma_wait3A_179, %dma_wait3A_180] : memref<24x4096xf32, #tpu.memory_space<vmem>> -> memref<8x4096xf32, #tpu.memory_space<vmem>>
      %dma_wait3A_182 = arith.constant 0 : i32
      %dma_wait3A_183 = tpu.memref_slice %arg4[%add3A_124, %dma_wait3A_182] : memref<8192x4096xf32, #tpu.memory_space<hbm>> -> memref<8x4096xf32, #tpu.memory_space<hbm>>
      %dma_wait3A_184 = arith.constant 0 : i32
      %dma_wait3A_185 = tpu.memref_slice %arg4[%add3A_124, %dma_wait3A_184] : memref<8192x4096xf32, #tpu.memory_space<hbm>> -> memref<8x4096xf32, #tpu.memory_space<hbm>>
      %dma_wait3A_186 = arith.constant 16 : i32
      %dma_wait3A_187 = arith.constant 0 : i32
      %dma_wait3A_188 = tpu.memref_slice %arg7[%dma_wait3A_186, %dma_wait3A_187] : memref<24x4096xf32, #tpu.memory_space<vmem>> -> memref<8x4096xf32, #tpu.memory_space<vmem>>
      tpu.wait_dma2 semaphore(%arg13 : memref<!tpu.dma_semaphore, #tpu.memory_space<semaphore_mem>>) src(%dma_wait3A_188 : memref<8x4096xf32, #tpu.memory_space<vmem>>) dst(%dma_wait3A_185 : memref<8x4096xf32, #tpu.memory_space<hbm>>)
      %add3A_189 = arith.constant 40 : i32
      %add3A_190 = arith.addi %mul3A_2, %add3A_189 : i32
      %dma_start3A_191 = arith.constant 16 : i32
      %dma_start3A_192 = arith.constant 0 : i32
      %dma_start3A_193 = tpu.memref_slice %arg7[%dma_start3A_191, %dma_start3A_192] : memref<24x4096xf32, #tpu.memory_space<vmem>> -> memref<8x4096xf32, #tpu.memory_space<vmem>>
      %dma_start3A_194 = arith.constant 0 : i32
      %dma_start3A_195 = tpu.memref_slice %arg3[%add3A_190, %dma_start3A_194] : memref<8192x4096xf32, #tpu.memory_space<hbm>> -> memref<8x4096xf32, #tpu.memory_space<hbm>>
      %dma_start3A_196 = arith.constant 16 : i32
      %dma_start3A_197 = arith.constant 0 : i32
      %dma_start3A_198 = tpu.memref_slice %arg7[%dma_start3A_196, %dma_start3A_197] : memref<24x4096xf32, #tpu.memory_space<vmem>> -> memref<8x4096xf32, #tpu.memory_space<vmem>>
      %dma_start3A_199 = arith.constant 0 : i32
      %dma_start3A_200 = tpu.memref_slice %arg3[%add3A_190, %dma_start3A_199] : memref<8192x4096xf32, #tpu.memory_space<hbm>> -> memref<8x4096xf32, #tpu.memory_space<hbm>>
      tpu.enqueue_dma source(%dma_start3A_200 : memref<8x4096xf32, #tpu.memory_space<hbm>>) target(%dma_start3A_198 : memref<8x4096xf32, #tpu.memory_space<vmem>>) target_semaphore(%arg10 : memref<!tpu.dma_semaphore, #tpu.memory_space<semaphore_mem>>)
      %dma_wait3A_201 = arith.constant 8 : i32
      %dma_wait3A_202 = arith.constant 0 : i32
      %dma_wait3A_203 = tpu.memref_slice %arg7[%dma_wait3A_201, %dma_wait3A_202] : memref<24x4096xf32, #tpu.memory_space<vmem>> -> memref<8x4096xf32, #tpu.memory_space<vmem>>
      %dma_wait3A_204 = arith.constant 0 : i32
      %dma_wait3A_205 = tpu.memref_slice %arg3[%add3A_146, %dma_wait3A_204] : memref<8192x4096xf32, #tpu.memory_space<hbm>> -> memref<8x4096xf32, #tpu.memory_space<hbm>>
      %dma_wait3A_206 = arith.constant 8 : i32
      %dma_wait3A_207 = arith.constant 0 : i32
      %dma_wait3A_208 = tpu.memref_slice %arg7[%dma_wait3A_206, %dma_wait3A_207] : memref<24x4096xf32, #tpu.memory_space<vmem>> -> memref<8x4096xf32, #tpu.memory_space<vmem>>
      %dma_wait3A_209 = arith.constant 0 : i32
      %dma_wait3A_210 = tpu.memref_slice %arg3[%add3A_146, %dma_wait3A_209] : memref<8192x4096xf32, #tpu.memory_space<hbm>> -> memref<8x4096xf32, #tpu.memory_space<hbm>>
      tpu.wait_dma2 semaphore(%arg9 : memref<!tpu.dma_semaphore, #tpu.memory_space<semaphore_mem>>) src(%dma_wait3A_210 : memref<8x4096xf32, #tpu.memory_space<hbm>>) dst(%dma_wait3A_208 : memref<8x4096xf32, #tpu.memory_space<vmem>>)
      %add3A_211 = arith.constant 32 : i32
      %add3A_212 = arith.addi %mul3A_2, %add3A_211 : i32
      %dma_start3A_213 = arith.constant 8 : i32
      %dma_start3A_214 = arith.constant 0 : i32
      %dma_start3A_215 = tpu.memref_slice %arg7[%dma_start3A_213, %dma_start3A_214] : memref<24x4096xf32, #tpu.memory_space<vmem>> -> memref<8x4096xf32, #tpu.memory_space<vmem>>
      %dma_start3A_216 = arith.constant 0 : i32
      %dma_start3A_217 = tpu.memref_slice %arg4[%add3A_212, %dma_start3A_216] : memref<8192x4096xf32, #tpu.memory_space<hbm>> -> memref<8x4096xf32, #tpu.memory_space<hbm>>
      %dma_start3A_218 = arith.constant 0 : i32
      %dma_start3A_219 = tpu.memref_slice %arg4[%add3A_212, %dma_start3A_218] : memref<8192x4096xf32, #tpu.memory_space<hbm>> -> memref<8x4096xf32, #tpu.memory_space<hbm>>
      %dma_start3A_220 = arith.constant 8 : i32
      %dma_start3A_221 = arith.constant 0 : i32
      %dma_start3A_222 = tpu.memref_slice %arg7[%dma_start3A_220, %dma_start3A_221] : memref<24x4096xf32, #tpu.memory_space<vmem>> -> memref<8x4096xf32, #tpu.memory_space<vmem>>
      tpu.enqueue_dma source(%dma_start3A_222 : memref<8x4096xf32, #tpu.memory_space<vmem>>) target(%dma_start3A_219 : memref<8x4096xf32, #tpu.memory_space<hbm>>) target_semaphore(%arg12 : memref<!tpu.dma_semaphore, #tpu.memory_space<semaphore_mem>>)
      %dma_wait3A_223 = arith.constant 0 : i32
      %dma_wait3A_224 = arith.constant 0 : i32
      %dma_wait3A_225 = tpu.memref_slice %arg7[%dma_wait3A_223, %dma_wait3A_224] : memref<24x4096xf32, #tpu.memory_space<vmem>> -> memref<8x4096xf32, #tpu.memory_space<vmem>>
      %dma_wait3A_226 = arith.constant 0 : i32
      %dma_wait3A_227 = tpu.memref_slice %arg4[%add3A_168, %dma_wait3A_226] : memref<8192x4096xf32, #tpu.memory_space<hbm>> -> memref<8x4096xf32, #tpu.memory_space<hbm>>
      %dma_wait3A_228 = arith.constant 0 : i32
      %dma_wait3A_229 = tpu.memref_slice %arg4[%add3A_168, %dma_wait3A_228] : memref<8192x4096xf32, #tpu.memory_space<hbm>> -> memref<8x4096xf32, #tpu.memory_space<hbm>>
      %dma_wait3A_230 = arith.constant 0 : i32
      %dma_wait3A_231 = arith.constant 0 : i32
      %dma_wait3A_232 = tpu.memref_slice %arg7[%dma_wait3A_230, %dma_wait3A_231] : memref<24x4096xf32, #tpu.memory_space<vmem>> -> memref<8x4096xf32, #tpu.memory_space<vmem>>
      tpu.wait_dma2 semaphore(%arg11 : memref<!tpu.dma_semaphore, #tpu.memory_space<semaphore_mem>>) src(%dma_wait3A_232 : memref<8x4096xf32, #tpu.memory_space<vmem>>) dst(%dma_wait3A_229 : memref<8x4096xf32, #tpu.memory_space<hbm>>)
      %add3A_233 = arith.constant 48 : i32
      %add3A_234 = arith.addi %mul3A_2, %add3A_233 : i32
      %dma_start3A_235 = arith.constant 0 : i32
      %dma_start3A_236 = arith.constant 0 : i32
      %dma_start3A_237 = tpu.memref_slice %arg7[%dma_start3A_235, %dma_start3A_236] : memref<24x4096xf32, #tpu.memory_space<vmem>> -> memref<8x4096xf32, #tpu.memory_space<vmem>>
      %dma_start3A_238 = arith.constant 0 : i32
      %dma_start3A_239 = tpu.memref_slice %arg3[%add3A_234, %dma_start3A_238] : memref<8192x4096xf32, #tpu.memory_space<hbm>> -> memref<8x4096xf32, #tpu.memory_space<hbm>>
      %dma_start3A_240 = arith.constant 0 : i32
      %dma_start3A_241 = arith.constant 0 : i32
      %dma_start3A_242 = tpu.memref_slice %arg7[%dma_start3A_240, %dma_start3A_241] : memref<24x4096xf32, #tpu.memory_space<vmem>> -> memref<8x4096xf32, #tpu.memory_space<vmem>>
      %dma_start3A_243 = arith.constant 0 : i32
      %dma_start3A_244 = tpu.memref_slice %arg3[%add3A_234, %dma_start3A_243] : memref<8192x4096xf32, #tpu.memory_space<hbm>> -> memref<8x4096xf32, #tpu.memory_space<hbm>>
      tpu.enqueue_dma source(%dma_start3A_244 : memref<8x4096xf32, #tpu.memory_space<hbm>>) target(%dma_start3A_242 : memref<8x4096xf32, #tpu.memory_space<vmem>>) target_semaphore(%arg8 : memref<!tpu.dma_semaphore, #tpu.memory_space<semaphore_mem>>)
      %dma_wait3A_245 = arith.constant 16 : i32
      %dma_wait3A_246 = arith.constant 0 : i32
      %dma_wait3A_247 = tpu.memref_slice %arg7[%dma_wait3A_245, %dma_wait3A_246] : memref<24x4096xf32, #tpu.memory_space<vmem>> -> memref<8x4096xf32, #tpu.memory_space<vmem>>
      %dma_wait3A_248 = arith.constant 0 : i32
      %dma_wait3A_249 = tpu.memref_slice %arg3[%add3A_190, %dma_wait3A_248] : memref<8192x4096xf32, #tpu.memory_space<hbm>> -> memref<8x4096xf32, #tpu.memory_space<hbm>>
      %dma_wait3A_250 = arith.constant 16 : i32
      %dma_wait3A_251 = arith.constant 0 : i32
      %dma_wait3A_252 = tpu.memref_slice %arg7[%dma_wait3A_250, %dma_wait3A_251] : memref<24x4096xf32, #tpu.memory_space<vmem>> -> memref<8x4096xf32, #tpu.memory_space<vmem>>
      %dma_wait3A_253 = arith.constant 0 : i32
      %dma_wait3A_254 = tpu.memref_slice %arg3[%add3A_190, %dma_wait3A_253] : memref<8192x4096xf32, #tpu.memory_space<hbm>> -> memref<8x4096xf32, #tpu.memory_space<hbm>>
      tpu.wait_dma2 semaphore(%arg10 : memref<!tpu.dma_semaphore, #tpu.memory_space<semaphore_mem>>) src(%dma_wait3A_254 : memref<8x4096xf32, #tpu.memory_space<hbm>>) dst(%dma_wait3A_252 : memref<8x4096xf32, #tpu.memory_space<vmem>>)
      %add3A_255 = arith.constant 40 : i32
      %add3A_256 = arith.addi %mul3A_2, %add3A_255 : i32
      %dma_start3A_257 = arith.constant 16 : i32
      %dma_start3A_258 = arith.constant 0 : i32
      %dma_start3A_259 = tpu.memref_slice %arg7[%dma_start3A_257, %dma_start3A_258] : memref<24x4096xf32, #tpu.memory_space<vmem>> -> memref<8x4096xf32, #tpu.memory_space<vmem>>
      %dma_start3A_260 = arith.constant 0 : i32
      %dma_start3A_261 = tpu.memref_slice %arg4[%add3A_256, %dma_start3A_260] : memref<8192x4096xf32, #tpu.memory_space<hbm>> -> memref<8x4096xf32, #tpu.memory_space<hbm>>
      %dma_start3A_262 = arith.constant 0 : i32
      %dma_start3A_263 = tpu.memref_slice %arg4[%add3A_256, %dma_start3A_262] : memref<8192x4096xf32, #tpu.memory_space<hbm>> -> memref<8x4096xf32, #tpu.memory_space<hbm>>
      %dma_start3A_264 = arith.constant 16 : i32
      %dma_start3A_265 = arith.constant 0 : i32
      %dma_start3A_266 = tpu.memref_slice %arg7[%dma_start3A_264, %dma_start3A_265] : memref<24x4096xf32, #tpu.memory_space<vmem>> -> memref<8x4096xf32, #tpu.memory_space<vmem>>
      tpu.enqueue_dma source(%dma_start3A_266 : memref<8x4096xf32, #tpu.memory_space<vmem>>) target(%dma_start3A_263 : memref<8x4096xf32, #tpu.memory_space<hbm>>) target_semaphore(%arg13 : memref<!tpu.dma_semaphore, #tpu.memory_space<semaphore_mem>>)
      %dma_wait3A_267 = arith.constant 8 : i32
      %dma_wait3A_268 = arith.constant 0 : i32
      %dma_wait3A_269 = tpu.memref_slice %arg7[%dma_wait3A_267, %dma_wait3A_268] : memref<24x4096xf32, #tpu.memory_space<vmem>> -> memref<8x4096xf32, #tpu.memory_space<vmem>>
      %dma_wait3A_270 = arith.constant 0 : i32
      %dma_wait3A_271 = tpu.memref_slice %arg4[%add3A_212, %dma_wait3A_270] : memref<8192x4096xf32, #tpu.memory_space<hbm>> -> memref<8x4096xf32, #tpu.memory_space<hbm>>
      %dma_wait3A_272 = arith.constant 0 : i32
      %dma_wait3A_273 = tpu.memref_slice %arg4[%add3A_212, %dma_wait3A_272] : memref<8192x4096xf32, #tpu.memory_space<hbm>> -> memref<8x4096xf32, #tpu.memory_space<hbm>>
      %dma_wait3A_274 = arith.constant 8 : i32
      %dma_wait3A_275 = arith.constant 0 : i32
      %dma_wait3A_276 = tpu.memref_slice %arg7[%dma_wait3A_274, %dma_wait3A_275] : memref<24x4096xf32, #tpu.memory_space<vmem>> -> memref<8x4096xf32, #tpu.memory_space<vmem>>
      tpu.wait_dma2 semaphore(%arg12 : memref<!tpu.dma_semaphore, #tpu.memory_space<semaphore_mem>>) src(%dma_wait3A_276 : memref<8x4096xf32, #tpu.memory_space<vmem>>) dst(%dma_wait3A_273 : memref<8x4096xf32, #tpu.memory_space<hbm>>)
      %add3A_277 = arith.constant 56 : i32
      %add3A_278 = arith.addi %mul3A_2, %add3A_277 : i32
      %dma_start3A_279 = arith.constant 8 : i32
      %dma_start3A_280 = arith.constant 0 : i32
      %dma_start3A_281 = tpu.memref_slice %arg7[%dma_start3A_279, %dma_start3A_280] : memref<24x4096xf32, #tpu.memory_space<vmem>> -> memref<8x4096xf32, #tpu.memory_space<vmem>>
      %dma_start3A_282 = arith.constant 0 : i32
      %dma_start3A_283 = tpu.memref_slice %arg3[%add3A_278, %dma_start3A_282] : memref<8192x4096xf32, #tpu.memory_space<hbm>> -> memref<8x4096xf32, #tpu.memory_space<hbm>>
      %dma_start3A_284 = arith.constant 8 : i32
      %dma_start3A_285 = arith.constant 0 : i32
      %dma_start3A_286 = tpu.memref_slice %arg7[%dma_start3A_284, %dma_start3A_285] : memref<24x4096xf32, #tpu.memory_space<vmem>> -> memref<8x4096xf32, #tpu.memory_space<vmem>>
      %dma_start3A_287 = arith.constant 0 : i32
      %dma_start3A_288 = tpu.memref_slice %arg3[%add3A_278, %dma_start3A_287] : memref<8192x4096xf32, #tpu.memory_space<hbm>> -> memref<8x4096xf32, #tpu.memory_space<hbm>>
      tpu.enqueue_dma source(%dma_start3A_288 : memref<8x4096xf32, #tpu.memory_space<hbm>>) target(%dma_start3A_286 : memref<8x4096xf32, #tpu.memory_space<vmem>>) target_semaphore(%arg9 : memref<!tpu.dma_semaphore, #tpu.memory_space<semaphore_mem>>)
      %dma_wait3A_289 = arith.constant 0 : i32
      %dma_wait3A_290 = arith.constant 0 : i32
      %dma_wait3A_291 = tpu.memref_slice %arg7[%dma_wait3A_289, %dma_wait3A_290] : memref<24x4096xf32, #tpu.memory_space<vmem>> -> memref<8x4096xf32, #tpu.memory_space<vmem>>
      %dma_wait3A_292 = arith.constant 0 : i32
      %dma_wait3A_293 = tpu.memref_slice %arg3[%add3A_234, %dma_wait3A_292] : memref<8192x4096xf32, #tpu.memory_space<hbm>> -> memref<8x4096xf32, #tpu.memory_space<hbm>>
      %dma_wait3A_294 = arith.constant 0 : i32
      %dma_wait3A_295 = arith.constant 0 : i32
      %dma_wait3A_296 = tpu.memref_slice %arg7[%dma_wait3A_294, %dma_wait3A_295] : memref<24x4096xf32, #tpu.memory_space<vmem>> -> memref<8x4096xf32, #tpu.memory_space<vmem>>
      %dma_wait3A_297 = arith.constant 0 : i32
      %dma_wait3A_298 = tpu.memref_slice %arg3[%add3A_234, %dma_wait3A_297] : memref<8192x4096xf32, #tpu.memory_space<hbm>> -> memref<8x4096xf32, #tpu.memory_space<hbm>>
      tpu.wait_dma2 semaphore(%arg8 : memref<!tpu.dma_semaphore, #tpu.memory_space<semaphore_mem>>) src(%dma_wait3A_298 : memref<8x4096xf32, #tpu.memory_space<hbm>>) dst(%dma_wait3A_296 : memref<8x4096xf32, #tpu.memory_space<vmem>>)
      %add3A_299 = arith.constant 48 : i32
      %add3A_300 = arith.addi %mul3A_2, %add3A_299 : i32
      %dma_start3A_301 = arith.constant 0 : i32
      %dma_start3A_302 = arith.constant 0 : i32
      %dma_start3A_303 = tpu.memref_slice %arg7[%dma_start3A_301, %dma_start3A_302] : memref<24x4096xf32, #tpu.memory_space<vmem>> -> memref<8x4096xf32, #tpu.memory_space<vmem>>
      %dma_start3A_304 = arith.constant 0 : i32
      %dma_start3A_305 = tpu.memref_slice %arg4[%add3A_300, %dma_start3A_304] : memref<8192x4096xf32, #tpu.memory_space<hbm>> -> memref<8x4096xf32, #tpu.memory_space<hbm>>
      %dma_start3A_306 = arith.constant 0 : i32
      %dma_start3A_307 = tpu.memref_slice %arg4[%add3A_300, %dma_start3A_306] : memref<8192x4096xf32, #tpu.memory_space<hbm>> -> memref<8x4096xf32, #tpu.memory_space<hbm>>
      %dma_start3A_308 = arith.constant 0 : i32
      %dma_start3A_309 = arith.constant 0 : i32
      %dma_start3A_310 = tpu.memref_slice %arg7[%dma_start3A_308, %dma_start3A_309] : memref<24x4096xf32, #tpu.memory_space<vmem>> -> memref<8x4096xf32, #tpu.memory_space<vmem>>
      tpu.enqueue_dma source(%dma_start3A_310 : memref<8x4096xf32, #tpu.memory_space<vmem>>) target(%dma_start3A_307 : memref<8x4096xf32, #tpu.memory_space<hbm>>) target_semaphore(%arg11 : memref<!tpu.dma_semaphore, #tpu.memory_space<semaphore_mem>>)
      %dma_wait3A_311 = arith.constant 16 : i32
      %dma_wait3A_312 = arith.constant 0 : i32
      %dma_wait3A_313 = tpu.memref_slice %arg7[%dma_wait3A_311, %dma_wait3A_312] : memref<24x4096xf32, #tpu.memory_space<vmem>> -> memref<8x4096xf32, #tpu.memory_space<vmem>>
      %dma_wait3A_314 = arith.constant 0 : i32
      %dma_wait3A_315 = tpu.memref_slice %arg4[%add3A_256, %dma_wait3A_314] : memref<8192x4096xf32, #tpu.memory_space<hbm>> -> memref<8x4096xf32, #tpu.memory_space<hbm>>
      %dma_wait3A_316 = arith.constant 0 : i32
      %dma_wait3A_317 = tpu.memref_slice %arg4[%add3A_256, %dma_wait3A_316] : memref<8192x4096xf32, #tpu.memory_space<hbm>> -> memref<8x4096xf32, #tpu.memory_space<hbm>>
      %dma_wait3A_318 = arith.constant 16 : i32
      %dma_wait3A_319 = arith.constant 0 : i32
      %dma_wait3A_320 = tpu.memref_slice %arg7[%dma_wait3A_318, %dma_wait3A_319] : memref<24x4096xf32, #tpu.memory_space<vmem>> -> memref<8x4096xf32, #tpu.memory_space<vmem>>
      tpu.wait_dma2 semaphore(%arg13 : memref<!tpu.dma_semaphore, #tpu.memory_space<semaphore_mem>>) src(%dma_wait3A_320 : memref<8x4096xf32, #tpu.memory_space<vmem>>) dst(%dma_wait3A_317 : memref<8x4096xf32, #tpu.memory_space<hbm>>)
      %add3A_321 = arith.constant 64 : i32
      %add3A_322 = arith.addi %mul3A_2, %add3A_321 : i32
      %dma_start3A_323 = arith.constant 16 : i32
      %dma_start3A_324 = arith.constant 0 : i32
      %dma_start3A_325 = tpu.memref_slice %arg7[%dma_start3A_323, %dma_start3A_324] : memref<24x4096xf32, #tpu.memory_space<vmem>> -> memref<8x4096xf32, #tpu.memory_space<vmem>>
      %dma_start3A_326 = arith.constant 0 : i32
      %dma_start3A_327 = tpu.memref_slice %arg3[%add3A_322, %dma_start3A_326] : memref<8192x4096xf32, #tpu.memory_space<hbm>> -> memref<8x4096xf32, #tpu.memory_space<hbm>>
      %dma_start3A_328 = arith.constant 16 : i32
      %dma_start3A_329 = arith.constant 0 : i32
      %dma_start3A_330 = tpu.memref_slice %arg7[%dma_start3A_328, %dma_start3A_329] : memref<24x4096xf32, #tpu.memory_space<vmem>> -> memref<8x4096xf32, #tpu.memory_space<vmem>>
      %dma_start3A_331 = arith.constant 0 : i32
      %dma_start3A_332 = tpu.memref_slice %arg3[%add3A_322, %dma_start3A_331] : memref<8192x4096xf32, #tpu.memory_space<hbm>> -> memref<8x4096xf32, #tpu.memory_space<hbm>>
      tpu.enqueue_dma source(%dma_start3A_332 : memref<8x4096xf32, #tpu.memory_space<hbm>>) target(%dma_start3A_330 : memref<8x4096xf32, #tpu.memory_space<vmem>>) target_semaphore(%arg10 : memref<!tpu.dma_semaphore, #tpu.memory_space<semaphore_mem>>)
      %dma_wait3A_333 = arith.constant 8 : i32
      %dma_wait3A_334 = arith.constant 0 : i32
      %dma_wait3A_335 = tpu.memref_slice %arg7[%dma_wait3A_333, %dma_wait3A_334] : memref<24x4096xf32, #tpu.memory_space<vmem>> -> memref<8x4096xf32, #tpu.memory_space<vmem>>
      %dma_wait3A_336 = arith.constant 0 : i32
      %dma_wait3A_337 = tpu.memref_slice %arg3[%add3A_278, %dma_wait3A_336] : memref<8192x4096xf32, #tpu.memory_space<hbm>> -> memref<8x4096xf32, #tpu.memory_space<hbm>>
      %dma_wait3A_338 = arith.constant 8 : i32
      %dma_wait3A_339 = arith.constant 0 : i32
      %dma_wait3A_340 = tpu.memref_slice %arg7[%dma_wait3A_338, %dma_wait3A_339] : memref<24x4096xf32, #tpu.memory_space<vmem>> -> memref<8x4096xf32, #tpu.memory_space<vmem>>
      %dma_wait3A_341 = arith.constant 0 : i32
      %dma_wait3A_342 = tpu.memref_slice %arg3[%add3A_278, %dma_wait3A_341] : memref<8192x4096xf32, #tpu.memory_space<hbm>> -> memref<8x4096xf32, #tpu.memory_space<hbm>>
      tpu.wait_dma2 semaphore(%arg9 : memref<!tpu.dma_semaphore, #tpu.memory_space<semaphore_mem>>) src(%dma_wait3A_342 : memref<8x4096xf32, #tpu.memory_space<hbm>>) dst(%dma_wait3A_340 : memref<8x4096xf32, #tpu.memory_space<vmem>>)
      %add3A_343 = arith.constant 56 : i32
      %add3A_344 = arith.addi %mul3A_2, %add3A_343 : i32
      %dma_start3A_345 = arith.constant 8 : i32
      %dma_start3A_346 = arith.constant 0 : i32
      %dma_start3A_347 = tpu.memref_slice %arg7[%dma_start3A_345, %dma_start3A_346] : memref<24x4096xf32, #tpu.memory_space<vmem>> -> memref<8x4096xf32, #tpu.memory_space<vmem>>
      %dma_start3A_348 = arith.constant 0 : i32
      %dma_start3A_349 = tpu.memref_slice %arg4[%add3A_344, %dma_start3A_348] : memref<8192x4096xf32, #tpu.memory_space<hbm>> -> memref<8x4096xf32, #tpu.memory_space<hbm>>
      %dma_start3A_350 = arith.constant 0 : i32
      %dma_start3A_351 = tpu.memref_slice %arg4[%add3A_344, %dma_start3A_350] : memref<8192x4096xf32, #tpu.memory_space<hbm>> -> memref<8x4096xf32, #tpu.memory_space<hbm>>
      %dma_start3A_352 = arith.constant 8 : i32
      %dma_start3A_353 = arith.constant 0 : i32
      %dma_start3A_354 = tpu.memref_slice %arg7[%dma_start3A_352, %dma_start3A_353] : memref<24x4096xf32, #tpu.memory_space<vmem>> -> memref<8x4096xf32, #tpu.memory_space<vmem>>
      tpu.enqueue_dma source(%dma_start3A_354 : memref<8x4096xf32, #tpu.memory_space<vmem>>) target(%dma_start3A_351 : memref<8x4096xf32, #tpu.memory_space<hbm>>) target_semaphore(%arg12 : memref<!tpu.dma_semaphore, #tpu.memory_space<semaphore_mem>>)
      %dma_wait3A_355 = arith.constant 0 : i32
      %dma_wait3A_356 = arith.constant 0 : i32
      %dma_wait3A_357 = tpu.memref_slice %arg7[%dma_wait3A_355, %dma_wait3A_356] : memref<24x4096xf32, #tpu.memory_space<vmem>> -> memref<8x4096xf32, #tpu.memory_space<vmem>>
      %dma_wait3A_358 = arith.constant 0 : i32
      %dma_wait3A_359 = tpu.memref_slice %arg4[%add3A_300, %dma_wait3A_358] : memref<8192x4096xf32, #tpu.memory_space<hbm>> -> memref<8x4096xf32, #tpu.memory_space<hbm>>
      %dma_wait3A_360 = arith.constant 0 : i32
      %dma_wait3A_361 = tpu.memref_slice %arg4[%add3A_300, %dma_wait3A_360] : memref<8192x4096xf32, #tpu.memory_space<hbm>> -> memref<8x4096xf32, #tpu.memory_space<hbm>>
      %dma_wait3A_362 = arith.constant 0 : i32
      %dma_wait3A_363 = arith.constant 0 : i32
      %dma_wait3A_364 = tpu.memref_slice %arg7[%dma_wait3A_362, %dma_wait3A_363] : memref<24x4096xf32, #tpu.memory_space<vmem>> -> memref<8x4096xf32, #tpu.memory_space<vmem>>
      tpu.wait_dma2 semaphore(%arg11 : memref<!tpu.dma_semaphore, #tpu.memory_space<semaphore_mem>>) src(%dma_wait3A_364 : memref<8x4096xf32, #tpu.memory_space<vmem>>) dst(%dma_wait3A_361 : memref<8x4096xf32, #tpu.memory_space<hbm>>)
      %add3A_365 = arith.constant 72 : i32
      %add3A_366 = arith.addi %mul3A_2, %add3A_365 : i32
      %dma_start3A_367 = arith.constant 0 : i32
      %dma_start3A_368 = arith.constant 0 : i32
      %dma_start3A_369 = tpu.memref_slice %arg7[%dma_start3A_367, %dma_start3A_368] : memref<24x4096xf32, #tpu.memory_space<vmem>> -> memref<8x4096xf32, #tpu.memory_space<vmem>>
      %dma_start3A_370 = arith.constant 0 : i32
      %dma_start3A_371 = tpu.memref_slice %arg3[%add3A_366, %dma_start3A_370] : memref<8192x4096xf32, #tpu.memory_space<hbm>> -> memref<8x4096xf32, #tpu.memory_space<hbm>>
      %dma_start3A_372 = arith.constant 0 : i32
      %dma_start3A_373 = arith.constant 0 : i32
      %dma_start3A_374 = tpu.memref_slice %arg7[%dma_start3A_372, %dma_start3A_373] : memref<24x4096xf32, #tpu.memory_space<vmem>> -> memref<8x4096xf32, #tpu.memory_space<vmem>>
      %dma_start3A_375 = arith.constant 0 : i32
      %dma_start3A_376 = tpu.memref_slice %arg3[%add3A_366, %dma_start3A_375] : memref<8192x4096xf32, #tpu.memory_space<hbm>> -> memref<8x4096xf32, #tpu.memory_space<hbm>>
      tpu.enqueue_dma source(%dma_start3A_376 : memref<8x4096xf32, #tpu.memory_space<hbm>>) target(%dma_start3A_374 : memref<8x4096xf32, #tpu.memory_space<vmem>>) target_semaphore(%arg8 : memref<!tpu.dma_semaphore, #tpu.memory_space<semaphore_mem>>)
      %dma_wait3A_377 = arith.constant 16 : i32
      %dma_wait3A_378 = arith.constant 0 : i32
      %dma_wait3A_379 = tpu.memref_slice %arg7[%dma_wait3A_377, %dma_wait3A_378] : memref<24x4096xf32, #tpu.memory_space<vmem>> -> memref<8x4096xf32, #tpu.memory_space<vmem>>
      %dma_wait3A_380 = arith.constant 0 : i32
      %dma_wait3A_381 = tpu.memref_slice %arg3[%add3A_322, %dma_wait3A_380] : memref<8192x4096xf32, #tpu.memory_space<hbm>> -> memref<8x4096xf32, #tpu.memory_space<hbm>>
      %dma_wait3A_382 = arith.constant 16 : i32
      %dma_wait3A_383 = arith.constant 0 : i32
      %dma_wait3A_384 = tpu.memref_slice %arg7[%dma_wait3A_382, %dma_wait3A_383] : memref<24x4096xf32, #tpu.memory_space<vmem>> -> memref<8x4096xf32, #tpu.memory_space<vmem>>
      %dma_wait3A_385 = arith.constant 0 : i32
      %dma_wait3A_386 = tpu.memref_slice %arg3[%add3A_322, %dma_wait3A_385] : memref<8192x4096xf32, #tpu.memory_space<hbm>> -> memref<8x4096xf32, #tpu.memory_space<hbm>>
      tpu.wait_dma2 semaphore(%arg10 : memref<!tpu.dma_semaphore, #tpu.memory_space<semaphore_mem>>) src(%dma_wait3A_386 : memref<8x4096xf32, #tpu.memory_space<hbm>>) dst(%dma_wait3A_384 : memref<8x4096xf32, #tpu.memory_space<vmem>>)
      %add3A_387 = arith.constant 64 : i32
      %add3A_388 = arith.addi %mul3A_2, %add3A_387 : i32
      %dma_start3A_389 = arith.constant 16 : i32
      %dma_start3A_390 = arith.constant 0 : i32
      %dma_start3A_391 = tpu.memref_slice %arg7[%dma_start3A_389, %dma_start3A_390] : memref<24x4096xf32, #tpu.memory_space<vmem>> -> memref<8x4096xf32, #tpu.memory_space<vmem>>
      %dma_start3A_392 = arith.constant 0 : i32
      %dma_start3A_393 = tpu.memref_slice %arg4[%add3A_388, %dma_start3A_392] : memref<8192x4096xf32, #tpu.memory_space<hbm>> -> memref<8x4096xf32, #tpu.memory_space<hbm>>
      %dma_start3A_394 = arith.constant 0 : i32
      %dma_start3A_395 = tpu.memref_slice %arg4[%add3A_388, %dma_start3A_394] : memref<8192x4096xf32, #tpu.memory_space<hbm>> -> memref<8x4096xf32, #tpu.memory_space<hbm>>
      %dma_start3A_396 = arith.constant 16 : i32
      %dma_start3A_397 = arith.constant 0 : i32
      %dma_start3A_398 = tpu.memref_slice %arg7[%dma_start3A_396, %dma_start3A_397] : memref<24x4096xf32, #tpu.memory_space<vmem>> -> memref<8x4096xf32, #tpu.memory_space<vmem>>
      tpu.enqueue_dma source(%dma_start3A_398 : memref<8x4096xf32, #tpu.memory_space<vmem>>) target(%dma_start3A_395 : memref<8x4096xf32, #tpu.memory_space<hbm>>) target_semaphore(%arg13 : memref<!tpu.dma_semaphore, #tpu.memory_space<semaphore_mem>>)
      %dma_wait3A_399 = arith.constant 8 : i32
      %dma_wait3A_400 = arith.constant 0 : i32
      %dma_wait3A_401 = tpu.memref_slice %arg7[%dma_wait3A_399, %dma_wait3A_400] : memref<24x4096xf32, #tpu.memory_space<vmem>> -> memref<8x4096xf32, #tpu.memory_space<vmem>>
      %dma_wait3A_402 = arith.constant 0 : i32
      %dma_wait3A_403 = tpu.memref_slice %arg4[%add3A_344, %dma_wait3A_402] : memref<8192x4096xf32, #tpu.memory_space<hbm>> -> memref<8x4096xf32, #tpu.memory_space<hbm>>
      %dma_wait3A_404 = arith.constant 0 : i32
      %dma_wait3A_405 = tpu.memref_slice %arg4[%add3A_344, %dma_wait3A_404] : memref<8192x4096xf32, #tpu.memory_space<hbm>> -> memref<8x4096xf32, #tpu.memory_space<hbm>>
      %dma_wait3A_406 = arith.constant 8 : i32
      %dma_wait3A_407 = arith.constant 0 : i32
      %dma_wait3A_408 = tpu.memref_slice %arg7[%dma_wait3A_406, %dma_wait3A_407] : memref<24x4096xf32, #tpu.memory_space<vmem>> -> memref<8x4096xf32, #tpu.memory_space<vmem>>
      tpu.wait_dma2 semaphore(%arg12 : memref<!tpu.dma_semaphore, #tpu.memory_space<semaphore_mem>>) src(%dma_wait3A_408 : memref<8x4096xf32, #tpu.memory_space<vmem>>) dst(%dma_wait3A_405 : memref<8x4096xf32, #tpu.memory_space<hbm>>)
      %add3A_409 = arith.constant 80 : i32
      %add3A_410 = arith.addi %mul3A_2, %add3A_409 : i32
      %dma_start3A_411 = arith.constant 8 : i32
      %dma_start3A_412 = arith.constant 0 : i32
      %dma_start3A_413 = tpu.memref_slice %arg7[%dma_start3A_411, %dma_start3A_412] : memref<24x4096xf32, #tpu.memory_space<vmem>> -> memref<8x4096xf32, #tpu.memory_space<vmem>>
      %dma_start3A_414 = arith.constant 0 : i32
      %dma_start3A_415 = tpu.memref_slice %arg3[%add3A_410, %dma_start3A_414] : memref<8192x4096xf32, #tpu.memory_space<hbm>> -> memref<8x4096xf32, #tpu.memory_space<hbm>>
      %dma_start3A_416 = arith.constant 8 : i32
      %dma_start3A_417 = arith.constant 0 : i32
      %dma_start3A_418 = tpu.memref_slice %arg7[%dma_start3A_416, %dma_start3A_417] : memref<24x4096xf32, #tpu.memory_space<vmem>> -> memref<8x4096xf32, #tpu.memory_space<vmem>>
      %dma_start3A_419 = arith.constant 0 : i32
      %dma_start3A_420 = tpu.memref_slice %arg3[%add3A_410, %dma_start3A_419] : memref<8192x4096xf32, #tpu.memory_space<hbm>> -> memref<8x4096xf32, #tpu.memory_space<hbm>>
      tpu.enqueue_dma source(%dma_start3A_420 : memref<8x4096xf32, #tpu.memory_space<hbm>>) target(%dma_start3A_418 : memref<8x4096xf32, #tpu.memory_space<vmem>>) target_semaphore(%arg9 : memref<!tpu.dma_semaphore, #tpu.memory_space<semaphore_mem>>)
      %dma_wait3A_421 = arith.constant 0 : i32
      %dma_wait3A_422 = arith.constant 0 : i32
      %dma_wait3A_423 = tpu.memref_slice %arg7[%dma_wait3A_421, %dma_wait3A_422] : memref<24x4096xf32, #tpu.memory_space<vmem>> -> memref<8x4096xf32, #tpu.memory_space<vmem>>
      %dma_wait3A_424 = arith.constant 0 : i32
      %dma_wait3A_425 = tpu.memref_slice %arg3[%add3A_366, %dma_wait3A_424] : memref<8192x4096xf32, #tpu.memory_space<hbm>> -> memref<8x4096xf32, #tpu.memory_space<hbm>>
      %dma_wait3A_426 = arith.constant 0 : i32
      %dma_wait3A_427 = arith.constant 0 : i32
      %dma_wait3A_428 = tpu.memref_slice %arg7[%dma_wait3A_426, %dma_wait3A_427] : memref<24x4096xf32, #tpu.memory_space<vmem>> -> memref<8x4096xf32, #tpu.memory_space<vmem>>
      %dma_wait3A_429 = arith.constant 0 : i32
      %dma_wait3A_430 = tpu.memref_slice %arg3[%add3A_366, %dma_wait3A_429] : memref<8192x4096xf32, #tpu.memory_space<hbm>> -> memref<8x4096xf32, #tpu.memory_space<hbm>>
      tpu.wait_dma2 semaphore(%arg8 : memref<!tpu.dma_semaphore, #tpu.memory_space<semaphore_mem>>) src(%dma_wait3A_430 : memref<8x4096xf32, #tpu.memory_space<hbm>>) dst(%dma_wait3A_428 : memref<8x4096xf32, #tpu.memory_space<vmem>>)
      %add3A_431 = arith.constant 72 : i32
      %add3A_432 = arith.addi %mul3A_2, %add3A_431 : i32
      %dma_start3A_433 = arith.constant 0 : i32
      %dma_start3A_434 = arith.constant 0 : i32
      %dma_start3A_435 = tpu.memref_slice %arg7[%dma_start3A_433, %dma_start3A_434] : memref<24x4096xf32, #tpu.memory_space<vmem>> -> memref<8x4096xf32, #tpu.memory_space<vmem>>
      %dma_start3A_436 = arith.constant 0 : i32
      %dma_start3A_437 = tpu.memref_slice %arg4[%add3A_432, %dma_start3A_436] : memref<8192x4096xf32, #tpu.memory_space<hbm>> -> memref<8x4096xf32, #tpu.memory_space<hbm>>
      %dma_start3A_438 = arith.constant 0 : i32
      %dma_start3A_439 = tpu.memref_slice %arg4[%add3A_432, %dma_start3A_438] : memref<8192x4096xf32, #tpu.memory_space<hbm>> -> memref<8x4096xf32, #tpu.memory_space<hbm>>
      %dma_start3A_440 = arith.constant 0 : i32
      %dma_start3A_441 = arith.constant 0 : i32
      %dma_start3A_442 = tpu.memref_slice %arg7[%dma_start3A_440, %dma_start3A_441] : memref<24x4096xf32, #tpu.memory_space<vmem>> -> memref<8x4096xf32, #tpu.memory_space<vmem>>
      tpu.enqueue_dma source(%dma_start3A_442 : memref<8x4096xf32, #tpu.memory_space<vmem>>) target(%dma_start3A_439 : memref<8x4096xf32, #tpu.memory_space<hbm>>) target_semaphore(%arg11 : memref<!tpu.dma_semaphore, #tpu.memory_space<semaphore_mem>>)
      %dma_wait3A_443 = arith.constant 16 : i32
      %dma_wait3A_444 = arith.constant 0 : i32
      %dma_wait3A_445 = tpu.memref_slice %arg7[%dma_wait3A_443, %dma_wait3A_444] : memref<24x4096xf32, #tpu.memory_space<vmem>> -> memref<8x4096xf32, #tpu.memory_space<vmem>>
      %dma_wait3A_446 = arith.constant 0 : i32
      %dma_wait3A_447 = tpu.memref_slice %arg4[%add3A_388, %dma_wait3A_446] : memref<8192x4096xf32, #tpu.memory_space<hbm>> -> memref<8x4096xf32, #tpu.memory_space<hbm>>
      %dma_wait3A_448 = arith.constant 0 : i32
      %dma_wait3A_449 = tpu.memref_slice %arg4[%add3A_388, %dma_wait3A_448] : memref<8192x4096xf32, #tpu.memory_space<hbm>> -> memref<8x4096xf32, #tpu.memory_space<hbm>>
      %dma_wait3A_450 = arith.constant 16 : i32
      %dma_wait3A_451 = arith.constant 0 : i32
      %dma_wait3A_452 = tpu.memref_slice %arg7[%dma_wait3A_450, %dma_wait3A_451] : memref<24x4096xf32, #tpu.memory_space<vmem>> -> memref<8x4096xf32, #tpu.memory_space<vmem>>
      tpu.wait_dma2 semaphore(%arg13 : memref<!tpu.dma_semaphore, #tpu.memory_space<semaphore_mem>>) src(%dma_wait3A_452 : memref<8x4096xf32, #tpu.memory_space<vmem>>) dst(%dma_wait3A_449 : memref<8x4096xf32, #tpu.memory_space<hbm>>)
      %add3A_453 = arith.constant 88 : i32
      %add3A_454 = arith.addi %mul3A_2, %add3A_453 : i32
      %dma_start3A_455 = arith.constant 16 : i32
      %dma_start3A_456 = arith.constant 0 : i32
      %dma_start3A_457 = tpu.memref_slice %arg7[%dma_start3A_455, %dma_start3A_456] : memref<24x4096xf32, #tpu.memory_space<vmem>> -> memref<8x4096xf32, #tpu.memory_space<vmem>>
      %dma_start3A_458 = arith.constant 0 : i32
      %dma_start3A_459 = tpu.memref_slice %arg3[%add3A_454, %dma_start3A_458] : memref<8192x4096xf32, #tpu.memory_space<hbm>> -> memref<8x4096xf32, #tpu.memory_space<hbm>>
      %dma_start3A_460 = arith.constant 16 : i32
      %dma_start3A_461 = arith.constant 0 : i32
      %dma_start3A_462 = tpu.memref_slice %arg7[%dma_start3A_460, %dma_start3A_461] : memref<24x4096xf32, #tpu.memory_space<vmem>> -> memref<8x4096xf32, #tpu.memory_space<vmem>>
      %dma_start3A_463 = arith.constant 0 : i32
      %dma_start3A_464 = tpu.memref_slice %arg3[%add3A_454, %dma_start3A_463] : memref<8192x4096xf32, #tpu.memory_space<hbm>> -> memref<8x4096xf32, #tpu.memory_space<hbm>>
      tpu.enqueue_dma source(%dma_start3A_464 : memref<8x4096xf32, #tpu.memory_space<hbm>>) target(%dma_start3A_462 : memref<8x4096xf32, #tpu.memory_space<vmem>>) target_semaphore(%arg10 : memref<!tpu.dma_semaphore, #tpu.memory_space<semaphore_mem>>)
      %dma_wait3A_465 = arith.constant 8 : i32
      %dma_wait3A_466 = arith.constant 0 : i32
      %dma_wait3A_467 = tpu.memref_slice %arg7[%dma_wait3A_465, %dma_wait3A_466] : memref<24x4096xf32, #tpu.memory_space<vmem>> -> memref<8x4096xf32, #tpu.memory_space<vmem>>
      %dma_wait3A_468 = arith.constant 0 : i32
      %dma_wait3A_469 = tpu.memref_slice %arg3[%add3A_410, %dma_wait3A_468] : memref<8192x4096xf32, #tpu.memory_space<hbm>> -> memref<8x4096xf32, #tpu.memory_space<hbm>>
      %dma_wait3A_470 = arith.constant 8 : i32
      %dma_wait3A_471 = arith.constant 0 : i32
      %dma_wait3A_472 = tpu.memref_slice %arg7[%dma_wait3A_470, %dma_wait3A_471] : memref<24x4096xf32, #tpu.memory_space<vmem>> -> memref<8x4096xf32, #tpu.memory_space<vmem>>
      %dma_wait3A_473 = arith.constant 0 : i32
      %dma_wait3A_474 = tpu.memref_slice %arg3[%add3A_410, %dma_wait3A_473] : memref<8192x4096xf32, #tpu.memory_space<hbm>> -> memref<8x4096xf32, #tpu.memory_space<hbm>>
      tpu.wait_dma2 semaphore(%arg9 : memref<!tpu.dma_semaphore, #tpu.memory_space<semaphore_mem>>) src(%dma_wait3A_474 : memref<8x4096xf32, #tpu.memory_space<hbm>>) dst(%dma_wait3A_472 : memref<8x4096xf32, #tpu.memory_space<vmem>>)
      %add3A_475 = arith.constant 80 : i32
      %add3A_476 = arith.addi %mul3A_2, %add3A_475 : i32
      %dma_start3A_477 = arith.constant 8 : i32
      %dma_start3A_478 = arith.constant 0 : i32
      %dma_start3A_479 = tpu.memref_slice %arg7[%dma_start3A_477, %dma_start3A_478] : memref<24x4096xf32, #tpu.memory_space<vmem>> -> memref<8x4096xf32, #tpu.memory_space<vmem>>
      %dma_start3A_480 = arith.constant 0 : i32
      %dma_start3A_481 = tpu.memref_slice %arg4[%add3A_476, %dma_start3A_480] : memref<8192x4096xf32, #tpu.memory_space<hbm>> -> memref<8x4096xf32, #tpu.memory_space<hbm>>
      %dma_start3A_482 = arith.constant 0 : i32
      %dma_start3A_483 = tpu.memref_slice %arg4[%add3A_476, %dma_start3A_482] : memref<8192x4096xf32, #tpu.memory_space<hbm>> -> memref<8x4096xf32, #tpu.memory_space<hbm>>
      %dma_start3A_484 = arith.constant 8 : i32
      %dma_start3A_485 = arith.constant 0 : i32
      %dma_start3A_486 = tpu.memref_slice %arg7[%dma_start3A_484, %dma_start3A_485] : memref<24x4096xf32, #tpu.memory_space<vmem>> -> memref<8x4096xf32, #tpu.memory_space<vmem>>
      tpu.enqueue_dma source(%dma_start3A_486 : memref<8x4096xf32, #tpu.memory_space<vmem>>) target(%dma_start3A_483 : memref<8x4096xf32, #tpu.memory_space<hbm>>) target_semaphore(%arg12 : memref<!tpu.dma_semaphore, #tpu.memory_space<semaphore_mem>>)
      %dma_wait3A_487 = arith.constant 0 : i32
      %dma_wait3A_488 = arith.constant 0 : i32
      %dma_wait3A_489 = tpu.memref_slice %arg7[%dma_wait3A_487, %dma_wait3A_488] : memref<24x4096xf32, #tpu.memory_space<vmem>> -> memref<8x4096xf32, #tpu.memory_space<vmem>>
      %dma_wait3A_490 = arith.constant 0 : i32
      %dma_wait3A_491 = tpu.memref_slice %arg4[%add3A_432, %dma_wait3A_490] : memref<8192x4096xf32, #tpu.memory_space<hbm>> -> memref<8x4096xf32, #tpu.memory_space<hbm>>
      %dma_wait3A_492 = arith.constant 0 : i32
      %dma_wait3A_493 = tpu.memref_slice %arg4[%add3A_432, %dma_wait3A_492] : memref<8192x4096xf32, #tpu.memory_space<hbm>> -> memref<8x4096xf32, #tpu.memory_space<hbm>>
      %dma_wait3A_494 = arith.constant 0 : i32
      %dma_wait3A_495 = arith.constant 0 : i32
      %dma_wait3A_496 = tpu.memref_slice %arg7[%dma_wait3A_494, %dma_wait3A_495] : memref<24x4096xf32, #tpu.memory_space<vmem>> -> memref<8x4096xf32, #tpu.memory_space<vmem>>
      tpu.wait_dma2 semaphore(%arg11 : memref<!tpu.dma_semaphore, #tpu.memory_space<semaphore_mem>>) src(%dma_wait3A_496 : memref<8x4096xf32, #tpu.memory_space<vmem>>) dst(%dma_wait3A_493 : memref<8x4096xf32, #tpu.memory_space<hbm>>)
      %add3A_497 = arith.constant 96 : i32
      %add3A_498 = arith.addi %mul3A_2, %add3A_497 : i32
      %dma_start3A_499 = arith.constant 0 : i32
      %dma_start3A_500 = arith.constant 0 : i32
      %dma_start3A_501 = tpu.memref_slice %arg7[%dma_start3A_499, %dma_start3A_500] : memref<24x4096xf32, #tpu.memory_space<vmem>> -> memref<8x4096xf32, #tpu.memory_space<vmem>>
      %dma_start3A_502 = arith.constant 0 : i32
      %dma_start3A_503 = tpu.memref_slice %arg3[%add3A_498, %dma_start3A_502] : memref<8192x4096xf32, #tpu.memory_space<hbm>> -> memref<8x4096xf32, #tpu.memory_space<hbm>>
      %dma_start3A_504 = arith.constant 0 : i32
      %dma_start3A_505 = arith.constant 0 : i32
      %dma_start3A_506 = tpu.memref_slice %arg7[%dma_start3A_504, %dma_start3A_505] : memref<24x4096xf32, #tpu.memory_space<vmem>> -> memref<8x4096xf32, #tpu.memory_space<vmem>>
      %dma_start3A_507 = arith.constant 0 : i32
      %dma_start3A_508 = tpu.memref_slice %arg3[%add3A_498, %dma_start3A_507] : memref<8192x4096xf32, #tpu.memory_space<hbm>> -> memref<8x4096xf32, #tpu.memory_space<hbm>>
      tpu.enqueue_dma source(%dma_start3A_508 : memref<8x4096xf32, #tpu.memory_space<hbm>>) target(%dma_start3A_506 : memref<8x4096xf32, #tpu.memory_space<vmem>>) target_semaphore(%arg8 : memref<!tpu.dma_semaphore, #tpu.memory_space<semaphore_mem>>)
      %dma_wait3A_509 = arith.constant 16 : i32
      %dma_wait3A_510 = arith.constant 0 : i32
      %dma_wait3A_511 = tpu.memref_slice %arg7[%dma_wait3A_509, %dma_wait3A_510] : memref<24x4096xf32, #tpu.memory_space<vmem>> -> memref<8x4096xf32, #tpu.memory_space<vmem>>
      %dma_wait3A_512 = arith.constant 0 : i32
      %dma_wait3A_513 = tpu.memref_slice %arg3[%add3A_454, %dma_wait3A_512] : memref<8192x4096xf32, #tpu.memory_space<hbm>> -> memref<8x4096xf32, #tpu.memory_space<hbm>>
      %dma_wait3A_514 = arith.constant 16 : i32
      %dma_wait3A_515 = arith.constant 0 : i32
      %dma_wait3A_516 = tpu.memref_slice %arg7[%dma_wait3A_514, %dma_wait3A_515] : memref<24x4096xf32, #tpu.memory_space<vmem>> -> memref<8x4096xf32, #tpu.memory_space<vmem>>
      %dma_wait3A_517 = arith.constant 0 : i32
      %dma_wait3A_518 = tpu.memref_slice %arg3[%add3A_454, %dma_wait3A_517] : memref<8192x4096xf32, #tpu.memory_space<hbm>> -> memref<8x4096xf32, #tpu.memory_space<hbm>>
      tpu.wait_dma2 semaphore(%arg10 : memref<!tpu.dma_semaphore, #tpu.memory_space<semaphore_mem>>) src(%dma_wait3A_518 : memref<8x4096xf32, #tpu.memory_space<hbm>>) dst(%dma_wait3A_516 : memref<8x4096xf32, #tpu.memory_space<vmem>>)
      %add3A_519 = arith.constant 88 : i32
      %add3A_520 = arith.addi %mul3A_2, %add3A_519 : i32
      %dma_start3A_521 = arith.constant 16 : i32
      %dma_start3A_522 = arith.constant 0 : i32
      %dma_start3A_523 = tpu.memref_slice %arg7[%dma_start3A_521, %dma_start3A_522] : memref<24x4096xf32, #tpu.memory_space<vmem>> -> memref<8x4096xf32, #tpu.memory_space<vmem>>
      %dma_start3A_524 = arith.constant 0 : i32
      %dma_start3A_525 = tpu.memref_slice %arg4[%add3A_520, %dma_start3A_524] : memref<8192x4096xf32, #tpu.memory_space<hbm>> -> memref<8x4096xf32, #tpu.memory_space<hbm>>
      %dma_start3A_526 = arith.constant 0 : i32
      %dma_start3A_527 = tpu.memref_slice %arg4[%add3A_520, %dma_start3A_526] : memref<8192x4096xf32, #tpu.memory_space<hbm>> -> memref<8x4096xf32, #tpu.memory_space<hbm>>
      %dma_start3A_528 = arith.constant 16 : i32
      %dma_start3A_529 = arith.constant 0 : i32
      %dma_start3A_530 = tpu.memref_slice %arg7[%dma_start3A_528, %dma_start3A_529] : memref<24x4096xf32, #tpu.memory_space<vmem>> -> memref<8x4096xf32, #tpu.memory_space<vmem>>
      tpu.enqueue_dma source(%dma_start3A_530 : memref<8x4096xf32, #tpu.memory_space<vmem>>) target(%dma_start3A_527 : memref<8x4096xf32, #tpu.memory_space<hbm>>) target_semaphore(%arg13 : memref<!tpu.dma_semaphore, #tpu.memory_space<semaphore_mem>>)
      %dma_wait3A_531 = arith.constant 8 : i32
      %dma_wait3A_532 = arith.constant 0 : i32
      %dma_wait3A_533 = tpu.memref_slice %arg7[%dma_wait3A_531, %dma_wait3A_532] : memref<24x4096xf32, #tpu.memory_space<vmem>> -> memref<8x4096xf32, #tpu.memory_space<vmem>>
      %dma_wait3A_534 = arith.constant 0 : i32
      %dma_wait3A_535 = tpu.memref_slice %arg4[%add3A_476, %dma_wait3A_534] : memref<8192x4096xf32, #tpu.memory_space<hbm>> -> memref<8x4096xf32, #tpu.memory_space<hbm>>
      %dma_wait3A_536 = arith.constant 0 : i32
      %dma_wait3A_537 = tpu.memref_slice %arg4[%add3A_476, %dma_wait3A_536] : memref<8192x4096xf32, #tpu.memory_space<hbm>> -> memref<8x4096xf32, #tpu.memory_space<hbm>>
      %dma_wait3A_538 = arith.constant 8 : i32
      %dma_wait3A_539 = arith.constant 0 : i32
      %dma_wait3A_540 = tpu.memref_slice %arg7[%dma_wait3A_538, %dma_wait3A_539] : memref<24x4096xf32, #tpu.memory_space<vmem>> -> memref<8x4096xf32, #tpu.memory_space<vmem>>
      tpu.wait_dma2 semaphore(%arg12 : memref<!tpu.dma_semaphore, #tpu.memory_space<semaphore_mem>>) src(%dma_wait3A_540 : memref<8x4096xf32, #tpu.memory_space<vmem>>) dst(%dma_wait3A_537 : memref<8x4096xf32, #tpu.memory_space<hbm>>)
      %add3A_541 = arith.constant 104 : i32
      %add3A_542 = arith.addi %mul3A_2, %add3A_541 : i32
      %dma_start3A_543 = arith.constant 8 : i32
      %dma_start3A_544 = arith.constant 0 : i32
      %dma_start3A_545 = tpu.memref_slice %arg7[%dma_start3A_543, %dma_start3A_544] : memref<24x4096xf32, #tpu.memory_space<vmem>> -> memref<8x4096xf32, #tpu.memory_space<vmem>>
      %dma_start3A_546 = arith.constant 0 : i32
      %dma_start3A_547 = tpu.memref_slice %arg3[%add3A_542, %dma_start3A_546] : memref<8192x4096xf32, #tpu.memory_space<hbm>> -> memref<8x4096xf32, #tpu.memory_space<hbm>>
      %dma_start3A_548 = arith.constant 8 : i32
      %dma_start3A_549 = arith.constant 0 : i32
      %dma_start3A_550 = tpu.memref_slice %arg7[%dma_start3A_548, %dma_start3A_549] : memref<24x4096xf32, #tpu.memory_space<vmem>> -> memref<8x4096xf32, #tpu.memory_space<vmem>>
      %dma_start3A_551 = arith.constant 0 : i32
      %dma_start3A_552 = tpu.memref_slice %arg3[%add3A_542, %dma_start3A_551] : memref<8192x4096xf32, #tpu.memory_space<hbm>> -> memref<8x4096xf32, #tpu.memory_space<hbm>>
      tpu.enqueue_dma source(%dma_start3A_552 : memref<8x4096xf32, #tpu.memory_space<hbm>>) target(%dma_start3A_550 : memref<8x4096xf32, #tpu.memory_space<vmem>>) target_semaphore(%arg9 : memref<!tpu.dma_semaphore, #tpu.memory_space<semaphore_mem>>)
      %dma_wait3A_553 = arith.constant 0 : i32
      %dma_wait3A_554 = arith.constant 0 : i32
      %dma_wait3A_555 = tpu.memref_slice %arg7[%dma_wait3A_553, %dma_wait3A_554] : memref<24x4096xf32, #tpu.memory_space<vmem>> -> memref<8x4096xf32, #tpu.memory_space<vmem>>
      %dma_wait3A_556 = arith.constant 0 : i32
      %dma_wait3A_557 = tpu.memref_slice %arg3[%add3A_498, %dma_wait3A_556] : memref<8192x4096xf32, #tpu.memory_space<hbm>> -> memref<8x4096xf32, #tpu.memory_space<hbm>>
      %dma_wait3A_558 = arith.constant 0 : i32
      %dma_wait3A_559 = arith.constant 0 : i32
      %dma_wait3A_560 = tpu.memref_slice %arg7[%dma_wait3A_558, %dma_wait3A_559] : memref<24x4096xf32, #tpu.memory_space<vmem>> -> memref<8x4096xf32, #tpu.memory_space<vmem>>
      %dma_wait3A_561 = arith.constant 0 : i32
      %dma_wait3A_562 = tpu.memref_slice %arg3[%add3A_498, %dma_wait3A_561] : memref<8192x4096xf32, #tpu.memory_space<hbm>> -> memref<8x4096xf32, #tpu.memory_space<hbm>>
      tpu.wait_dma2 semaphore(%arg8 : memref<!tpu.dma_semaphore, #tpu.memory_space<semaphore_mem>>) src(%dma_wait3A_562 : memref<8x4096xf32, #tpu.memory_space<hbm>>) dst(%dma_wait3A_560 : memref<8x4096xf32, #tpu.memory_space<vmem>>)
      %add3A_563 = arith.constant 96 : i32
      %add3A_564 = arith.addi %mul3A_2, %add3A_563 : i32
      %dma_start3A_565 = arith.constant 0 : i32
      %dma_start3A_566 = arith.constant 0 : i32
      %dma_start3A_567 = tpu.memref_slice %arg7[%dma_start3A_565, %dma_start3A_566] : memref<24x4096xf32, #tpu.memory_space<vmem>> -> memref<8x4096xf32, #tpu.memory_space<vmem>>
      %dma_start3A_568 = arith.constant 0 : i32
      %dma_start3A_569 = tpu.memref_slice %arg4[%add3A_564, %dma_start3A_568] : memref<8192x4096xf32, #tpu.memory_space<hbm>> -> memref<8x4096xf32, #tpu.memory_space<hbm>>
      %dma_start3A_570 = arith.constant 0 : i32
      %dma_start3A_571 = tpu.memref_slice %arg4[%add3A_564, %dma_start3A_570] : memref<8192x4096xf32, #tpu.memory_space<hbm>> -> memref<8x4096xf32, #tpu.memory_space<hbm>>
      %dma_start3A_572 = arith.constant 0 : i32
      %dma_start3A_573 = arith.constant 0 : i32
      %dma_start3A_574 = tpu.memref_slice %arg7[%dma_start3A_572, %dma_start3A_573] : memref<24x4096xf32, #tpu.memory_space<vmem>> -> memref<8x4096xf32, #tpu.memory_space<vmem>>
      tpu.enqueue_dma source(%dma_start3A_574 : memref<8x4096xf32, #tpu.memory_space<vmem>>) target(%dma_start3A_571 : memref<8x4096xf32, #tpu.memory_space<hbm>>) target_semaphore(%arg11 : memref<!tpu.dma_semaphore, #tpu.memory_space<semaphore_mem>>)
      %dma_wait3A_575 = arith.constant 16 : i32
      %dma_wait3A_576 = arith.constant 0 : i32
      %dma_wait3A_577 = tpu.memref_slice %arg7[%dma_wait3A_575, %dma_wait3A_576] : memref<24x4096xf32, #tpu.memory_space<vmem>> -> memref<8x4096xf32, #tpu.memory_space<vmem>>
      %dma_wait3A_578 = arith.constant 0 : i32
      %dma_wait3A_579 = tpu.memref_slice %arg4[%add3A_520, %dma_wait3A_578] : memref<8192x4096xf32, #tpu.memory_space<hbm>> -> memref<8x4096xf32, #tpu.memory_space<hbm>>
      %dma_wait3A_580 = arith.constant 0 : i32
      %dma_wait3A_581 = tpu.memref_slice %arg4[%add3A_520, %dma_wait3A_580] : memref<8192x4096xf32, #tpu.memory_space<hbm>> -> memref<8x4096xf32, #tpu.memory_space<hbm>>
      %dma_wait3A_582 = arith.constant 16 : i32
      %dma_wait3A_583 = arith.constant 0 : i32
      %dma_wait3A_584 = tpu.memref_slice %arg7[%dma_wait3A_582, %dma_wait3A_583] : memref<24x4096xf32, #tpu.memory_space<vmem>> -> memref<8x4096xf32, #tpu.memory_space<vmem>>
      tpu.wait_dma2 semaphore(%arg13 : memref<!tpu.dma_semaphore, #tpu.memory_space<semaphore_mem>>) src(%dma_wait3A_584 : memref<8x4096xf32, #tpu.memory_space<vmem>>) dst(%dma_wait3A_581 : memref<8x4096xf32, #tpu.memory_space<hbm>>)
      %add3A_585 = arith.constant 112 : i32
      %add3A_586 = arith.addi %mul3A_2, %add3A_585 : i32
      %dma_start3A_587 = arith.constant 16 : i32
      %dma_start3A_588 = arith.constant 0 : i32
      %dma_start3A_589 = tpu.memref_slice %arg7[%dma_start3A_587, %dma_start3A_588] : memref<24x4096xf32, #tpu.memory_space<vmem>> -> memref<8x4096xf32, #tpu.memory_space<vmem>>
      %dma_start3A_590 = arith.constant 0 : i32
      %dma_start3A_591 = tpu.memref_slice %arg3[%add3A_586, %dma_start3A_590] : memref<8192x4096xf32, #tpu.memory_space<hbm>> -> memref<8x4096xf32, #tpu.memory_space<hbm>>
      %dma_start3A_592 = arith.constant 16 : i32
      %dma_start3A_593 = arith.constant 0 : i32
      %dma_start3A_594 = tpu.memref_slice %arg7[%dma_start3A_592, %dma_start3A_593] : memref<24x4096xf32, #tpu.memory_space<vmem>> -> memref<8x4096xf32, #tpu.memory_space<vmem>>
      %dma_start3A_595 = arith.constant 0 : i32
      %dma_start3A_596 = tpu.memref_slice %arg3[%add3A_586, %dma_start3A_595] : memref<8192x4096xf32, #tpu.memory_space<hbm>> -> memref<8x4096xf32, #tpu.memory_space<hbm>>
      tpu.enqueue_dma source(%dma_start3A_596 : memref<8x4096xf32, #tpu.memory_space<hbm>>) target(%dma_start3A_594 : memref<8x4096xf32, #tpu.memory_space<vmem>>) target_semaphore(%arg10 : memref<!tpu.dma_semaphore, #tpu.memory_space<semaphore_mem>>)
      %dma_wait3A_597 = arith.constant 8 : i32
      %dma_wait3A_598 = arith.constant 0 : i32
      %dma_wait3A_599 = tpu.memref_slice %arg7[%dma_wait3A_597, %dma_wait3A_598] : memref<24x4096xf32, #tpu.memory_space<vmem>> -> memref<8x4096xf32, #tpu.memory_space<vmem>>
      %dma_wait3A_600 = arith.constant 0 : i32
      %dma_wait3A_601 = tpu.memref_slice %arg3[%add3A_542, %dma_wait3A_600] : memref<8192x4096xf32, #tpu.memory_space<hbm>> -> memref<8x4096xf32, #tpu.memory_space<hbm>>
      %dma_wait3A_602 = arith.constant 8 : i32
      %dma_wait3A_603 = arith.constant 0 : i32
      %dma_wait3A_604 = tpu.memref_slice %arg7[%dma_wait3A_602, %dma_wait3A_603] : memref<24x4096xf32, #tpu.memory_space<vmem>> -> memref<8x4096xf32, #tpu.memory_space<vmem>>
      %dma_wait3A_605 = arith.constant 0 : i32
      %dma_wait3A_606 = tpu.memref_slice %arg3[%add3A_542, %dma_wait3A_605] : memref<8192x4096xf32, #tpu.memory_space<hbm>> -> memref<8x4096xf32, #tpu.memory_space<hbm>>
      tpu.wait_dma2 semaphore(%arg9 : memref<!tpu.dma_semaphore, #tpu.memory_space<semaphore_mem>>) src(%dma_wait3A_606 : memref<8x4096xf32, #tpu.memory_space<hbm>>) dst(%dma_wait3A_604 : memref<8x4096xf32, #tpu.memory_space<vmem>>)
      %add3A_607 = arith.constant 104 : i32
      %add3A_608 = arith.addi %mul3A_2, %add3A_607 : i32
      %dma_start3A_609 = arith.constant 8 : i32
      %dma_start3A_610 = arith.constant 0 : i32
      %dma_start3A_611 = tpu.memref_slice %arg7[%dma_start3A_609, %dma_start3A_610] : memref<24x4096xf32, #tpu.memory_space<vmem>> -> memref<8x4096xf32, #tpu.memory_space<vmem>>
      %dma_start3A_612 = arith.constant 0 : i32
      %dma_start3A_613 = tpu.memref_slice %arg4[%add3A_608, %dma_start3A_612] : memref<8192x4096xf32, #tpu.memory_space<hbm>> -> memref<8x4096xf32, #tpu.memory_space<hbm>>
      %dma_start3A_614 = arith.constant 0 : i32
      %dma_start3A_615 = tpu.memref_slice %arg4[%add3A_608, %dma_start3A_614] : memref<8192x4096xf32, #tpu.memory_space<hbm>> -> memref<8x4096xf32, #tpu.memory_space<hbm>>
      %dma_start3A_616 = arith.constant 8 : i32
      %dma_start3A_617 = arith.constant 0 : i32
      %dma_start3A_618 = tpu.memref_slice %arg7[%dma_start3A_616, %dma_start3A_617] : memref<24x4096xf32, #tpu.memory_space<vmem>> -> memref<8x4096xf32, #tpu.memory_space<vmem>>
      tpu.enqueue_dma source(%dma_start3A_618 : memref<8x4096xf32, #tpu.memory_space<vmem>>) target(%dma_start3A_615 : memref<8x4096xf32, #tpu.memory_space<hbm>>) target_semaphore(%arg12 : memref<!tpu.dma_semaphore, #tpu.memory_space<semaphore_mem>>)
      %dma_wait3A_619 = arith.constant 0 : i32
      %dma_wait3A_620 = arith.constant 0 : i32
      %dma_wait3A_621 = tpu.memref_slice %arg7[%dma_wait3A_619, %dma_wait3A_620] : memref<24x4096xf32, #tpu.memory_space<vmem>> -> memref<8x4096xf32, #tpu.memory_space<vmem>>
      %dma_wait3A_622 = arith.constant 0 : i32
      %dma_wait3A_623 = tpu.memref_slice %arg4[%add3A_564, %dma_wait3A_622] : memref<8192x4096xf32, #tpu.memory_space<hbm>> -> memref<8x4096xf32, #tpu.memory_space<hbm>>
      %dma_wait3A_624 = arith.constant 0 : i32
      %dma_wait3A_625 = tpu.memref_slice %arg4[%add3A_564, %dma_wait3A_624] : memref<8192x4096xf32, #tpu.memory_space<hbm>> -> memref<8x4096xf32, #tpu.memory_space<hbm>>
      %dma_wait3A_626 = arith.constant 0 : i32
      %dma_wait3A_627 = arith.constant 0 : i32
      %dma_wait3A_628 = tpu.memref_slice %arg7[%dma_wait3A_626, %dma_wait3A_627] : memref<24x4096xf32, #tpu.memory_space<vmem>> -> memref<8x4096xf32, #tpu.memory_space<vmem>>
      tpu.wait_dma2 semaphore(%arg11 : memref<!tpu.dma_semaphore, #tpu.memory_space<semaphore_mem>>) src(%dma_wait3A_628 : memref<8x4096xf32, #tpu.memory_space<vmem>>) dst(%dma_wait3A_625 : memref<8x4096xf32, #tpu.memory_space<hbm>>)
      %add3A_629 = arith.constant 120 : i32
      %add3A_630 = arith.addi %mul3A_2, %add3A_629 : i32
      %dma_start3A_631 = arith.constant 0 : i32
      %dma_start3A_632 = arith.constant 0 : i32
      %dma_start3A_633 = tpu.memref_slice %arg7[%dma_start3A_631, %dma_start3A_632] : memref<24x4096xf32, #tpu.memory_space<vmem>> -> memref<8x4096xf32, #tpu.memory_space<vmem>>
      %dma_start3A_634 = arith.constant 0 : i32
      %dma_start3A_635 = tpu.memref_slice %arg3[%add3A_630, %dma_start3A_634] : memref<8192x4096xf32, #tpu.memory_space<hbm>> -> memref<8x4096xf32, #tpu.memory_space<hbm>>
      %dma_start3A_636 = arith.constant 0 : i32
      %dma_start3A_637 = arith.constant 0 : i32
      %dma_start3A_638 = tpu.memref_slice %arg7[%dma_start3A_636, %dma_start3A_637] : memref<24x4096xf32, #tpu.memory_space<vmem>> -> memref<8x4096xf32, #tpu.memory_space<vmem>>
      %dma_start3A_639 = arith.constant 0 : i32
      %dma_start3A_640 = tpu.memref_slice %arg3[%add3A_630, %dma_start3A_639] : memref<8192x4096xf32, #tpu.memory_space<hbm>> -> memref<8x4096xf32, #tpu.memory_space<hbm>>
      tpu.enqueue_dma source(%dma_start3A_640 : memref<8x4096xf32, #tpu.memory_space<hbm>>) target(%dma_start3A_638 : memref<8x4096xf32, #tpu.memory_space<vmem>>) target_semaphore(%arg8 : memref<!tpu.dma_semaphore, #tpu.memory_space<semaphore_mem>>)
      %dma_wait3A_641 = arith.constant 16 : i32
      %dma_wait3A_642 = arith.constant 0 : i32
      %dma_wait3A_643 = tpu.memref_slice %arg7[%dma_wait3A_641, %dma_wait3A_642] : memref<24x4096xf32, #tpu.memory_space<vmem>> -> memref<8x4096xf32, #tpu.memory_space<vmem>>
      %dma_wait3A_644 = arith.constant 0 : i32
      %dma_wait3A_645 = tpu.memref_slice %arg3[%add3A_586, %dma_wait3A_644] : memref<8192x4096xf32, #tpu.memory_space<hbm>> -> memref<8x4096xf32, #tpu.memory_space<hbm>>
      %dma_wait3A_646 = arith.constant 16 : i32
      %dma_wait3A_647 = arith.constant 0 : i32
      %dma_wait3A_648 = tpu.memref_slice %arg7[%dma_wait3A_646, %dma_wait3A_647] : memref<24x4096xf32, #tpu.memory_space<vmem>> -> memref<8x4096xf32, #tpu.memory_space<vmem>>
      %dma_wait3A_649 = arith.constant 0 : i32
      %dma_wait3A_650 = tpu.memref_slice %arg3[%add3A_586, %dma_wait3A_649] : memref<8192x4096xf32, #tpu.memory_space<hbm>> -> memref<8x4096xf32, #tpu.memory_space<hbm>>
      tpu.wait_dma2 semaphore(%arg10 : memref<!tpu.dma_semaphore, #tpu.memory_space<semaphore_mem>>) src(%dma_wait3A_650 : memref<8x4096xf32, #tpu.memory_space<hbm>>) dst(%dma_wait3A_648 : memref<8x4096xf32, #tpu.memory_space<vmem>>)
      %add3A_651 = arith.constant 112 : i32
      %add3A_652 = arith.addi %mul3A_2, %add3A_651 : i32
      %dma_start3A_653 = arith.constant 16 : i32
      %dma_start3A_654 = arith.constant 0 : i32
      %dma_start3A_655 = tpu.memref_slice %arg7[%dma_start3A_653, %dma_start3A_654] : memref<24x4096xf32, #tpu.memory_space<vmem>> -> memref<8x4096xf32, #tpu.memory_space<vmem>>
      %dma_start3A_656 = arith.constant 0 : i32
      %dma_start3A_657 = tpu.memref_slice %arg4[%add3A_652, %dma_start3A_656] : memref<8192x4096xf32, #tpu.memory_space<hbm>> -> memref<8x4096xf32, #tpu.memory_space<hbm>>
      %dma_start3A_658 = arith.constant 0 : i32
      %dma_start3A_659 = tpu.memref_slice %arg4[%add3A_652, %dma_start3A_658] : memref<8192x4096xf32, #tpu.memory_space<hbm>> -> memref<8x4096xf32, #tpu.memory_space<hbm>>
      %dma_start3A_660 = arith.constant 16 : i32
      %dma_start3A_661 = arith.constant 0 : i32
      %dma_start3A_662 = tpu.memref_slice %arg7[%dma_start3A_660, %dma_start3A_661] : memref<24x4096xf32, #tpu.memory_space<vmem>> -> memref<8x4096xf32, #tpu.memory_space<vmem>>
      tpu.enqueue_dma source(%dma_start3A_662 : memref<8x4096xf32, #tpu.memory_space<vmem>>) target(%dma_start3A_659 : memref<8x4096xf32, #tpu.memory_space<hbm>>) target_semaphore(%arg13 : memref<!tpu.dma_semaphore, #tpu.memory_space<semaphore_mem>>)
      %dma_wait3A_663 = arith.constant 8 : i32
      %dma_wait3A_664 = arith.constant 0 : i32
      %dma_wait3A_665 = tpu.memref_slice %arg7[%dma_wait3A_663, %dma_wait3A_664] : memref<24x4096xf32, #tpu.memory_space<vmem>> -> memref<8x4096xf32, #tpu.memory_space<vmem>>
      %dma_wait3A_666 = arith.constant 0 : i32
      %dma_wait3A_667 = tpu.memref_slice %arg4[%add3A_608, %dma_wait3A_666] : memref<8192x4096xf32, #tpu.memory_space<hbm>> -> memref<8x4096xf32, #tpu.memory_space<hbm>>
      %dma_wait3A_668 = arith.constant 0 : i32
      %dma_wait3A_669 = tpu.memref_slice %arg4[%add3A_608, %dma_wait3A_668] : memref<8192x4096xf32, #tpu.memory_space<hbm>> -> memref<8x4096xf32, #tpu.memory_space<hbm>>
      %dma_wait3A_670 = arith.constant 8 : i32
      %dma_wait3A_671 = arith.constant 0 : i32
      %dma_wait3A_672 = tpu.memref_slice %arg7[%dma_wait3A_670, %dma_wait3A_671] : memref<24x4096xf32, #tpu.memory_space<vmem>> -> memref<8x4096xf32, #tpu.memory_space<vmem>>
      tpu.wait_dma2 semaphore(%arg12 : memref<!tpu.dma_semaphore, #tpu.memory_space<semaphore_mem>>) src(%dma_wait3A_672 : memref<8x4096xf32, #tpu.memory_space<vmem>>) dst(%dma_wait3A_669 : memref<8x4096xf32, #tpu.memory_space<hbm>>)
      %add3A_673 = arith.constant 128 : i32
      %add3A_674 = arith.addi %mul3A_2, %add3A_673 : i32
      %dma_start3A_675 = arith.constant 8 : i32
      %dma_start3A_676 = arith.constant 0 : i32
      %dma_start3A_677 = tpu.memref_slice %arg7[%dma_start3A_675, %dma_start3A_676] : memref<24x4096xf32, #tpu.memory_space<vmem>> -> memref<8x4096xf32, #tpu.memory_space<vmem>>
      %dma_start3A_678 = arith.constant 0 : i32
      %dma_start3A_679 = tpu.memref_slice %arg3[%add3A_674, %dma_start3A_678] : memref<8192x4096xf32, #tpu.memory_space<hbm>> -> memref<8x4096xf32, #tpu.memory_space<hbm>>
      %dma_start3A_680 = arith.constant 8 : i32
      %dma_start3A_681 = arith.constant 0 : i32
      %dma_start3A_682 = tpu.memref_slice %arg7[%dma_start3A_680, %dma_start3A_681] : memref<24x4096xf32, #tpu.memory_space<vmem>> -> memref<8x4096xf32, #tpu.memory_space<vmem>>
      %dma_start3A_683 = arith.constant 0 : i32
      %dma_start3A_684 = tpu.memref_slice %arg3[%add3A_674, %dma_start3A_683] : memref<8192x4096xf32, #tpu.memory_space<hbm>> -> memref<8x4096xf32, #tpu.memory_space<hbm>>
      tpu.enqueue_dma source(%dma_start3A_684 : memref<8x4096xf32, #tpu.memory_space<hbm>>) target(%dma_start3A_682 : memref<8x4096xf32, #tpu.memory_space<vmem>>) target_semaphore(%arg9 : memref<!tpu.dma_semaphore, #tpu.memory_space<semaphore_mem>>)
      %dma_wait3A_685 = arith.constant 0 : i32
      %dma_wait3A_686 = arith.constant 0 : i32
      %dma_wait3A_687 = tpu.memref_slice %arg7[%dma_wait3A_685, %dma_wait3A_686] : memref<24x4096xf32, #tpu.memory_space<vmem>> -> memref<8x4096xf32, #tpu.memory_space<vmem>>
      %dma_wait3A_688 = arith.constant 0 : i32
      %dma_wait3A_689 = tpu.memref_slice %arg3[%add3A_630, %dma_wait3A_688] : memref<8192x4096xf32, #tpu.memory_space<hbm>> -> memref<8x4096xf32, #tpu.memory_space<hbm>>
      %dma_wait3A_690 = arith.constant 0 : i32
      %dma_wait3A_691 = arith.constant 0 : i32
      %dma_wait3A_692 = tpu.memref_slice %arg7[%dma_wait3A_690, %dma_wait3A_691] : memref<24x4096xf32, #tpu.memory_space<vmem>> -> memref<8x4096xf32, #tpu.memory_space<vmem>>
      %dma_wait3A_693 = arith.constant 0 : i32
      %dma_wait3A_694 = tpu.memref_slice %arg3[%add3A_630, %dma_wait3A_693] : memref<8192x4096xf32, #tpu.memory_space<hbm>> -> memref<8x4096xf32, #tpu.memory_space<hbm>>
      tpu.wait_dma2 semaphore(%arg8 : memref<!tpu.dma_semaphore, #tpu.memory_space<semaphore_mem>>) src(%dma_wait3A_694 : memref<8x4096xf32, #tpu.memory_space<hbm>>) dst(%dma_wait3A_692 : memref<8x4096xf32, #tpu.memory_space<vmem>>)
      %add3A_695 = arith.constant 120 : i32
      %add3A_696 = arith.addi %mul3A_2, %add3A_695 : i32
      %dma_start3A_697 = arith.constant 0 : i32
      %dma_start3A_698 = arith.constant 0 : i32
      %dma_start3A_699 = tpu.memref_slice %arg7[%dma_start3A_697, %dma_start3A_698] : memref<24x4096xf32, #tpu.memory_space<vmem>> -> memref<8x4096xf32, #tpu.memory_space<vmem>>
      %dma_start3A_700 = arith.constant 0 : i32
      %dma_start3A_701 = tpu.memref_slice %arg4[%add3A_696, %dma_start3A_700] : memref<8192x4096xf32, #tpu.memory_space<hbm>> -> memref<8x4096xf32, #tpu.memory_space<hbm>>
      %dma_start3A_702 = arith.constant 0 : i32
      %dma_start3A_703 = tpu.memref_slice %arg4[%add3A_696, %dma_start3A_702] : memref<8192x4096xf32, #tpu.memory_space<hbm>> -> memref<8x4096xf32, #tpu.memory_space<hbm>>
      %dma_start3A_704 = arith.constant 0 : i32
      %dma_start3A_705 = arith.constant 0 : i32
      %dma_start3A_706 = tpu.memref_slice %arg7[%dma_start3A_704, %dma_start3A_705] : memref<24x4096xf32, #tpu.memory_space<vmem>> -> memref<8x4096xf32, #tpu.memory_space<vmem>>
      tpu.enqueue_dma source(%dma_start3A_706 : memref<8x4096xf32, #tpu.memory_space<vmem>>) target(%dma_start3A_703 : memref<8x4096xf32, #tpu.memory_space<hbm>>) target_semaphore(%arg11 : memref<!tpu.dma_semaphore, #tpu.memory_space<semaphore_mem>>)
      %dma_wait3A_707 = arith.constant 16 : i32
      %dma_wait3A_708 = arith.constant 0 : i32
      %dma_wait3A_709 = tpu.memref_slice %arg7[%dma_wait3A_707, %dma_wait3A_708] : memref<24x4096xf32, #tpu.memory_space<vmem>> -> memref<8x4096xf32, #tpu.memory_space<vmem>>
      %dma_wait3A_710 = arith.constant 0 : i32
      %dma_wait3A_711 = tpu.memref_slice %arg4[%add3A_652, %dma_wait3A_710] : memref<8192x4096xf32, #tpu.memory_space<hbm>> -> memref<8x4096xf32, #tpu.memory_space<hbm>>
      %dma_wait3A_712 = arith.constant 0 : i32
      %dma_wait3A_713 = tpu.memref_slice %arg4[%add3A_652, %dma_wait3A_712] : memref<8192x4096xf32, #tpu.memory_space<hbm>> -> memref<8x4096xf32, #tpu.memory_space<hbm>>
      %dma_wait3A_714 = arith.constant 16 : i32
      %dma_wait3A_715 = arith.constant 0 : i32
      %dma_wait3A_716 = tpu.memref_slice %arg7[%dma_wait3A_714, %dma_wait3A_715] : memref<24x4096xf32, #tpu.memory_space<vmem>> -> memref<8x4096xf32, #tpu.memory_space<vmem>>
      tpu.wait_dma2 semaphore(%arg13 : memref<!tpu.dma_semaphore, #tpu.memory_space<semaphore_mem>>) src(%dma_wait3A_716 : memref<8x4096xf32, #tpu.memory_space<vmem>>) dst(%dma_wait3A_713 : memref<8x4096xf32, #tpu.memory_space<hbm>>)
      %add3A_717 = arith.constant 136 : i32
      %add3A_718 = arith.addi %mul3A_2, %add3A_717 : i32
      %dma_start3A_719 = arith.constant 16 : i32
      %dma_start3A_720 = arith.constant 0 : i32
      %dma_start3A_721 = tpu.memref_slice %arg7[%dma_start3A_719, %dma_start3A_720] : memref<24x4096xf32, #tpu.memory_space<vmem>> -> memref<8x4096xf32, #tpu.memory_space<vmem>>
      %dma_start3A_722 = arith.constant 0 : i32
      %dma_start3A_723 = tpu.memref_slice %arg3[%add3A_718, %dma_start3A_722] : memref<8192x4096xf32, #tpu.memory_space<hbm>> -> memref<8x4096xf32, #tpu.memory_space<hbm>>
      %dma_start3A_724 = arith.constant 16 : i32
      %dma_start3A_725 = arith.constant 0 : i32
      %dma_start3A_726 = tpu.memref_slice %arg7[%dma_start3A_724, %dma_start3A_725] : memref<24x4096xf32, #tpu.memory_space<vmem>> -> memref<8x4096xf32, #tpu.memory_space<vmem>>
      %dma_start3A_727 = arith.constant 0 : i32
      %dma_start3A_728 = tpu.memref_slice %arg3[%add3A_718, %dma_start3A_727] : memref<8192x4096xf32, #tpu.memory_space<hbm>> -> memref<8x4096xf32, #tpu.memory_space<hbm>>
      tpu.enqueue_dma source(%dma_start3A_728 : memref<8x4096xf32, #tpu.memory_space<hbm>>) target(%dma_start3A_726 : memref<8x4096xf32, #tpu.memory_space<vmem>>) target_semaphore(%arg10 : memref<!tpu.dma_semaphore, #tpu.memory_space<semaphore_mem>>)
      %dma_wait3A_729 = arith.constant 8 : i32
      %dma_wait3A_730 = arith.constant 0 : i32
      %dma_wait3A_731 = tpu.memref_slice %arg7[%dma_wait3A_729, %dma_wait3A_730] : memref<24x4096xf32, #tpu.memory_space<vmem>> -> memref<8x4096xf32, #tpu.memory_space<vmem>>
      %dma_wait3A_732 = arith.constant 0 : i32
      %dma_wait3A_733 = tpu.memref_slice %arg3[%add3A_674, %dma_wait3A_732] : memref<8192x4096xf32, #tpu.memory_space<hbm>> -> memref<8x4096xf32, #tpu.memory_space<hbm>>
      %dma_wait3A_734 = arith.constant 8 : i32
      %dma_wait3A_735 = arith.constant 0 : i32
      %dma_wait3A_736 = tpu.memref_slice %arg7[%dma_wait3A_734, %dma_wait3A_735] : memref<24x4096xf32, #tpu.memory_space<vmem>> -> memref<8x4096xf32, #tpu.memory_space<vmem>>
      %dma_wait3A_737 = arith.constant 0 : i32
      %dma_wait3A_738 = tpu.memref_slice %arg3[%add3A_674, %dma_wait3A_737] : memref<8192x4096xf32, #tpu.memory_space<hbm>> -> memref<8x4096xf32, #tpu.memory_space<hbm>>
      tpu.wait_dma2 semaphore(%arg9 : memref<!tpu.dma_semaphore, #tpu.memory_space<semaphore_mem>>) src(%dma_wait3A_738 : memref<8x4096xf32, #tpu.memory_space<hbm>>) dst(%dma_wait3A_736 : memref<8x4096xf32, #tpu.memory_space<vmem>>)
      %add3A_739 = arith.constant 128 : i32
      %add3A_740 = arith.addi %mul3A_2, %add3A_739 : i32
      %dma_start3A_741 = arith.constant 8 : i32
      %dma_start3A_742 = arith.constant 0 : i32
      %dma_start3A_743 = tpu.memref_slice %arg7[%dma_start3A_741, %dma_start3A_742] : memref<24x4096xf32, #tpu.memory_space<vmem>> -> memref<8x4096xf32, #tpu.memory_space<vmem>>
      %dma_start3A_744 = arith.constant 0 : i32
      %dma_start3A_745 = tpu.memref_slice %arg4[%add3A_740, %dma_start3A_744] : memref<8192x4096xf32, #tpu.memory_space<hbm>> -> memref<8x4096xf32, #tpu.memory_space<hbm>>
      %dma_start3A_746 = arith.constant 0 : i32
      %dma_start3A_747 = tpu.memref_slice %arg4[%add3A_740, %dma_start3A_746] : memref<8192x4096xf32, #tpu.memory_space<hbm>> -> memref<8x4096xf32, #tpu.memory_space<hbm>>
      %dma_start3A_748 = arith.constant 8 : i32
      %dma_start3A_749 = arith.constant 0 : i32
      %dma_start3A_750 = tpu.memref_slice %arg7[%dma_start3A_748, %dma_start3A_749] : memref<24x4096xf32, #tpu.memory_space<vmem>> -> memref<8x4096xf32, #tpu.memory_space<vmem>>
      tpu.enqueue_dma source(%dma_start3A_750 : memref<8x4096xf32, #tpu.memory_space<vmem>>) target(%dma_start3A_747 : memref<8x4096xf32, #tpu.memory_space<hbm>>) target_semaphore(%arg12 : memref<!tpu.dma_semaphore, #tpu.memory_space<semaphore_mem>>)
      %dma_wait3A_751 = arith.constant 0 : i32
      %dma_wait3A_752 = arith.constant 0 : i32
      %dma_wait3A_753 = tpu.memref_slice %arg7[%dma_wait3A_751, %dma_wait3A_752] : memref<24x4096xf32, #tpu.memory_space<vmem>> -> memref<8x4096xf32, #tpu.memory_space<vmem>>
      %dma_wait3A_754 = arith.constant 0 : i32
      %dma_wait3A_755 = tpu.memref_slice %arg4[%add3A_696, %dma_wait3A_754] : memref<8192x4096xf32, #tpu.memory_space<hbm>> -> memref<8x4096xf32, #tpu.memory_space<hbm>>
      %dma_wait3A_756 = arith.constant 0 : i32
      %dma_wait3A_757 = tpu.memref_slice %arg4[%add3A_696, %dma_wait3A_756] : memref<8192x4096xf32, #tpu.memory_space<hbm>> -> memref<8x4096xf32, #tpu.memory_space<hbm>>
      %dma_wait3A_758 = arith.constant 0 : i32
      %dma_wait3A_759 = arith.constant 0 : i32
      %dma_wait3A_760 = tpu.memref_slice %arg7[%dma_wait3A_758, %dma_wait3A_759] : memref<24x4096xf32, #tpu.memory_space<vmem>> -> memref<8x4096xf32, #tpu.memory_space<vmem>>
      tpu.wait_dma2 semaphore(%arg11 : memref<!tpu.dma_semaphore, #tpu.memory_space<semaphore_mem>>) src(%dma_wait3A_760 : memref<8x4096xf32, #tpu.memory_space<vmem>>) dst(%dma_wait3A_757 : memref<8x4096xf32, #tpu.memory_space<hbm>>)
      %add3A_761 = arith.constant 144 : i32
      %add3A_762 = arith.addi %mul3A_2, %add3A_761 : i32
      %dma_start3A_763 = arith.constant 0 : i32
      %dma_start3A_764 = arith.constant 0 : i32
      %dma_start3A_765 = tpu.memref_slice %arg7[%dma_start3A_763, %dma_start3A_764] : memref<24x4096xf32, #tpu.memory_space<vmem>> -> memref<8x4096xf32, #tpu.memory_space<vmem>>
      %dma_start3A_766 = arith.constant 0 : i32
      %dma_start3A_767 = tpu.memref_slice %arg3[%add3A_762, %dma_start3A_766] : memref<8192x4096xf32, #tpu.memory_space<hbm>> -> memref<8x4096xf32, #tpu.memory_space<hbm>>
      %dma_start3A_768 = arith.constant 0 : i32
      %dma_start3A_769 = arith.constant 0 : i32
      %dma_start3A_770 = tpu.memref_slice %arg7[%dma_start3A_768, %dma_start3A_769] : memref<24x4096xf32, #tpu.memory_space<vmem>> -> memref<8x4096xf32, #tpu.memory_space<vmem>>
      %dma_start3A_771 = arith.constant 0 : i32
      %dma_start3A_772 = tpu.memref_slice %arg3[%add3A_762, %dma_start3A_771] : memref<8192x4096xf32, #tpu.memory_space<hbm>> -> memref<8x4096xf32, #tpu.memory_space<hbm>>
      tpu.enqueue_dma source(%dma_start3A_772 : memref<8x4096xf32, #tpu.memory_space<hbm>>) target(%dma_start3A_770 : memref<8x4096xf32, #tpu.memory_space<vmem>>) target_semaphore(%arg8 : memref<!tpu.dma_semaphore, #tpu.memory_space<semaphore_mem>>)
      %dma_wait3A_773 = arith.constant 16 : i32
      %dma_wait3A_774 = arith.constant 0 : i32
      %dma_wait3A_775 = tpu.memref_slice %arg7[%dma_wait3A_773, %dma_wait3A_774] : memref<24x4096xf32, #tpu.memory_space<vmem>> -> memref<8x4096xf32, #tpu.memory_space<vmem>>
      %dma_wait3A_776 = arith.constant 0 : i32
      %dma_wait3A_777 = tpu.memref_slice %arg3[%add3A_718, %dma_wait3A_776] : memref<8192x4096xf32, #tpu.memory_space<hbm>> -> memref<8x4096xf32, #tpu.memory_space<hbm>>
      %dma_wait3A_778 = arith.constant 16 : i32
      %dma_wait3A_779 = arith.constant 0 : i32
      %dma_wait3A_780 = tpu.memref_slice %arg7[%dma_wait3A_778, %dma_wait3A_779] : memref<24x4096xf32, #tpu.memory_space<vmem>> -> memref<8x4096xf32, #tpu.memory_space<vmem>>
      %dma_wait3A_781 = arith.constant 0 : i32
      %dma_wait3A_782 = tpu.memref_slice %arg3[%add3A_718, %dma_wait3A_781] : memref<8192x4096xf32, #tpu.memory_space<hbm>> -> memref<8x4096xf32, #tpu.memory_space<hbm>>
      tpu.wait_dma2 semaphore(%arg10 : memref<!tpu.dma_semaphore, #tpu.memory_space<semaphore_mem>>) src(%dma_wait3A_782 : memref<8x4096xf32, #tpu.memory_space<hbm>>) dst(%dma_wait3A_780 : memref<8x4096xf32, #tpu.memory_space<vmem>>)
      %add3A_783 = arith.constant 136 : i32
      %add3A_784 = arith.addi %mul3A_2, %add3A_783 : i32
      %dma_start3A_785 = arith.constant 16 : i32
      %dma_start3A_786 = arith.constant 0 : i32
      %dma_start3A_787 = tpu.memref_slice %arg7[%dma_start3A_785, %dma_start3A_786] : memref<24x4096xf32, #tpu.memory_space<vmem>> -> memref<8x4096xf32, #tpu.memory_space<vmem>>
      %dma_start3A_788 = arith.constant 0 : i32
      %dma_start3A_789 = tpu.memref_slice %arg4[%add3A_784, %dma_start3A_788] : memref<8192x4096xf32, #tpu.memory_space<hbm>> -> memref<8x4096xf32, #tpu.memory_space<hbm>>
      %dma_start3A_790 = arith.constant 0 : i32
      %dma_start3A_791 = tpu.memref_slice %arg4[%add3A_784, %dma_start3A_790] : memref<8192x4096xf32, #tpu.memory_space<hbm>> -> memref<8x4096xf32, #tpu.memory_space<hbm>>
      %dma_start3A_792 = arith.constant 16 : i32
      %dma_start3A_793 = arith.constant 0 : i32
      %dma_start3A_794 = tpu.memref_slice %arg7[%dma_start3A_792, %dma_start3A_793] : memref<24x4096xf32, #tpu.memory_space<vmem>> -> memref<8x4096xf32, #tpu.memory_space<vmem>>
      tpu.enqueue_dma source(%dma_start3A_794 : memref<8x4096xf32, #tpu.memory_space<vmem>>) target(%dma_start3A_791 : memref<8x4096xf32, #tpu.memory_space<hbm>>) target_semaphore(%arg13 : memref<!tpu.dma_semaphore, #tpu.memory_space<semaphore_mem>>)
      %dma_wait3A_795 = arith.constant 8 : i32
      %dma_wait3A_796 = arith.constant 0 : i32
      %dma_wait3A_797 = tpu.memref_slice %arg7[%dma_wait3A_795, %dma_wait3A_796] : memref<24x4096xf32, #tpu.memory_space<vmem>> -> memref<8x4096xf32, #tpu.memory_space<vmem>>
      %dma_wait3A_798 = arith.constant 0 : i32
      %dma_wait3A_799 = tpu.memref_slice %arg4[%add3A_740, %dma_wait3A_798] : memref<8192x4096xf32, #tpu.memory_space<hbm>> -> memref<8x4096xf32, #tpu.memory_space<hbm>>
      %dma_wait3A_800 = arith.constant 0 : i32
      %dma_wait3A_801 = tpu.memref_slice %arg4[%add3A_740, %dma_wait3A_800] : memref<8192x4096xf32, #tpu.memory_space<hbm>> -> memref<8x4096xf32, #tpu.memory_space<hbm>>
      %dma_wait3A_802 = arith.constant 8 : i32
      %dma_wait3A_803 = arith.constant 0 : i32
      %dma_wait3A_804 = tpu.memref_slice %arg7[%dma_wait3A_802, %dma_wait3A_803] : memref<24x4096xf32, #tpu.memory_space<vmem>> -> memref<8x4096xf32, #tpu.memory_space<vmem>>
      tpu.wait_dma2 semaphore(%arg12 : memref<!tpu.dma_semaphore, #tpu.memory_space<semaphore_mem>>) src(%dma_wait3A_804 : memref<8x4096xf32, #tpu.memory_space<vmem>>) dst(%dma_wait3A_801 : memref<8x4096xf32, #tpu.memory_space<hbm>>)
      %add3A_805 = arith.constant 152 : i32
      %add3A_806 = arith.addi %mul3A_2, %add3A_805 : i32
      %dma_start3A_807 = arith.constant 8 : i32
      %dma_start3A_808 = arith.constant 0 : i32
      %dma_start3A_809 = tpu.memref_slice %arg7[%dma_start3A_807, %dma_start3A_808] : memref<24x4096xf32, #tpu.memory_space<vmem>> -> memref<8x4096xf32, #tpu.memory_space<vmem>>
      %dma_start3A_810 = arith.constant 0 : i32
      %dma_start3A_811 = tpu.memref_slice %arg3[%add3A_806, %dma_start3A_810] : memref<8192x4096xf32, #tpu.memory_space<hbm>> -> memref<8x4096xf32, #tpu.memory_space<hbm>>
      %dma_start3A_812 = arith.constant 8 : i32
      %dma_start3A_813 = arith.constant 0 : i32
      %dma_start3A_814 = tpu.memref_slice %arg7[%dma_start3A_812, %dma_start3A_813] : memref<24x4096xf32, #tpu.memory_space<vmem>> -> memref<8x4096xf32, #tpu.memory_space<vmem>>
      %dma_start3A_815 = arith.constant 0 : i32
      %dma_start3A_816 = tpu.memref_slice %arg3[%add3A_806, %dma_start3A_815] : memref<8192x4096xf32, #tpu.memory_space<hbm>> -> memref<8x4096xf32, #tpu.memory_space<hbm>>
      tpu.enqueue_dma source(%dma_start3A_816 : memref<8x4096xf32, #tpu.memory_space<hbm>>) target(%dma_start3A_814 : memref<8x4096xf32, #tpu.memory_space<vmem>>) target_semaphore(%arg9 : memref<!tpu.dma_semaphore, #tpu.memory_space<semaphore_mem>>)
      %dma_wait3A_817 = arith.constant 0 : i32
      %dma_wait3A_818 = arith.constant 0 : i32
      %dma_wait3A_819 = tpu.memref_slice %arg7[%dma_wait3A_817, %dma_wait3A_818] : memref<24x4096xf32, #tpu.memory_space<vmem>> -> memref<8x4096xf32, #tpu.memory_space<vmem>>
      %dma_wait3A_820 = arith.constant 0 : i32
      %dma_wait3A_821 = tpu.memref_slice %arg3[%add3A_762, %dma_wait3A_820] : memref<8192x4096xf32, #tpu.memory_space<hbm>> -> memref<8x4096xf32, #tpu.memory_space<hbm>>
      %dma_wait3A_822 = arith.constant 0 : i32
      %dma_wait3A_823 = arith.constant 0 : i32
      %dma_wait3A_824 = tpu.memref_slice %arg7[%dma_wait3A_822, %dma_wait3A_823] : memref<24x4096xf32, #tpu.memory_space<vmem>> -> memref<8x4096xf32, #tpu.memory_space<vmem>>
      %dma_wait3A_825 = arith.constant 0 : i32
      %dma_wait3A_826 = tpu.memref_slice %arg3[%add3A_762, %dma_wait3A_825] : memref<8192x4096xf32, #tpu.memory_space<hbm>> -> memref<8x4096xf32, #tpu.memory_space<hbm>>
      tpu.wait_dma2 semaphore(%arg8 : memref<!tpu.dma_semaphore, #tpu.memory_space<semaphore_mem>>) src(%dma_wait3A_826 : memref<8x4096xf32, #tpu.memory_space<hbm>>) dst(%dma_wait3A_824 : memref<8x4096xf32, #tpu.memory_space<vmem>>)
      %add3A_827 = arith.constant 144 : i32
      %add3A_828 = arith.addi %mul3A_2, %add3A_827 : i32
      %dma_start3A_829 = arith.constant 0 : i32
      %dma_start3A_830 = arith.constant 0 : i32
      %dma_start3A_831 = tpu.memref_slice %arg7[%dma_start3A_829, %dma_start3A_830] : memref<24x4096xf32, #tpu.memory_space<vmem>> -> memref<8x4096xf32, #tpu.memory_space<vmem>>
      %dma_start3A_832 = arith.constant 0 : i32
      %dma_start3A_833 = tpu.memref_slice %arg4[%add3A_828, %dma_start3A_832] : memref<8192x4096xf32, #tpu.memory_space<hbm>> -> memref<8x4096xf32, #tpu.memory_space<hbm>>
      %dma_start3A_834 = arith.constant 0 : i32
      %dma_start3A_835 = tpu.memref_slice %arg4[%add3A_828, %dma_start3A_834] : memref<8192x4096xf32, #tpu.memory_space<hbm>> -> memref<8x4096xf32, #tpu.memory_space<hbm>>
      %dma_start3A_836 = arith.constant 0 : i32
      %dma_start3A_837 = arith.constant 0 : i32
      %dma_start3A_838 = tpu.memref_slice %arg7[%dma_start3A_836, %dma_start3A_837] : memref<24x4096xf32, #tpu.memory_space<vmem>> -> memref<8x4096xf32, #tpu.memory_space<vmem>>
      tpu.enqueue_dma source(%dma_start3A_838 : memref<8x4096xf32, #tpu.memory_space<vmem>>) target(%dma_start3A_835 : memref<8x4096xf32, #tpu.memory_space<hbm>>) target_semaphore(%arg11 : memref<!tpu.dma_semaphore, #tpu.memory_space<semaphore_mem>>)
      %dma_wait3A_839 = arith.constant 16 : i32
      %dma_wait3A_840 = arith.constant 0 : i32
      %dma_wait3A_841 = tpu.memref_slice %arg7[%dma_wait3A_839, %dma_wait3A_840] : memref<24x4096xf32, #tpu.memory_space<vmem>> -> memref<8x4096xf32, #tpu.memory_space<vmem>>
      %dma_wait3A_842 = arith.constant 0 : i32
      %dma_wait3A_843 = tpu.memref_slice %arg4[%add3A_784, %dma_wait3A_842] : memref<8192x4096xf32, #tpu.memory_space<hbm>> -> memref<8x4096xf32, #tpu.memory_space<hbm>>
      %dma_wait3A_844 = arith.constant 0 : i32
      %dma_wait3A_845 = tpu.memref_slice %arg4[%add3A_784, %dma_wait3A_844] : memref<8192x4096xf32, #tpu.memory_space<hbm>> -> memref<8x4096xf32, #tpu.memory_space<hbm>>
      %dma_wait3A_846 = arith.constant 16 : i32
      %dma_wait3A_847 = arith.constant 0 : i32
      %dma_wait3A_848 = tpu.memref_slice %arg7[%dma_wait3A_846, %dma_wait3A_847] : memref<24x4096xf32, #tpu.memory_space<vmem>> -> memref<8x4096xf32, #tpu.memory_space<vmem>>
      tpu.wait_dma2 semaphore(%arg13 : memref<!tpu.dma_semaphore, #tpu.memory_space<semaphore_mem>>) src(%dma_wait3A_848 : memref<8x4096xf32, #tpu.memory_space<vmem>>) dst(%dma_wait3A_845 : memref<8x4096xf32, #tpu.memory_space<hbm>>)
      %add3A_849 = arith.constant 160 : i32
      %add3A_850 = arith.addi %mul3A_2, %add3A_849 : i32
      %dma_start3A_851 = arith.constant 16 : i32
      %dma_start3A_852 = arith.constant 0 : i32
      %dma_start3A_853 = tpu.memref_slice %arg7[%dma_start3A_851, %dma_start3A_852] : memref<24x4096xf32, #tpu.memory_space<vmem>> -> memref<8x4096xf32, #tpu.memory_space<vmem>>
      %dma_start3A_854 = arith.constant 0 : i32
      %dma_start3A_855 = tpu.memref_slice %arg3[%add3A_850, %dma_start3A_854] : memref<8192x4096xf32, #tpu.memory_space<hbm>> -> memref<8x4096xf32, #tpu.memory_space<hbm>>
      %dma_start3A_856 = arith.constant 16 : i32
      %dma_start3A_857 = arith.constant 0 : i32
      %dma_start3A_858 = tpu.memref_slice %arg7[%dma_start3A_856, %dma_start3A_857] : memref<24x4096xf32, #tpu.memory_space<vmem>> -> memref<8x4096xf32, #tpu.memory_space<vmem>>
      %dma_start3A_859 = arith.constant 0 : i32
      %dma_start3A_860 = tpu.memref_slice %arg3[%add3A_850, %dma_start3A_859] : memref<8192x4096xf32, #tpu.memory_space<hbm>> -> memref<8x4096xf32, #tpu.memory_space<hbm>>
      tpu.enqueue_dma source(%dma_start3A_860 : memref<8x4096xf32, #tpu.memory_space<hbm>>) target(%dma_start3A_858 : memref<8x4096xf32, #tpu.memory_space<vmem>>) target_semaphore(%arg10 : memref<!tpu.dma_semaphore, #tpu.memory_space<semaphore_mem>>)
      %dma_wait3A_861 = arith.constant 8 : i32
      %dma_wait3A_862 = arith.constant 0 : i32
      %dma_wait3A_863 = tpu.memref_slice %arg7[%dma_wait3A_861, %dma_wait3A_862] : memref<24x4096xf32, #tpu.memory_space<vmem>> -> memref<8x4096xf32, #tpu.memory_space<vmem>>
      %dma_wait3A_864 = arith.constant 0 : i32
      %dma_wait3A_865 = tpu.memref_slice %arg3[%add3A_806, %dma_wait3A_864] : memref<8192x4096xf32, #tpu.memory_space<hbm>> -> memref<8x4096xf32, #tpu.memory_space<hbm>>
      %dma_wait3A_866 = arith.constant 8 : i32
      %dma_wait3A_867 = arith.constant 0 : i32
      %dma_wait3A_868 = tpu.memref_slice %arg7[%dma_wait3A_866, %dma_wait3A_867] : memref<24x4096xf32, #tpu.memory_space<vmem>> -> memref<8x4096xf32, #tpu.memory_space<vmem>>
      %dma_wait3A_869 = arith.constant 0 : i32
      %dma_wait3A_870 = tpu.memref_slice %arg3[%add3A_806, %dma_wait3A_869] : memref<8192x4096xf32, #tpu.memory_space<hbm>> -> memref<8x4096xf32, #tpu.memory_space<hbm>>
      tpu.wait_dma2 semaphore(%arg9 : memref<!tpu.dma_semaphore, #tpu.memory_space<semaphore_mem>>) src(%dma_wait3A_870 : memref<8x4096xf32, #tpu.memory_space<hbm>>) dst(%dma_wait3A_868 : memref<8x4096xf32, #tpu.memory_space<vmem>>)
      %add3A_871 = arith.constant 152 : i32
      %add3A_872 = arith.addi %mul3A_2, %add3A_871 : i32
      %dma_start3A_873 = arith.constant 8 : i32
      %dma_start3A_874 = arith.constant 0 : i32
      %dma_start3A_875 = tpu.memref_slice %arg7[%dma_start3A_873, %dma_start3A_874] : memref<24x4096xf32, #tpu.memory_space<vmem>> -> memref<8x4096xf32, #tpu.memory_space<vmem>>
      %dma_start3A_876 = arith.constant 0 : i32
      %dma_start3A_877 = tpu.memref_slice %arg4[%add3A_872, %dma_start3A_876] : memref<8192x4096xf32, #tpu.memory_space<hbm>> -> memref<8x4096xf32, #tpu.memory_space<hbm>>
      %dma_start3A_878 = arith.constant 0 : i32
      %dma_start3A_879 = tpu.memref_slice %arg4[%add3A_872, %dma_start3A_878] : memref<8192x4096xf32, #tpu.memory_space<hbm>> -> memref<8x4096xf32, #tpu.memory_space<hbm>>
      %dma_start3A_880 = arith.constant 8 : i32
      %dma_start3A_881 = arith.constant 0 : i32
      %dma_start3A_882 = tpu.memref_slice %arg7[%dma_start3A_880, %dma_start3A_881] : memref<24x4096xf32, #tpu.memory_space<vmem>> -> memref<8x4096xf32, #tpu.memory_space<vmem>>
      tpu.enqueue_dma source(%dma_start3A_882 : memref<8x4096xf32, #tpu.memory_space<vmem>>) target(%dma_start3A_879 : memref<8x4096xf32, #tpu.memory_space<hbm>>) target_semaphore(%arg12 : memref<!tpu.dma_semaphore, #tpu.memory_space<semaphore_mem>>)
      %dma_wait3A_883 = arith.constant 0 : i32
      %dma_wait3A_884 = arith.constant 0 : i32
      %dma_wait3A_885 = tpu.memref_slice %arg7[%dma_wait3A_883, %dma_wait3A_884] : memref<24x4096xf32, #tpu.memory_space<vmem>> -> memref<8x4096xf32, #tpu.memory_space<vmem>>
      %dma_wait3A_886 = arith.constant 0 : i32
      %dma_wait3A_887 = tpu.memref_slice %arg4[%add3A_828, %dma_wait3A_886] : memref<8192x4096xf32, #tpu.memory_space<hbm>> -> memref<8x4096xf32, #tpu.memory_space<hbm>>
      %dma_wait3A_888 = arith.constant 0 : i32
      %dma_wait3A_889 = tpu.memref_slice %arg4[%add3A_828, %dma_wait3A_888] : memref<8192x4096xf32, #tpu.memory_space<hbm>> -> memref<8x4096xf32, #tpu.memory_space<hbm>>
      %dma_wait3A_890 = arith.constant 0 : i32
      %dma_wait3A_891 = arith.constant 0 : i32
      %dma_wait3A_892 = tpu.memref_slice %arg7[%dma_wait3A_890, %dma_wait3A_891] : memref<24x4096xf32, #tpu.memory_space<vmem>> -> memref<8x4096xf32, #tpu.memory_space<vmem>>
      tpu.wait_dma2 semaphore(%arg11 : memref<!tpu.dma_semaphore, #tpu.memory_space<semaphore_mem>>) src(%dma_wait3A_892 : memref<8x4096xf32, #tpu.memory_space<vmem>>) dst(%dma_wait3A_889 : memref<8x4096xf32, #tpu.memory_space<hbm>>)
      %add3A_893 = arith.constant 168 : i32
      %add3A_894 = arith.addi %mul3A_2, %add3A_893 : i32
      %dma_start3A_895 = arith.constant 0 : i32
      %dma_start3A_896 = arith.constant 0 : i32
      %dma_start3A_897 = tpu.memref_slice %arg7[%dma_start3A_895, %dma_start3A_896] : memref<24x4096xf32, #tpu.memory_space<vmem>> -> memref<8x4096xf32, #tpu.memory_space<vmem>>
      %dma_start3A_898 = arith.constant 0 : i32
      %dma_start3A_899 = tpu.memref_slice %arg3[%add3A_894, %dma_start3A_898] : memref<8192x4096xf32, #tpu.memory_space<hbm>> -> memref<8x4096xf32, #tpu.memory_space<hbm>>
      %dma_start3A_900 = arith.constant 0 : i32
      %dma_start3A_901 = arith.constant 0 : i32
      %dma_start3A_902 = tpu.memref_slice %arg7[%dma_start3A_900, %dma_start3A_901] : memref<24x4096xf32, #tpu.memory_space<vmem>> -> memref<8x4096xf32, #tpu.memory_space<vmem>>
      %dma_start3A_903 = arith.constant 0 : i32
      %dma_start3A_904 = tpu.memref_slice %arg3[%add3A_894, %dma_start3A_903] : memref<8192x4096xf32, #tpu.memory_space<hbm>> -> memref<8x4096xf32, #tpu.memory_space<hbm>>
      tpu.enqueue_dma source(%dma_start3A_904 : memref<8x4096xf32, #tpu.memory_space<hbm>>) target(%dma_start3A_902 : memref<8x4096xf32, #tpu.memory_space<vmem>>) target_semaphore(%arg8 : memref<!tpu.dma_semaphore, #tpu.memory_space<semaphore_mem>>)
      %dma_wait3A_905 = arith.constant 16 : i32
      %dma_wait3A_906 = arith.constant 0 : i32
      %dma_wait3A_907 = tpu.memref_slice %arg7[%dma_wait3A_905, %dma_wait3A_906] : memref<24x4096xf32, #tpu.memory_space<vmem>> -> memref<8x4096xf32, #tpu.memory_space<vmem>>
      %dma_wait3A_908 = arith.constant 0 : i32
      %dma_wait3A_909 = tpu.memref_slice %arg3[%add3A_850, %dma_wait3A_908] : memref<8192x4096xf32, #tpu.memory_space<hbm>> -> memref<8x4096xf32, #tpu.memory_space<hbm>>
      %dma_wait3A_910 = arith.constant 16 : i32
      %dma_wait3A_911 = arith.constant 0 : i32
      %dma_wait3A_912 = tpu.memref_slice %arg7[%dma_wait3A_910, %dma_wait3A_911] : memref<24x4096xf32, #tpu.memory_space<vmem>> -> memref<8x4096xf32, #tpu.memory_space<vmem>>
      %dma_wait3A_913 = arith.constant 0 : i32
      %dma_wait3A_914 = tpu.memref_slice %arg3[%add3A_850, %dma_wait3A_913] : memref<8192x4096xf32, #tpu.memory_space<hbm>> -> memref<8x4096xf32, #tpu.memory_space<hbm>>
      tpu.wait_dma2 semaphore(%arg10 : memref<!tpu.dma_semaphore, #tpu.memory_space<semaphore_mem>>) src(%dma_wait3A_914 : memref<8x4096xf32, #tpu.memory_space<hbm>>) dst(%dma_wait3A_912 : memref<8x4096xf32, #tpu.memory_space<vmem>>)
      %add3A_915 = arith.constant 160 : i32
      %add3A_916 = arith.addi %mul3A_2, %add3A_915 : i32
      %dma_start3A_917 = arith.constant 16 : i32
      %dma_start3A_918 = arith.constant 0 : i32
      %dma_start3A_919 = tpu.memref_slice %arg7[%dma_start3A_917, %dma_start3A_918] : memref<24x4096xf32, #tpu.memory_space<vmem>> -> memref<8x4096xf32, #tpu.memory_space<vmem>>
      %dma_start3A_920 = arith.constant 0 : i32
      %dma_start3A_921 = tpu.memref_slice %arg4[%add3A_916, %dma_start3A_920] : memref<8192x4096xf32, #tpu.memory_space<hbm>> -> memref<8x4096xf32, #tpu.memory_space<hbm>>
      %dma_start3A_922 = arith.constant 0 : i32
      %dma_start3A_923 = tpu.memref_slice %arg4[%add3A_916, %dma_start3A_922] : memref<8192x4096xf32, #tpu.memory_space<hbm>> -> memref<8x4096xf32, #tpu.memory_space<hbm>>
      %dma_start3A_924 = arith.constant 16 : i32
      %dma_start3A_925 = arith.constant 0 : i32
      %dma_start3A_926 = tpu.memref_slice %arg7[%dma_start3A_924, %dma_start3A_925] : memref<24x4096xf32, #tpu.memory_space<vmem>> -> memref<8x4096xf32, #tpu.memory_space<vmem>>
      tpu.enqueue_dma source(%dma_start3A_926 : memref<8x4096xf32, #tpu.memory_space<vmem>>) target(%dma_start3A_923 : memref<8x4096xf32, #tpu.memory_space<hbm>>) target_semaphore(%arg13 : memref<!tpu.dma_semaphore, #tpu.memory_space<semaphore_mem>>)
      %dma_wait3A_927 = arith.constant 8 : i32
      %dma_wait3A_928 = arith.constant 0 : i32
      %dma_wait3A_929 = tpu.memref_slice %arg7[%dma_wait3A_927, %dma_wait3A_928] : memref<24x4096xf32, #tpu.memory_space<vmem>> -> memref<8x4096xf32, #tpu.memory_space<vmem>>
      %dma_wait3A_930 = arith.constant 0 : i32
      %dma_wait3A_931 = tpu.memref_slice %arg4[%add3A_872, %dma_wait3A_930] : memref<8192x4096xf32, #tpu.memory_space<hbm>> -> memref<8x4096xf32, #tpu.memory_space<hbm>>
      %dma_wait3A_932 = arith.constant 0 : i32
      %dma_wait3A_933 = tpu.memref_slice %arg4[%add3A_872, %dma_wait3A_932] : memref<8192x4096xf32, #tpu.memory_space<hbm>> -> memref<8x4096xf32, #tpu.memory_space<hbm>>
      %dma_wait3A_934 = arith.constant 8 : i32
      %dma_wait3A_935 = arith.constant 0 : i32
      %dma_wait3A_936 = tpu.memref_slice %arg7[%dma_wait3A_934, %dma_wait3A_935] : memref<24x4096xf32, #tpu.memory_space<vmem>> -> memref<8x4096xf32, #tpu.memory_space<vmem>>
      tpu.wait_dma2 semaphore(%arg12 : memref<!tpu.dma_semaphore, #tpu.memory_space<semaphore_mem>>) src(%dma_wait3A_936 : memref<8x4096xf32, #tpu.memory_space<vmem>>) dst(%dma_wait3A_933 : memref<8x4096xf32, #tpu.memory_space<hbm>>)
      %add3A_937 = arith.constant 176 : i32
      %add3A_938 = arith.addi %mul3A_2, %add3A_937 : i32
      %dma_start3A_939 = arith.constant 8 : i32
      %dma_start3A_940 = arith.constant 0 : i32
      %dma_start3A_941 = tpu.memref_slice %arg7[%dma_start3A_939, %dma_start3A_940] : memref<24x4096xf32, #tpu.memory_space<vmem>> -> memref<8x4096xf32, #tpu.memory_space<vmem>>
      %dma_start3A_942 = arith.constant 0 : i32
      %dma_start3A_943 = tpu.memref_slice %arg3[%add3A_938, %dma_start3A_942] : memref<8192x4096xf32, #tpu.memory_space<hbm>> -> memref<8x4096xf32, #tpu.memory_space<hbm>>
      %dma_start3A_944 = arith.constant 8 : i32
      %dma_start3A_945 = arith.constant 0 : i32
      %dma_start3A_946 = tpu.memref_slice %arg7[%dma_start3A_944, %dma_start3A_945] : memref<24x4096xf32, #tpu.memory_space<vmem>> -> memref<8x4096xf32, #tpu.memory_space<vmem>>
      %dma_start3A_947 = arith.constant 0 : i32
      %dma_start3A_948 = tpu.memref_slice %arg3[%add3A_938, %dma_start3A_947] : memref<8192x4096xf32, #tpu.memory_space<hbm>> -> memref<8x4096xf32, #tpu.memory_space<hbm>>
      tpu.enqueue_dma source(%dma_start3A_948 : memref<8x4096xf32, #tpu.memory_space<hbm>>) target(%dma_start3A_946 : memref<8x4096xf32, #tpu.memory_space<vmem>>) target_semaphore(%arg9 : memref<!tpu.dma_semaphore, #tpu.memory_space<semaphore_mem>>)
      %dma_wait3A_949 = arith.constant 0 : i32
      %dma_wait3A_950 = arith.constant 0 : i32
      %dma_wait3A_951 = tpu.memref_slice %arg7[%dma_wait3A_949, %dma_wait3A_950] : memref<24x4096xf32, #tpu.memory_space<vmem>> -> memref<8x4096xf32, #tpu.memory_space<vmem>>
      %dma_wait3A_952 = arith.constant 0 : i32
      %dma_wait3A_953 = tpu.memref_slice %arg3[%add3A_894, %dma_wait3A_952] : memref<8192x4096xf32, #tpu.memory_space<hbm>> -> memref<8x4096xf32, #tpu.memory_space<hbm>>
      %dma_wait3A_954 = arith.constant 0 : i32
      %dma_wait3A_955 = arith.constant 0 : i32
      %dma_wait3A_956 = tpu.memref_slice %arg7[%dma_wait3A_954, %dma_wait3A_955] : memref<24x4096xf32, #tpu.memory_space<vmem>> -> memref<8x4096xf32, #tpu.memory_space<vmem>>
      %dma_wait3A_957 = arith.constant 0 : i32
      %dma_wait3A_958 = tpu.memref_slice %arg3[%add3A_894, %dma_wait3A_957] : memref<8192x4096xf32, #tpu.memory_space<hbm>> -> memref<8x4096xf32, #tpu.memory_space<hbm>>
      tpu.wait_dma2 semaphore(%arg8 : memref<!tpu.dma_semaphore, #tpu.memory_space<semaphore_mem>>) src(%dma_wait3A_958 : memref<8x4096xf32, #tpu.memory_space<hbm>>) dst(%dma_wait3A_956 : memref<8x4096xf32, #tpu.memory_space<vmem>>)
      %add3A_959 = arith.constant 168 : i32
      %add3A_960 = arith.addi %mul3A_2, %add3A_959 : i32
      %dma_start3A_961 = arith.constant 0 : i32
      %dma_start3A_962 = arith.constant 0 : i32
      %dma_start3A_963 = tpu.memref_slice %arg7[%dma_start3A_961, %dma_start3A_962] : memref<24x4096xf32, #tpu.memory_space<vmem>> -> memref<8x4096xf32, #tpu.memory_space<vmem>>
      %dma_start3A_964 = arith.constant 0 : i32
      %dma_start3A_965 = tpu.memref_slice %arg4[%add3A_960, %dma_start3A_964] : memref<8192x4096xf32, #tpu.memory_space<hbm>> -> memref<8x4096xf32, #tpu.memory_space<hbm>>
      %dma_start3A_966 = arith.constant 0 : i32
      %dma_start3A_967 = tpu.memref_slice %arg4[%add3A_960, %dma_start3A_966] : memref<8192x4096xf32, #tpu.memory_space<hbm>> -> memref<8x4096xf32, #tpu.memory_space<hbm>>
      %dma_start3A_968 = arith.constant 0 : i32
      %dma_start3A_969 = arith.constant 0 : i32
      %dma_start3A_970 = tpu.memref_slice %arg7[%dma_start3A_968, %dma_start3A_969] : memref<24x4096xf32, #tpu.memory_space<vmem>> -> memref<8x4096xf32, #tpu.memory_space<vmem>>
      tpu.enqueue_dma source(%dma_start3A_970 : memref<8x4096xf32, #tpu.memory_space<vmem>>) target(%dma_start3A_967 : memref<8x4096xf32, #tpu.memory_space<hbm>>) target_semaphore(%arg11 : memref<!tpu.dma_semaphore, #tpu.memory_space<semaphore_mem>>)
      %dma_wait3A_971 = arith.constant 16 : i32
      %dma_wait3A_972 = arith.constant 0 : i32
      %dma_wait3A_973 = tpu.memref_slice %arg7[%dma_wait3A_971, %dma_wait3A_972] : memref<24x4096xf32, #tpu.memory_space<vmem>> -> memref<8x4096xf32, #tpu.memory_space<vmem>>
      %dma_wait3A_974 = arith.constant 0 : i32
      %dma_wait3A_975 = tpu.memref_slice %arg4[%add3A_916, %dma_wait3A_974] : memref<8192x4096xf32, #tpu.memory_space<hbm>> -> memref<8x4096xf32, #tpu.memory_space<hbm>>
      %dma_wait3A_976 = arith.constant 0 : i32
      %dma_wait3A_977 = tpu.memref_slice %arg4[%add3A_916, %dma_wait3A_976] : memref<8192x4096xf32, #tpu.memory_space<hbm>> -> memref<8x4096xf32, #tpu.memory_space<hbm>>
      %dma_wait3A_978 = arith.constant 16 : i32
      %dma_wait3A_979 = arith.constant 0 : i32
      %dma_wait3A_980 = tpu.memref_slice %arg7[%dma_wait3A_978, %dma_wait3A_979] : memref<24x4096xf32, #tpu.memory_space<vmem>> -> memref<8x4096xf32, #tpu.memory_space<vmem>>
      tpu.wait_dma2 semaphore(%arg13 : memref<!tpu.dma_semaphore, #tpu.memory_space<semaphore_mem>>) src(%dma_wait3A_980 : memref<8x4096xf32, #tpu.memory_space<vmem>>) dst(%dma_wait3A_977 : memref<8x4096xf32, #tpu.memory_space<hbm>>)
      %add3A_981 = arith.constant 184 : i32
      %add3A_982 = arith.addi %mul3A_2, %add3A_981 : i32
      %dma_start3A_983 = arith.constant 16 : i32
      %dma_start3A_984 = arith.constant 0 : i32
      %dma_start3A_985 = tpu.memref_slice %arg7[%dma_start3A_983, %dma_start3A_984] : memref<24x4096xf32, #tpu.memory_space<vmem>> -> memref<8x4096xf32, #tpu.memory_space<vmem>>
      %dma_start3A_986 = arith.constant 0 : i32
      %dma_start3A_987 = tpu.memref_slice %arg3[%add3A_982, %dma_start3A_986] : memref<8192x4096xf32, #tpu.memory_space<hbm>> -> memref<8x4096xf32, #tpu.memory_space<hbm>>
      %dma_start3A_988 = arith.constant 16 : i32
      %dma_start3A_989 = arith.constant 0 : i32
      %dma_start3A_990 = tpu.memref_slice %arg7[%dma_start3A_988, %dma_start3A_989] : memref<24x4096xf32, #tpu.memory_space<vmem>> -> memref<8x4096xf32, #tpu.memory_space<vmem>>
      %dma_start3A_991 = arith.constant 0 : i32
      %dma_start3A_992 = tpu.memref_slice %arg3[%add3A_982, %dma_start3A_991] : memref<8192x4096xf32, #tpu.memory_space<hbm>> -> memref<8x4096xf32, #tpu.memory_space<hbm>>
      tpu.enqueue_dma source(%dma_start3A_992 : memref<8x4096xf32, #tpu.memory_space<hbm>>) target(%dma_start3A_990 : memref<8x4096xf32, #tpu.memory_space<vmem>>) target_semaphore(%arg10 : memref<!tpu.dma_semaphore, #tpu.memory_space<semaphore_mem>>)
      %dma_wait3A_993 = arith.constant 8 : i32
      %dma_wait3A_994 = arith.constant 0 : i32
      %dma_wait3A_995 = tpu.memref_slice %arg7[%dma_wait3A_993, %dma_wait3A_994] : memref<24x4096xf32, #tpu.memory_space<vmem>> -> memref<8x4096xf32, #tpu.memory_space<vmem>>
      %dma_wait3A_996 = arith.constant 0 : i32
      %dma_wait3A_997 = tpu.memref_slice %arg3[%add3A_938, %dma_wait3A_996] : memref<8192x4096xf32, #tpu.memory_space<hbm>> -> memref<8x4096xf32, #tpu.memory_space<hbm>>
      %dma_wait3A_998 = arith.constant 8 : i32
      %dma_wait3A_999 = arith.constant 0 : i32
      %dma_wait3A_1000 = tpu.memref_slice %arg7[%dma_wait3A_998, %dma_wait3A_999] : memref<24x4096xf32, #tpu.memory_space<vmem>> -> memref<8x4096xf32, #tpu.memory_space<vmem>>
      %dma_wait3A_1001 = arith.constant 0 : i32
      %dma_wait3A_1002 = tpu.memref_slice %arg3[%add3A_938, %dma_wait3A_1001] : memref<8192x4096xf32, #tpu.memory_space<hbm>> -> memref<8x4096xf32, #tpu.memory_space<hbm>>
      tpu.wait_dma2 semaphore(%arg9 : memref<!tpu.dma_semaphore, #tpu.memory_space<semaphore_mem>>) src(%dma_wait3A_1002 : memref<8x4096xf32, #tpu.memory_space<hbm>>) dst(%dma_wait3A_1000 : memref<8x4096xf32, #tpu.memory_space<vmem>>)
      %add3A_1003 = arith.constant 176 : i32
      %add3A_1004 = arith.addi %mul3A_2, %add3A_1003 : i32
      %dma_start3A_1005 = arith.constant 8 : i32
      %dma_start3A_1006 = arith.constant 0 : i32
      %dma_start3A_1007 = tpu.memref_slice %arg7[%dma_start3A_1005, %dma_start3A_1006] : memref<24x4096xf32, #tpu.memory_space<vmem>> -> memref<8x4096xf32, #tpu.memory_space<vmem>>
      %dma_start3A_1008 = arith.constant 0 : i32
      %dma_start3A_1009 = tpu.memref_slice %arg4[%add3A_1004, %dma_start3A_1008] : memref<8192x4096xf32, #tpu.memory_space<hbm>> -> memref<8x4096xf32, #tpu.memory_space<hbm>>
      %dma_start3A_1010 = arith.constant 0 : i32
      %dma_start3A_1011 = tpu.memref_slice %arg4[%add3A_1004, %dma_start3A_1010] : memref<8192x4096xf32, #tpu.memory_space<hbm>> -> memref<8x4096xf32, #tpu.memory_space<hbm>>
      %dma_start3A_1012 = arith.constant 8 : i32
      %dma_start3A_1013 = arith.constant 0 : i32
      %dma_start3A_1014 = tpu.memref_slice %arg7[%dma_start3A_1012, %dma_start3A_1013] : memref<24x4096xf32, #tpu.memory_space<vmem>> -> memref<8x4096xf32, #tpu.memory_space<vmem>>
      tpu.enqueue_dma source(%dma_start3A_1014 : memref<8x4096xf32, #tpu.memory_space<vmem>>) target(%dma_start3A_1011 : memref<8x4096xf32, #tpu.memory_space<hbm>>) target_semaphore(%arg12 : memref<!tpu.dma_semaphore, #tpu.memory_space<semaphore_mem>>)
      %dma_wait3A_1015 = arith.constant 0 : i32
      %dma_wait3A_1016 = arith.constant 0 : i32
      %dma_wait3A_1017 = tpu.memref_slice %arg7[%dma_wait3A_1015, %dma_wait3A_1016] : memref<24x4096xf32, #tpu.memory_space<vmem>> -> memref<8x4096xf32, #tpu.memory_space<vmem>>
      %dma_wait3A_1018 = arith.constant 0 : i32
      %dma_wait3A_1019 = tpu.memref_slice %arg4[%add3A_960, %dma_wait3A_1018] : memref<8192x4096xf32, #tpu.memory_space<hbm>> -> memref<8x4096xf32, #tpu.memory_space<hbm>>
      %dma_wait3A_1020 = arith.constant 0 : i32
      %dma_wait3A_1021 = tpu.memref_slice %arg4[%add3A_960, %dma_wait3A_1020] : memref<8192x4096xf32, #tpu.memory_space<hbm>> -> memref<8x4096xf32, #tpu.memory_space<hbm>>
      %dma_wait3A_1022 = arith.constant 0 : i32
      %dma_wait3A_1023 = arith.constant 0 : i32
      %dma_wait3A_1024 = tpu.memref_slice %arg7[%dma_wait3A_1022, %dma_wait3A_1023] : memref<24x4096xf32, #tpu.memory_space<vmem>> -> memref<8x4096xf32, #tpu.memory_space<vmem>>
      tpu.wait_dma2 semaphore(%arg11 : memref<!tpu.dma_semaphore, #tpu.memory_space<semaphore_mem>>) src(%dma_wait3A_1024 : memref<8x4096xf32, #tpu.memory_space<vmem>>) dst(%dma_wait3A_1021 : memref<8x4096xf32, #tpu.memory_space<hbm>>)
      %add3A_1025 = arith.constant 192 : i32
      %add3A_1026 = arith.addi %mul3A_2, %add3A_1025 : i32
      %dma_start3A_1027 = arith.constant 0 : i32
      %dma_start3A_1028 = arith.constant 0 : i32
      %dma_start3A_1029 = tpu.memref_slice %arg7[%dma_start3A_1027, %dma_start3A_1028] : memref<24x4096xf32, #tpu.memory_space<vmem>> -> memref<8x4096xf32, #tpu.memory_space<vmem>>
      %dma_start3A_1030 = arith.constant 0 : i32
      %dma_start3A_1031 = tpu.memref_slice %arg3[%add3A_1026, %dma_start3A_1030] : memref<8192x4096xf32, #tpu.memory_space<hbm>> -> memref<8x4096xf32, #tpu.memory_space<hbm>>
      %dma_start3A_1032 = arith.constant 0 : i32
      %dma_start3A_1033 = arith.constant 0 : i32
      %dma_start3A_1034 = tpu.memref_slice %arg7[%dma_start3A_1032, %dma_start3A_1033] : memref<24x4096xf32, #tpu.memory_space<vmem>> -> memref<8x4096xf32, #tpu.memory_space<vmem>>
      %dma_start3A_1035 = arith.constant 0 : i32
      %dma_start3A_1036 = tpu.memref_slice %arg3[%add3A_1026, %dma_start3A_1035] : memref<8192x4096xf32, #tpu.memory_space<hbm>> -> memref<8x4096xf32, #tpu.memory_space<hbm>>
      tpu.enqueue_dma source(%dma_start3A_1036 : memref<8x4096xf32, #tpu.memory_space<hbm>>) target(%dma_start3A_1034 : memref<8x4096xf32, #tpu.memory_space<vmem>>) target_semaphore(%arg8 : memref<!tpu.dma_semaphore, #tpu.memory_space<semaphore_mem>>)
      %dma_wait3A_1037 = arith.constant 16 : i32
      %dma_wait3A_1038 = arith.constant 0 : i32
      %dma_wait3A_1039 = tpu.memref_slice %arg7[%dma_wait3A_1037, %dma_wait3A_1038] : memref<24x4096xf32, #tpu.memory_space<vmem>> -> memref<8x4096xf32, #tpu.memory_space<vmem>>
      %dma_wait3A_1040 = arith.constant 0 : i32
      %dma_wait3A_1041 = tpu.memref_slice %arg3[%add3A_982, %dma_wait3A_1040] : memref<8192x4096xf32, #tpu.memory_space<hbm>> -> memref<8x4096xf32, #tpu.memory_space<hbm>>
      %dma_wait3A_1042 = arith.constant 16 : i32
      %dma_wait3A_1043 = arith.constant 0 : i32
      %dma_wait3A_1044 = tpu.memref_slice %arg7[%dma_wait3A_1042, %dma_wait3A_1043] : memref<24x4096xf32, #tpu.memory_space<vmem>> -> memref<8x4096xf32, #tpu.memory_space<vmem>>
      %dma_wait3A_1045 = arith.constant 0 : i32
      %dma_wait3A_1046 = tpu.memref_slice %arg3[%add3A_982, %dma_wait3A_1045] : memref<8192x4096xf32, #tpu.memory_space<hbm>> -> memref<8x4096xf32, #tpu.memory_space<hbm>>
      tpu.wait_dma2 semaphore(%arg10 : memref<!tpu.dma_semaphore, #tpu.memory_space<semaphore_mem>>) src(%dma_wait3A_1046 : memref<8x4096xf32, #tpu.memory_space<hbm>>) dst(%dma_wait3A_1044 : memref<8x4096xf32, #tpu.memory_space<vmem>>)
      %add3A_1047 = arith.constant 184 : i32
      %add3A_1048 = arith.addi %mul3A_2, %add3A_1047 : i32
      %dma_start3A_1049 = arith.constant 16 : i32
      %dma_start3A_1050 = arith.constant 0 : i32
      %dma_start3A_1051 = tpu.memref_slice %arg7[%dma_start3A_1049, %dma_start3A_1050] : memref<24x4096xf32, #tpu.memory_space<vmem>> -> memref<8x4096xf32, #tpu.memory_space<vmem>>
      %dma_start3A_1052 = arith.constant 0 : i32
      %dma_start3A_1053 = tpu.memref_slice %arg4[%add3A_1048, %dma_start3A_1052] : memref<8192x4096xf32, #tpu.memory_space<hbm>> -> memref<8x4096xf32, #tpu.memory_space<hbm>>
      %dma_start3A_1054 = arith.constant 0 : i32
      %dma_start3A_1055 = tpu.memref_slice %arg4[%add3A_1048, %dma_start3A_1054] : memref<8192x4096xf32, #tpu.memory_space<hbm>> -> memref<8x4096xf32, #tpu.memory_space<hbm>>
      %dma_start3A_1056 = arith.constant 16 : i32
      %dma_start3A_1057 = arith.constant 0 : i32
      %dma_start3A_1058 = tpu.memref_slice %arg7[%dma_start3A_1056, %dma_start3A_1057] : memref<24x4096xf32, #tpu.memory_space<vmem>> -> memref<8x4096xf32, #tpu.memory_space<vmem>>
      tpu.enqueue_dma source(%dma_start3A_1058 : memref<8x4096xf32, #tpu.memory_space<vmem>>) target(%dma_start3A_1055 : memref<8x4096xf32, #tpu.memory_space<hbm>>) target_semaphore(%arg13 : memref<!tpu.dma_semaphore, #tpu.memory_space<semaphore_mem>>)
      %dma_wait3A_1059 = arith.constant 8 : i32
      %dma_wait3A_1060 = arith.constant 0 : i32
      %dma_wait3A_1061 = tpu.memref_slice %arg7[%dma_wait3A_1059, %dma_wait3A_1060] : memref<24x4096xf32, #tpu.memory_space<vmem>> -> memref<8x4096xf32, #tpu.memory_space<vmem>>
      %dma_wait3A_1062 = arith.constant 0 : i32
      %dma_wait3A_1063 = tpu.memref_slice %arg4[%add3A_1004, %dma_wait3A_1062] : memref<8192x4096xf32, #tpu.memory_space<hbm>> -> memref<8x4096xf32, #tpu.memory_space<hbm>>
      %dma_wait3A_1064 = arith.constant 0 : i32
      %dma_wait3A_1065 = tpu.memref_slice %arg4[%add3A_1004, %dma_wait3A_1064] : memref<8192x4096xf32, #tpu.memory_space<hbm>> -> memref<8x4096xf32, #tpu.memory_space<hbm>>
      %dma_wait3A_1066 = arith.constant 8 : i32
      %dma_wait3A_1067 = arith.constant 0 : i32
      %dma_wait3A_1068 = tpu.memref_slice %arg7[%dma_wait3A_1066, %dma_wait3A_1067] : memref<24x4096xf32, #tpu.memory_space<vmem>> -> memref<8x4096xf32, #tpu.memory_space<vmem>>
      tpu.wait_dma2 semaphore(%arg12 : memref<!tpu.dma_semaphore, #tpu.memory_space<semaphore_mem>>) src(%dma_wait3A_1068 : memref<8x4096xf32, #tpu.memory_space<vmem>>) dst(%dma_wait3A_1065 : memref<8x4096xf32, #tpu.memory_space<hbm>>)
      %add3A_1069 = arith.constant 200 : i32
      %add3A_1070 = arith.addi %mul3A_2, %add3A_1069 : i32
      %dma_start3A_1071 = arith.constant 8 : i32
      %dma_start3A_1072 = arith.constant 0 : i32
      %dma_start3A_1073 = tpu.memref_slice %arg7[%dma_start3A_1071, %dma_start3A_1072] : memref<24x4096xf32, #tpu.memory_space<vmem>> -> memref<8x4096xf32, #tpu.memory_space<vmem>>
      %dma_start3A_1074 = arith.constant 0 : i32
      %dma_start3A_1075 = tpu.memref_slice %arg3[%add3A_1070, %dma_start3A_1074] : memref<8192x4096xf32, #tpu.memory_space<hbm>> -> memref<8x4096xf32, #tpu.memory_space<hbm>>
      %dma_start3A_1076 = arith.constant 8 : i32
      %dma_start3A_1077 = arith.constant 0 : i32
      %dma_start3A_1078 = tpu.memref_slice %arg7[%dma_start3A_1076, %dma_start3A_1077] : memref<24x4096xf32, #tpu.memory_space<vmem>> -> memref<8x4096xf32, #tpu.memory_space<vmem>>
      %dma_start3A_1079 = arith.constant 0 : i32
      %dma_start3A_1080 = tpu.memref_slice %arg3[%add3A_1070, %dma_start3A_1079] : memref<8192x4096xf32, #tpu.memory_space<hbm>> -> memref<8x4096xf32, #tpu.memory_space<hbm>>
      tpu.enqueue_dma source(%dma_start3A_1080 : memref<8x4096xf32, #tpu.memory_space<hbm>>) target(%dma_start3A_1078 : memref<8x4096xf32, #tpu.memory_space<vmem>>) target_semaphore(%arg9 : memref<!tpu.dma_semaphore, #tpu.memory_space<semaphore_mem>>)
      %dma_wait3A_1081 = arith.constant 0 : i32
      %dma_wait3A_1082 = arith.constant 0 : i32
      %dma_wait3A_1083 = tpu.memref_slice %arg7[%dma_wait3A_1081, %dma_wait3A_1082] : memref<24x4096xf32, #tpu.memory_space<vmem>> -> memref<8x4096xf32, #tpu.memory_space<vmem>>
      %dma_wait3A_1084 = arith.constant 0 : i32
      %dma_wait3A_1085 = tpu.memref_slice %arg3[%add3A_1026, %dma_wait3A_1084] : memref<8192x4096xf32, #tpu.memory_space<hbm>> -> memref<8x4096xf32, #tpu.memory_space<hbm>>
      %dma_wait3A_1086 = arith.constant 0 : i32
      %dma_wait3A_1087 = arith.constant 0 : i32
      %dma_wait3A_1088 = tpu.memref_slice %arg7[%dma_wait3A_1086, %dma_wait3A_1087] : memref<24x4096xf32, #tpu.memory_space<vmem>> -> memref<8x4096xf32, #tpu.memory_space<vmem>>
      %dma_wait3A_1089 = arith.constant 0 : i32
      %dma_wait3A_1090 = tpu.memref_slice %arg3[%add3A_1026, %dma_wait3A_1089] : memref<8192x4096xf32, #tpu.memory_space<hbm>> -> memref<8x4096xf32, #tpu.memory_space<hbm>>
      tpu.wait_dma2 semaphore(%arg8 : memref<!tpu.dma_semaphore, #tpu.memory_space<semaphore_mem>>) src(%dma_wait3A_1090 : memref<8x4096xf32, #tpu.memory_space<hbm>>) dst(%dma_wait3A_1088 : memref<8x4096xf32, #tpu.memory_space<vmem>>)
      %add3A_1091 = arith.constant 192 : i32
      %add3A_1092 = arith.addi %mul3A_2, %add3A_1091 : i32
      %dma_start3A_1093 = arith.constant 0 : i32
      %dma_start3A_1094 = arith.constant 0 : i32
      %dma_start3A_1095 = tpu.memref_slice %arg7[%dma_start3A_1093, %dma_start3A_1094] : memref<24x4096xf32, #tpu.memory_space<vmem>> -> memref<8x4096xf32, #tpu.memory_space<vmem>>
      %dma_start3A_1096 = arith.constant 0 : i32
      %dma_start3A_1097 = tpu.memref_slice %arg4[%add3A_1092, %dma_start3A_1096] : memref<8192x4096xf32, #tpu.memory_space<hbm>> -> memref<8x4096xf32, #tpu.memory_space<hbm>>
      %dma_start3A_1098 = arith.constant 0 : i32
      %dma_start3A_1099 = tpu.memref_slice %arg4[%add3A_1092, %dma_start3A_1098] : memref<8192x4096xf32, #tpu.memory_space<hbm>> -> memref<8x4096xf32, #tpu.memory_space<hbm>>
      %dma_start3A_1100 = arith.constant 0 : i32
      %dma_start3A_1101 = arith.constant 0 : i32
      %dma_start3A_1102 = tpu.memref_slice %arg7[%dma_start3A_1100, %dma_start3A_1101] : memref<24x4096xf32, #tpu.memory_space<vmem>> -> memref<8x4096xf32, #tpu.memory_space<vmem>>
      tpu.enqueue_dma source(%dma_start3A_1102 : memref<8x4096xf32, #tpu.memory_space<vmem>>) target(%dma_start3A_1099 : memref<8x4096xf32, #tpu.memory_space<hbm>>) target_semaphore(%arg11 : memref<!tpu.dma_semaphore, #tpu.memory_space<semaphore_mem>>)
      %dma_wait3A_1103 = arith.constant 16 : i32
      %dma_wait3A_1104 = arith.constant 0 : i32
      %dma_wait3A_1105 = tpu.memref_slice %arg7[%dma_wait3A_1103, %dma_wait3A_1104] : memref<24x4096xf32, #tpu.memory_space<vmem>> -> memref<8x4096xf32, #tpu.memory_space<vmem>>
      %dma_wait3A_1106 = arith.constant 0 : i32
      %dma_wait3A_1107 = tpu.memref_slice %arg4[%add3A_1048, %dma_wait3A_1106] : memref<8192x4096xf32, #tpu.memory_space<hbm>> -> memref<8x4096xf32, #tpu.memory_space<hbm>>
      %dma_wait3A_1108 = arith.constant 0 : i32
      %dma_wait3A_1109 = tpu.memref_slice %arg4[%add3A_1048, %dma_wait3A_1108] : memref<8192x4096xf32, #tpu.memory_space<hbm>> -> memref<8x4096xf32, #tpu.memory_space<hbm>>
      %dma_wait3A_1110 = arith.constant 16 : i32
      %dma_wait3A_1111 = arith.constant 0 : i32
      %dma_wait3A_1112 = tpu.memref_slice %arg7[%dma_wait3A_1110, %dma_wait3A_1111] : memref<24x4096xf32, #tpu.memory_space<vmem>> -> memref<8x4096xf32, #tpu.memory_space<vmem>>
      tpu.wait_dma2 semaphore(%arg13 : memref<!tpu.dma_semaphore, #tpu.memory_space<semaphore_mem>>) src(%dma_wait3A_1112 : memref<8x4096xf32, #tpu.memory_space<vmem>>) dst(%dma_wait3A_1109 : memref<8x4096xf32, #tpu.memory_space<hbm>>)
      %add3A_1113 = arith.constant 208 : i32
      %add3A_1114 = arith.addi %mul3A_2, %add3A_1113 : i32
      %dma_start3A_1115 = arith.constant 16 : i32
      %dma_start3A_1116 = arith.constant 0 : i32
      %dma_start3A_1117 = tpu.memref_slice %arg7[%dma_start3A_1115, %dma_start3A_1116] : memref<24x4096xf32, #tpu.memory_space<vmem>> -> memref<8x4096xf32, #tpu.memory_space<vmem>>
      %dma_start3A_1118 = arith.constant 0 : i32
      %dma_start3A_1119 = tpu.memref_slice %arg3[%add3A_1114, %dma_start3A_1118] : memref<8192x4096xf32, #tpu.memory_space<hbm>> -> memref<8x4096xf32, #tpu.memory_space<hbm>>
      %dma_start3A_1120 = arith.constant 16 : i32
      %dma_start3A_1121 = arith.constant 0 : i32
      %dma_start3A_1122 = tpu.memref_slice %arg7[%dma_start3A_1120, %dma_start3A_1121] : memref<24x4096xf32, #tpu.memory_space<vmem>> -> memref<8x4096xf32, #tpu.memory_space<vmem>>
      %dma_start3A_1123 = arith.constant 0 : i32
      %dma_start3A_1124 = tpu.memref_slice %arg3[%add3A_1114, %dma_start3A_1123] : memref<8192x4096xf32, #tpu.memory_space<hbm>> -> memref<8x4096xf32, #tpu.memory_space<hbm>>
      tpu.enqueue_dma source(%dma_start3A_1124 : memref<8x4096xf32, #tpu.memory_space<hbm>>) target(%dma_start3A_1122 : memref<8x4096xf32, #tpu.memory_space<vmem>>) target_semaphore(%arg10 : memref<!tpu.dma_semaphore, #tpu.memory_space<semaphore_mem>>)
      %dma_wait3A_1125 = arith.constant 8 : i32
      %dma_wait3A_1126 = arith.constant 0 : i32
      %dma_wait3A_1127 = tpu.memref_slice %arg7[%dma_wait3A_1125, %dma_wait3A_1126] : memref<24x4096xf32, #tpu.memory_space<vmem>> -> memref<8x4096xf32, #tpu.memory_space<vmem>>
      %dma_wait3A_1128 = arith.constant 0 : i32
      %dma_wait3A_1129 = tpu.memref_slice %arg3[%add3A_1070, %dma_wait3A_1128] : memref<8192x4096xf32, #tpu.memory_space<hbm>> -> memref<8x4096xf32, #tpu.memory_space<hbm>>
      %dma_wait3A_1130 = arith.constant 8 : i32
      %dma_wait3A_1131 = arith.constant 0 : i32
      %dma_wait3A_1132 = tpu.memref_slice %arg7[%dma_wait3A_1130, %dma_wait3A_1131] : memref<24x4096xf32, #tpu.memory_space<vmem>> -> memref<8x4096xf32, #tpu.memory_space<vmem>>
      %dma_wait3A_1133 = arith.constant 0 : i32
      %dma_wait3A_1134 = tpu.memref_slice %arg3[%add3A_1070, %dma_wait3A_1133] : memref<8192x4096xf32, #tpu.memory_space<hbm>> -> memref<8x4096xf32, #tpu.memory_space<hbm>>
      tpu.wait_dma2 semaphore(%arg9 : memref<!tpu.dma_semaphore, #tpu.memory_space<semaphore_mem>>) src(%dma_wait3A_1134 : memref<8x4096xf32, #tpu.memory_space<hbm>>) dst(%dma_wait3A_1132 : memref<8x4096xf32, #tpu.memory_space<vmem>>)
      %add3A_1135 = arith.constant 200 : i32
      %add3A_1136 = arith.addi %mul3A_2, %add3A_1135 : i32
      %dma_start3A_1137 = arith.constant 8 : i32
      %dma_start3A_1138 = arith.constant 0 : i32
      %dma_start3A_1139 = tpu.memref_slice %arg7[%dma_start3A_1137, %dma_start3A_1138] : memref<24x4096xf32, #tpu.memory_space<vmem>> -> memref<8x4096xf32, #tpu.memory_space<vmem>>
      %dma_start3A_1140 = arith.constant 0 : i32
      %dma_start3A_1141 = tpu.memref_slice %arg4[%add3A_1136, %dma_start3A_1140] : memref<8192x4096xf32, #tpu.memory_space<hbm>> -> memref<8x4096xf32, #tpu.memory_space<hbm>>
      %dma_start3A_1142 = arith.constant 0 : i32
      %dma_start3A_1143 = tpu.memref_slice %arg4[%add3A_1136, %dma_start3A_1142] : memref<8192x4096xf32, #tpu.memory_space<hbm>> -> memref<8x4096xf32, #tpu.memory_space<hbm>>
      %dma_start3A_1144 = arith.constant 8 : i32
      %dma_start3A_1145 = arith.constant 0 : i32
      %dma_start3A_1146 = tpu.memref_slice %arg7[%dma_start3A_1144, %dma_start3A_1145] : memref<24x4096xf32, #tpu.memory_space<vmem>> -> memref<8x4096xf32, #tpu.memory_space<vmem>>
      tpu.enqueue_dma source(%dma_start3A_1146 : memref<8x4096xf32, #tpu.memory_space<vmem>>) target(%dma_start3A_1143 : memref<8x4096xf32, #tpu.memory_space<hbm>>) target_semaphore(%arg12 : memref<!tpu.dma_semaphore, #tpu.memory_space<semaphore_mem>>)
      %dma_wait3A_1147 = arith.constant 0 : i32
      %dma_wait3A_1148 = arith.constant 0 : i32
      %dma_wait3A_1149 = tpu.memref_slice %arg7[%dma_wait3A_1147, %dma_wait3A_1148] : memref<24x4096xf32, #tpu.memory_space<vmem>> -> memref<8x4096xf32, #tpu.memory_space<vmem>>
      %dma_wait3A_1150 = arith.constant 0 : i32
      %dma_wait3A_1151 = tpu.memref_slice %arg4[%add3A_1092, %dma_wait3A_1150] : memref<8192x4096xf32, #tpu.memory_space<hbm>> -> memref<8x4096xf32, #tpu.memory_space<hbm>>
      %dma_wait3A_1152 = arith.constant 0 : i32
      %dma_wait3A_1153 = tpu.memref_slice %arg4[%add3A_1092, %dma_wait3A_1152] : memref<8192x4096xf32, #tpu.memory_space<hbm>> -> memref<8x4096xf32, #tpu.memory_space<hbm>>
      %dma_wait3A_1154 = arith.constant 0 : i32
      %dma_wait3A_1155 = arith.constant 0 : i32
      %dma_wait3A_1156 = tpu.memref_slice %arg7[%dma_wait3A_1154, %dma_wait3A_1155] : memref<24x4096xf32, #tpu.memory_space<vmem>> -> memref<8x4096xf32, #tpu.memory_space<vmem>>
      tpu.wait_dma2 semaphore(%arg11 : memref<!tpu.dma_semaphore, #tpu.memory_space<semaphore_mem>>) src(%dma_wait3A_1156 : memref<8x4096xf32, #tpu.memory_space<vmem>>) dst(%dma_wait3A_1153 : memref<8x4096xf32, #tpu.memory_space<hbm>>)
      %add3A_1157 = arith.constant 216 : i32
      %add3A_1158 = arith.addi %mul3A_2, %add3A_1157 : i32
      %dma_start3A_1159 = arith.constant 0 : i32
      %dma_start3A_1160 = arith.constant 0 : i32
      %dma_start3A_1161 = tpu.memref_slice %arg7[%dma_start3A_1159, %dma_start3A_1160] : memref<24x4096xf32, #tpu.memory_space<vmem>> -> memref<8x4096xf32, #tpu.memory_space<vmem>>
      %dma_start3A_1162 = arith.constant 0 : i32
      %dma_start3A_1163 = tpu.memref_slice %arg3[%add3A_1158, %dma_start3A_1162] : memref<8192x4096xf32, #tpu.memory_space<hbm>> -> memref<8x4096xf32, #tpu.memory_space<hbm>>
      %dma_start3A_1164 = arith.constant 0 : i32
      %dma_start3A_1165 = arith.constant 0 : i32
      %dma_start3A_1166 = tpu.memref_slice %arg7[%dma_start3A_1164, %dma_start3A_1165] : memref<24x4096xf32, #tpu.memory_space<vmem>> -> memref<8x4096xf32, #tpu.memory_space<vmem>>
      %dma_start3A_1167 = arith.constant 0 : i32
      %dma_start3A_1168 = tpu.memref_slice %arg3[%add3A_1158, %dma_start3A_1167] : memref<8192x4096xf32, #tpu.memory_space<hbm>> -> memref<8x4096xf32, #tpu.memory_space<hbm>>
      tpu.enqueue_dma source(%dma_start3A_1168 : memref<8x4096xf32, #tpu.memory_space<hbm>>) target(%dma_start3A_1166 : memref<8x4096xf32, #tpu.memory_space<vmem>>) target_semaphore(%arg8 : memref<!tpu.dma_semaphore, #tpu.memory_space<semaphore_mem>>)
      %dma_wait3A_1169 = arith.constant 16 : i32
      %dma_wait3A_1170 = arith.constant 0 : i32
      %dma_wait3A_1171 = tpu.memref_slice %arg7[%dma_wait3A_1169, %dma_wait3A_1170] : memref<24x4096xf32, #tpu.memory_space<vmem>> -> memref<8x4096xf32, #tpu.memory_space<vmem>>
      %dma_wait3A_1172 = arith.constant 0 : i32
      %dma_wait3A_1173 = tpu.memref_slice %arg3[%add3A_1114, %dma_wait3A_1172] : memref<8192x4096xf32, #tpu.memory_space<hbm>> -> memref<8x4096xf32, #tpu.memory_space<hbm>>
      %dma_wait3A_1174 = arith.constant 16 : i32
      %dma_wait3A_1175 = arith.constant 0 : i32
      %dma_wait3A_1176 = tpu.memref_slice %arg7[%dma_wait3A_1174, %dma_wait3A_1175] : memref<24x4096xf32, #tpu.memory_space<vmem>> -> memref<8x4096xf32, #tpu.memory_space<vmem>>
      %dma_wait3A_1177 = arith.constant 0 : i32
      %dma_wait3A_1178 = tpu.memref_slice %arg3[%add3A_1114, %dma_wait3A_1177] : memref<8192x4096xf32, #tpu.memory_space<hbm>> -> memref<8x4096xf32, #tpu.memory_space<hbm>>
      tpu.wait_dma2 semaphore(%arg10 : memref<!tpu.dma_semaphore, #tpu.memory_space<semaphore_mem>>) src(%dma_wait3A_1178 : memref<8x4096xf32, #tpu.memory_space<hbm>>) dst(%dma_wait3A_1176 : memref<8x4096xf32, #tpu.memory_space<vmem>>)
      %add3A_1179 = arith.constant 208 : i32
      %add3A_1180 = arith.addi %mul3A_2, %add3A_1179 : i32
      %dma_start3A_1181 = arith.constant 16 : i32
      %dma_start3A_1182 = arith.constant 0 : i32
      %dma_start3A_1183 = tpu.memref_slice %arg7[%dma_start3A_1181, %dma_start3A_1182] : memref<24x4096xf32, #tpu.memory_space<vmem>> -> memref<8x4096xf32, #tpu.memory_space<vmem>>
      %dma_start3A_1184 = arith.constant 0 : i32
      %dma_start3A_1185 = tpu.memref_slice %arg4[%add3A_1180, %dma_start3A_1184] : memref<8192x4096xf32, #tpu.memory_space<hbm>> -> memref<8x4096xf32, #tpu.memory_space<hbm>>
      %dma_start3A_1186 = arith.constant 0 : i32
      %dma_start3A_1187 = tpu.memref_slice %arg4[%add3A_1180, %dma_start3A_1186] : memref<8192x4096xf32, #tpu.memory_space<hbm>> -> memref<8x4096xf32, #tpu.memory_space<hbm>>
      %dma_start3A_1188 = arith.constant 16 : i32
      %dma_start3A_1189 = arith.constant 0 : i32
      %dma_start3A_1190 = tpu.memref_slice %arg7[%dma_start3A_1188, %dma_start3A_1189] : memref<24x4096xf32, #tpu.memory_space<vmem>> -> memref<8x4096xf32, #tpu.memory_space<vmem>>
      tpu.enqueue_dma source(%dma_start3A_1190 : memref<8x4096xf32, #tpu.memory_space<vmem>>) target(%dma_start3A_1187 : memref<8x4096xf32, #tpu.memory_space<hbm>>) target_semaphore(%arg13 : memref<!tpu.dma_semaphore, #tpu.memory_space<semaphore_mem>>)
      %dma_wait3A_1191 = arith.constant 8 : i32
      %dma_wait3A_1192 = arith.constant 0 : i32
      %dma_wait3A_1193 = tpu.memref_slice %arg7[%dma_wait3A_1191, %dma_wait3A_1192] : memref<24x4096xf32, #tpu.memory_space<vmem>> -> memref<8x4096xf32, #tpu.memory_space<vmem>>
      %dma_wait3A_1194 = arith.constant 0 : i32
      %dma_wait3A_1195 = tpu.memref_slice %arg4[%add3A_1136, %dma_wait3A_1194] : memref<8192x4096xf32, #tpu.memory_space<hbm>> -> memref<8x4096xf32, #tpu.memory_space<hbm>>
      %dma_wait3A_1196 = arith.constant 0 : i32
      %dma_wait3A_1197 = tpu.memref_slice %arg4[%add3A_1136, %dma_wait3A_1196] : memref<8192x4096xf32, #tpu.memory_space<hbm>> -> memref<8x4096xf32, #tpu.memory_space<hbm>>
      %dma_wait3A_1198 = arith.constant 8 : i32
      %dma_wait3A_1199 = arith.constant 0 : i32
      %dma_wait3A_1200 = tpu.memref_slice %arg7[%dma_wait3A_1198, %dma_wait3A_1199] : memref<24x4096xf32, #tpu.memory_space<vmem>> -> memref<8x4096xf32, #tpu.memory_space<vmem>>
      tpu.wait_dma2 semaphore(%arg12 : memref<!tpu.dma_semaphore, #tpu.memory_space<semaphore_mem>>) src(%dma_wait3A_1200 : memref<8x4096xf32, #tpu.memory_space<vmem>>) dst(%dma_wait3A_1197 : memref<8x4096xf32, #tpu.memory_space<hbm>>)
      %add3A_1201 = arith.constant 224 : i32
      %add3A_1202 = arith.addi %mul3A_2, %add3A_1201 : i32
      %dma_start3A_1203 = arith.constant 8 : i32
      %dma_start3A_1204 = arith.constant 0 : i32
      %dma_start3A_1205 = tpu.memref_slice %arg7[%dma_start3A_1203, %dma_start3A_1204] : memref<24x4096xf32, #tpu.memory_space<vmem>> -> memref<8x4096xf32, #tpu.memory_space<vmem>>
      %dma_start3A_1206 = arith.constant 0 : i32
      %dma_start3A_1207 = tpu.memref_slice %arg3[%add3A_1202, %dma_start3A_1206] : memref<8192x4096xf32, #tpu.memory_space<hbm>> -> memref<8x4096xf32, #tpu.memory_space<hbm>>
      %dma_start3A_1208 = arith.constant 8 : i32
      %dma_start3A_1209 = arith.constant 0 : i32
      %dma_start3A_1210 = tpu.memref_slice %arg7[%dma_start3A_1208, %dma_start3A_1209] : memref<24x4096xf32, #tpu.memory_space<vmem>> -> memref<8x4096xf32, #tpu.memory_space<vmem>>
      %dma_start3A_1211 = arith.constant 0 : i32
      %dma_start3A_1212 = tpu.memref_slice %arg3[%add3A_1202, %dma_start3A_1211] : memref<8192x4096xf32, #tpu.memory_space<hbm>> -> memref<8x4096xf32, #tpu.memory_space<hbm>>
      tpu.enqueue_dma source(%dma_start3A_1212 : memref<8x4096xf32, #tpu.memory_space<hbm>>) target(%dma_start3A_1210 : memref<8x4096xf32, #tpu.memory_space<vmem>>) target_semaphore(%arg9 : memref<!tpu.dma_semaphore, #tpu.memory_space<semaphore_mem>>)
      %dma_wait3A_1213 = arith.constant 0 : i32
      %dma_wait3A_1214 = arith.constant 0 : i32
      %dma_wait3A_1215 = tpu.memref_slice %arg7[%dma_wait3A_1213, %dma_wait3A_1214] : memref<24x4096xf32, #tpu.memory_space<vmem>> -> memref<8x4096xf32, #tpu.memory_space<vmem>>
      %dma_wait3A_1216 = arith.constant 0 : i32
      %dma_wait3A_1217 = tpu.memref_slice %arg3[%add3A_1158, %dma_wait3A_1216] : memref<8192x4096xf32, #tpu.memory_space<hbm>> -> memref<8x4096xf32, #tpu.memory_space<hbm>>
      %dma_wait3A_1218 = arith.constant 0 : i32
      %dma_wait3A_1219 = arith.constant 0 : i32
      %dma_wait3A_1220 = tpu.memref_slice %arg7[%dma_wait3A_1218, %dma_wait3A_1219] : memref<24x4096xf32, #tpu.memory_space<vmem>> -> memref<8x4096xf32, #tpu.memory_space<vmem>>
      %dma_wait3A_1221 = arith.constant 0 : i32
      %dma_wait3A_1222 = tpu.memref_slice %arg3[%add3A_1158, %dma_wait3A_1221] : memref<8192x4096xf32, #tpu.memory_space<hbm>> -> memref<8x4096xf32, #tpu.memory_space<hbm>>
      tpu.wait_dma2 semaphore(%arg8 : memref<!tpu.dma_semaphore, #tpu.memory_space<semaphore_mem>>) src(%dma_wait3A_1222 : memref<8x4096xf32, #tpu.memory_space<hbm>>) dst(%dma_wait3A_1220 : memref<8x4096xf32, #tpu.memory_space<vmem>>)
      %add3A_1223 = arith.constant 216 : i32
      %add3A_1224 = arith.addi %mul3A_2, %add3A_1223 : i32
      %dma_start3A_1225 = arith.constant 0 : i32
      %dma_start3A_1226 = arith.constant 0 : i32
      %dma_start3A_1227 = tpu.memref_slice %arg7[%dma_start3A_1225, %dma_start3A_1226] : memref<24x4096xf32, #tpu.memory_space<vmem>> -> memref<8x4096xf32, #tpu.memory_space<vmem>>
      %dma_start3A_1228 = arith.constant 0 : i32
      %dma_start3A_1229 = tpu.memref_slice %arg4[%add3A_1224, %dma_start3A_1228] : memref<8192x4096xf32, #tpu.memory_space<hbm>> -> memref<8x4096xf32, #tpu.memory_space<hbm>>
      %dma_start3A_1230 = arith.constant 0 : i32
      %dma_start3A_1231 = tpu.memref_slice %arg4[%add3A_1224, %dma_start3A_1230] : memref<8192x4096xf32, #tpu.memory_space<hbm>> -> memref<8x4096xf32, #tpu.memory_space<hbm>>
      %dma_start3A_1232 = arith.constant 0 : i32
      %dma_start3A_1233 = arith.constant 0 : i32
      %dma_start3A_1234 = tpu.memref_slice %arg7[%dma_start3A_1232, %dma_start3A_1233] : memref<24x4096xf32, #tpu.memory_space<vmem>> -> memref<8x4096xf32, #tpu.memory_space<vmem>>
      tpu.enqueue_dma source(%dma_start3A_1234 : memref<8x4096xf32, #tpu.memory_space<vmem>>) target(%dma_start3A_1231 : memref<8x4096xf32, #tpu.memory_space<hbm>>) target_semaphore(%arg11 : memref<!tpu.dma_semaphore, #tpu.memory_space<semaphore_mem>>)
      %dma_wait3A_1235 = arith.constant 16 : i32
      %dma_wait3A_1236 = arith.constant 0 : i32
      %dma_wait3A_1237 = tpu.memref_slice %arg7[%dma_wait3A_1235, %dma_wait3A_1236] : memref<24x4096xf32, #tpu.memory_space<vmem>> -> memref<8x4096xf32, #tpu.memory_space<vmem>>
      %dma_wait3A_1238 = arith.constant 0 : i32
      %dma_wait3A_1239 = tpu.memref_slice %arg4[%add3A_1180, %dma_wait3A_1238] : memref<8192x4096xf32, #tpu.memory_space<hbm>> -> memref<8x4096xf32, #tpu.memory_space<hbm>>
      %dma_wait3A_1240 = arith.constant 0 : i32
      %dma_wait3A_1241 = tpu.memref_slice %arg4[%add3A_1180, %dma_wait3A_1240] : memref<8192x4096xf32, #tpu.memory_space<hbm>> -> memref<8x4096xf32, #tpu.memory_space<hbm>>
      %dma_wait3A_1242 = arith.constant 16 : i32
      %dma_wait3A_1243 = arith.constant 0 : i32
      %dma_wait3A_1244 = tpu.memref_slice %arg7[%dma_wait3A_1242, %dma_wait3A_1243] : memref<24x4096xf32, #tpu.memory_space<vmem>> -> memref<8x4096xf32, #tpu.memory_space<vmem>>
      tpu.wait_dma2 semaphore(%arg13 : memref<!tpu.dma_semaphore, #tpu.memory_space<semaphore_mem>>) src(%dma_wait3A_1244 : memref<8x4096xf32, #tpu.memory_space<vmem>>) dst(%dma_wait3A_1241 : memref<8x4096xf32, #tpu.memory_space<hbm>>)
      %add3A_1245 = arith.constant 232 : i32
      %add3A_1246 = arith.addi %mul3A_2, %add3A_1245 : i32
      %dma_start3A_1247 = arith.constant 16 : i32
      %dma_start3A_1248 = arith.constant 0 : i32
      %dma_start3A_1249 = tpu.memref_slice %arg7[%dma_start3A_1247, %dma_start3A_1248] : memref<24x4096xf32, #tpu.memory_space<vmem>> -> memref<8x4096xf32, #tpu.memory_space<vmem>>
      %dma_start3A_1250 = arith.constant 0 : i32
      %dma_start3A_1251 = tpu.memref_slice %arg3[%add3A_1246, %dma_start3A_1250] : memref<8192x4096xf32, #tpu.memory_space<hbm>> -> memref<8x4096xf32, #tpu.memory_space<hbm>>
      %dma_start3A_1252 = arith.constant 16 : i32
      %dma_start3A_1253 = arith.constant 0 : i32
      %dma_start3A_1254 = tpu.memref_slice %arg7[%dma_start3A_1252, %dma_start3A_1253] : memref<24x4096xf32, #tpu.memory_space<vmem>> -> memref<8x4096xf32, #tpu.memory_space<vmem>>
      %dma_start3A_1255 = arith.constant 0 : i32
      %dma_start3A_1256 = tpu.memref_slice %arg3[%add3A_1246, %dma_start3A_1255] : memref<8192x4096xf32, #tpu.memory_space<hbm>> -> memref<8x4096xf32, #tpu.memory_space<hbm>>
      tpu.enqueue_dma source(%dma_start3A_1256 : memref<8x4096xf32, #tpu.memory_space<hbm>>) target(%dma_start3A_1254 : memref<8x4096xf32, #tpu.memory_space<vmem>>) target_semaphore(%arg10 : memref<!tpu.dma_semaphore, #tpu.memory_space<semaphore_mem>>)
      %dma_wait3A_1257 = arith.constant 8 : i32
      %dma_wait3A_1258 = arith.constant 0 : i32
      %dma_wait3A_1259 = tpu.memref_slice %arg7[%dma_wait3A_1257, %dma_wait3A_1258] : memref<24x4096xf32, #tpu.memory_space<vmem>> -> memref<8x4096xf32, #tpu.memory_space<vmem>>
      %dma_wait3A_1260 = arith.constant 0 : i32
      %dma_wait3A_1261 = tpu.memref_slice %arg3[%add3A_1202, %dma_wait3A_1260] : memref<8192x4096xf32, #tpu.memory_space<hbm>> -> memref<8x4096xf32, #tpu.memory_space<hbm>>
      %dma_wait3A_1262 = arith.constant 8 : i32
      %dma_wait3A_1263 = arith.constant 0 : i32
      %dma_wait3A_1264 = tpu.memref_slice %arg7[%dma_wait3A_1262, %dma_wait3A_1263] : memref<24x4096xf32, #tpu.memory_space<vmem>> -> memref<8x4096xf32, #tpu.memory_space<vmem>>
      %dma_wait3A_1265 = arith.constant 0 : i32
      %dma_wait3A_1266 = tpu.memref_slice %arg3[%add3A_1202, %dma_wait3A_1265] : memref<8192x4096xf32, #tpu.memory_space<hbm>> -> memref<8x4096xf32, #tpu.memory_space<hbm>>
      tpu.wait_dma2 semaphore(%arg9 : memref<!tpu.dma_semaphore, #tpu.memory_space<semaphore_mem>>) src(%dma_wait3A_1266 : memref<8x4096xf32, #tpu.memory_space<hbm>>) dst(%dma_wait3A_1264 : memref<8x4096xf32, #tpu.memory_space<vmem>>)
      %add3A_1267 = arith.constant 224 : i32
      %add3A_1268 = arith.addi %mul3A_2, %add3A_1267 : i32
      %dma_start3A_1269 = arith.constant 8 : i32
      %dma_start3A_1270 = arith.constant 0 : i32
      %dma_start3A_1271 = tpu.memref_slice %arg7[%dma_start3A_1269, %dma_start3A_1270] : memref<24x4096xf32, #tpu.memory_space<vmem>> -> memref<8x4096xf32, #tpu.memory_space<vmem>>
      %dma_start3A_1272 = arith.constant 0 : i32
      %dma_start3A_1273 = tpu.memref_slice %arg4[%add3A_1268, %dma_start3A_1272] : memref<8192x4096xf32, #tpu.memory_space<hbm>> -> memref<8x4096xf32, #tpu.memory_space<hbm>>
      %dma_start3A_1274 = arith.constant 0 : i32
      %dma_start3A_1275 = tpu.memref_slice %arg4[%add3A_1268, %dma_start3A_1274] : memref<8192x4096xf32, #tpu.memory_space<hbm>> -> memref<8x4096xf32, #tpu.memory_space<hbm>>
      %dma_start3A_1276 = arith.constant 8 : i32
      %dma_start3A_1277 = arith.constant 0 : i32
      %dma_start3A_1278 = tpu.memref_slice %arg7[%dma_start3A_1276, %dma_start3A_1277] : memref<24x4096xf32, #tpu.memory_space<vmem>> -> memref<8x4096xf32, #tpu.memory_space<vmem>>
      tpu.enqueue_dma source(%dma_start3A_1278 : memref<8x4096xf32, #tpu.memory_space<vmem>>) target(%dma_start3A_1275 : memref<8x4096xf32, #tpu.memory_space<hbm>>) target_semaphore(%arg12 : memref<!tpu.dma_semaphore, #tpu.memory_space<semaphore_mem>>)
      %dma_wait3A_1279 = arith.constant 0 : i32
      %dma_wait3A_1280 = arith.constant 0 : i32
      %dma_wait3A_1281 = tpu.memref_slice %arg7[%dma_wait3A_1279, %dma_wait3A_1280] : memref<24x4096xf32, #tpu.memory_space<vmem>> -> memref<8x4096xf32, #tpu.memory_space<vmem>>
      %dma_wait3A_1282 = arith.constant 0 : i32
      %dma_wait3A_1283 = tpu.memref_slice %arg4[%add3A_1224, %dma_wait3A_1282] : memref<8192x4096xf32, #tpu.memory_space<hbm>> -> memref<8x4096xf32, #tpu.memory_space<hbm>>
      %dma_wait3A_1284 = arith.constant 0 : i32
      %dma_wait3A_1285 = tpu.memref_slice %arg4[%add3A_1224, %dma_wait3A_1284] : memref<8192x4096xf32, #tpu.memory_space<hbm>> -> memref<8x4096xf32, #tpu.memory_space<hbm>>
      %dma_wait3A_1286 = arith.constant 0 : i32
      %dma_wait3A_1287 = arith.constant 0 : i32
      %dma_wait3A_1288 = tpu.memref_slice %arg7[%dma_wait3A_1286, %dma_wait3A_1287] : memref<24x4096xf32, #tpu.memory_space<vmem>> -> memref<8x4096xf32, #tpu.memory_space<vmem>>
      tpu.wait_dma2 semaphore(%arg11 : memref<!tpu.dma_semaphore, #tpu.memory_space<semaphore_mem>>) src(%dma_wait3A_1288 : memref<8x4096xf32, #tpu.memory_space<vmem>>) dst(%dma_wait3A_1285 : memref<8x4096xf32, #tpu.memory_space<hbm>>)
      %add3A_1289 = arith.constant 240 : i32
      %add3A_1290 = arith.addi %mul3A_2, %add3A_1289 : i32
      %dma_start3A_1291 = arith.constant 0 : i32
      %dma_start3A_1292 = arith.constant 0 : i32
      %dma_start3A_1293 = tpu.memref_slice %arg7[%dma_start3A_1291, %dma_start3A_1292] : memref<24x4096xf32, #tpu.memory_space<vmem>> -> memref<8x4096xf32, #tpu.memory_space<vmem>>
      %dma_start3A_1294 = arith.constant 0 : i32
      %dma_start3A_1295 = tpu.memref_slice %arg3[%add3A_1290, %dma_start3A_1294] : memref<8192x4096xf32, #tpu.memory_space<hbm>> -> memref<8x4096xf32, #tpu.memory_space<hbm>>
      %dma_start3A_1296 = arith.constant 0 : i32
      %dma_start3A_1297 = arith.constant 0 : i32
      %dma_start3A_1298 = tpu.memref_slice %arg7[%dma_start3A_1296, %dma_start3A_1297] : memref<24x4096xf32, #tpu.memory_space<vmem>> -> memref<8x4096xf32, #tpu.memory_space<vmem>>
      %dma_start3A_1299 = arith.constant 0 : i32
      %dma_start3A_1300 = tpu.memref_slice %arg3[%add3A_1290, %dma_start3A_1299] : memref<8192x4096xf32, #tpu.memory_space<hbm>> -> memref<8x4096xf32, #tpu.memory_space<hbm>>
      tpu.enqueue_dma source(%dma_start3A_1300 : memref<8x4096xf32, #tpu.memory_space<hbm>>) target(%dma_start3A_1298 : memref<8x4096xf32, #tpu.memory_space<vmem>>) target_semaphore(%arg8 : memref<!tpu.dma_semaphore, #tpu.memory_space<semaphore_mem>>)
      %dma_wait3A_1301 = arith.constant 16 : i32
      %dma_wait3A_1302 = arith.constant 0 : i32
      %dma_wait3A_1303 = tpu.memref_slice %arg7[%dma_wait3A_1301, %dma_wait3A_1302] : memref<24x4096xf32, #tpu.memory_space<vmem>> -> memref<8x4096xf32, #tpu.memory_space<vmem>>
      %dma_wait3A_1304 = arith.constant 0 : i32
      %dma_wait3A_1305 = tpu.memref_slice %arg3[%add3A_1246, %dma_wait3A_1304] : memref<8192x4096xf32, #tpu.memory_space<hbm>> -> memref<8x4096xf32, #tpu.memory_space<hbm>>
      %dma_wait3A_1306 = arith.constant 16 : i32
      %dma_wait3A_1307 = arith.constant 0 : i32
      %dma_wait3A_1308 = tpu.memref_slice %arg7[%dma_wait3A_1306, %dma_wait3A_1307] : memref<24x4096xf32, #tpu.memory_space<vmem>> -> memref<8x4096xf32, #tpu.memory_space<vmem>>
      %dma_wait3A_1309 = arith.constant 0 : i32
      %dma_wait3A_1310 = tpu.memref_slice %arg3[%add3A_1246, %dma_wait3A_1309] : memref<8192x4096xf32, #tpu.memory_space<hbm>> -> memref<8x4096xf32, #tpu.memory_space<hbm>>
      tpu.wait_dma2 semaphore(%arg10 : memref<!tpu.dma_semaphore, #tpu.memory_space<semaphore_mem>>) src(%dma_wait3A_1310 : memref<8x4096xf32, #tpu.memory_space<hbm>>) dst(%dma_wait3A_1308 : memref<8x4096xf32, #tpu.memory_space<vmem>>)
      %add3A_1311 = arith.constant 232 : i32
      %add3A_1312 = arith.addi %mul3A_2, %add3A_1311 : i32
      %dma_start3A_1313 = arith.constant 16 : i32
      %dma_start3A_1314 = arith.constant 0 : i32
      %dma_start3A_1315 = tpu.memref_slice %arg7[%dma_start3A_1313, %dma_start3A_1314] : memref<24x4096xf32, #tpu.memory_space<vmem>> -> memref<8x4096xf32, #tpu.memory_space<vmem>>
      %dma_start3A_1316 = arith.constant 0 : i32
      %dma_start3A_1317 = tpu.memref_slice %arg4[%add3A_1312, %dma_start3A_1316] : memref<8192x4096xf32, #tpu.memory_space<hbm>> -> memref<8x4096xf32, #tpu.memory_space<hbm>>
      %dma_start3A_1318 = arith.constant 0 : i32
      %dma_start3A_1319 = tpu.memref_slice %arg4[%add3A_1312, %dma_start3A_1318] : memref<8192x4096xf32, #tpu.memory_space<hbm>> -> memref<8x4096xf32, #tpu.memory_space<hbm>>
      %dma_start3A_1320 = arith.constant 16 : i32
      %dma_start3A_1321 = arith.constant 0 : i32
      %dma_start3A_1322 = tpu.memref_slice %arg7[%dma_start3A_1320, %dma_start3A_1321] : memref<24x4096xf32, #tpu.memory_space<vmem>> -> memref<8x4096xf32, #tpu.memory_space<vmem>>
      tpu.enqueue_dma source(%dma_start3A_1322 : memref<8x4096xf32, #tpu.memory_space<vmem>>) target(%dma_start3A_1319 : memref<8x4096xf32, #tpu.memory_space<hbm>>) target_semaphore(%arg13 : memref<!tpu.dma_semaphore, #tpu.memory_space<semaphore_mem>>)
      %dma_wait3A_1323 = arith.constant 8 : i32
      %dma_wait3A_1324 = arith.constant 0 : i32
      %dma_wait3A_1325 = tpu.memref_slice %arg7[%dma_wait3A_1323, %dma_wait3A_1324] : memref<24x4096xf32, #tpu.memory_space<vmem>> -> memref<8x4096xf32, #tpu.memory_space<vmem>>
      %dma_wait3A_1326 = arith.constant 0 : i32
      %dma_wait3A_1327 = tpu.memref_slice %arg4[%add3A_1268, %dma_wait3A_1326] : memref<8192x4096xf32, #tpu.memory_space<hbm>> -> memref<8x4096xf32, #tpu.memory_space<hbm>>
      %dma_wait3A_1328 = arith.constant 0 : i32
      %dma_wait3A_1329 = tpu.memref_slice %arg4[%add3A_1268, %dma_wait3A_1328] : memref<8192x4096xf32, #tpu.memory_space<hbm>> -> memref<8x4096xf32, #tpu.memory_space<hbm>>
      %dma_wait3A_1330 = arith.constant 8 : i32
      %dma_wait3A_1331 = arith.constant 0 : i32
      %dma_wait3A_1332 = tpu.memref_slice %arg7[%dma_wait3A_1330, %dma_wait3A_1331] : memref<24x4096xf32, #tpu.memory_space<vmem>> -> memref<8x4096xf32, #tpu.memory_space<vmem>>
      tpu.wait_dma2 semaphore(%arg12 : memref<!tpu.dma_semaphore, #tpu.memory_space<semaphore_mem>>) src(%dma_wait3A_1332 : memref<8x4096xf32, #tpu.memory_space<vmem>>) dst(%dma_wait3A_1329 : memref<8x4096xf32, #tpu.memory_space<hbm>>)
      %add3A_1333 = arith.constant 248 : i32
      %add3A_1334 = arith.addi %mul3A_2, %add3A_1333 : i32
      %dma_start3A_1335 = arith.constant 8 : i32
      %dma_start3A_1336 = arith.constant 0 : i32
      %dma_start3A_1337 = tpu.memref_slice %arg7[%dma_start3A_1335, %dma_start3A_1336] : memref<24x4096xf32, #tpu.memory_space<vmem>> -> memref<8x4096xf32, #tpu.memory_space<vmem>>
      %dma_start3A_1338 = arith.constant 0 : i32
      %dma_start3A_1339 = tpu.memref_slice %arg3[%add3A_1334, %dma_start3A_1338] : memref<8192x4096xf32, #tpu.memory_space<hbm>> -> memref<8x4096xf32, #tpu.memory_space<hbm>>
      %dma_start3A_1340 = arith.constant 8 : i32
      %dma_start3A_1341 = arith.constant 0 : i32
      %dma_start3A_1342 = tpu.memref_slice %arg7[%dma_start3A_1340, %dma_start3A_1341] : memref<24x4096xf32, #tpu.memory_space<vmem>> -> memref<8x4096xf32, #tpu.memory_space<vmem>>
      %dma_start3A_1343 = arith.constant 0 : i32
      %dma_start3A_1344 = tpu.memref_slice %arg3[%add3A_1334, %dma_start3A_1343] : memref<8192x4096xf32, #tpu.memory_space<hbm>> -> memref<8x4096xf32, #tpu.memory_space<hbm>>
      tpu.enqueue_dma source(%dma_start3A_1344 : memref<8x4096xf32, #tpu.memory_space<hbm>>) target(%dma_start3A_1342 : memref<8x4096xf32, #tpu.memory_space<vmem>>) target_semaphore(%arg9 : memref<!tpu.dma_semaphore, #tpu.memory_space<semaphore_mem>>)
      %dma_wait3A_1345 = arith.constant 0 : i32
      %dma_wait3A_1346 = arith.constant 0 : i32
      %dma_wait3A_1347 = tpu.memref_slice %arg7[%dma_wait3A_1345, %dma_wait3A_1346] : memref<24x4096xf32, #tpu.memory_space<vmem>> -> memref<8x4096xf32, #tpu.memory_space<vmem>>
      %dma_wait3A_1348 = arith.constant 0 : i32
      %dma_wait3A_1349 = tpu.memref_slice %arg3[%add3A_1290, %dma_wait3A_1348] : memref<8192x4096xf32, #tpu.memory_space<hbm>> -> memref<8x4096xf32, #tpu.memory_space<hbm>>
      %dma_wait3A_1350 = arith.constant 0 : i32
      %dma_wait3A_1351 = arith.constant 0 : i32
      %dma_wait3A_1352 = tpu.memref_slice %arg7[%dma_wait3A_1350, %dma_wait3A_1351] : memref<24x4096xf32, #tpu.memory_space<vmem>> -> memref<8x4096xf32, #tpu.memory_space<vmem>>
      %dma_wait3A_1353 = arith.constant 0 : i32
      %dma_wait3A_1354 = tpu.memref_slice %arg3[%add3A_1290, %dma_wait3A_1353] : memref<8192x4096xf32, #tpu.memory_space<hbm>> -> memref<8x4096xf32, #tpu.memory_space<hbm>>
      tpu.wait_dma2 semaphore(%arg8 : memref<!tpu.dma_semaphore, #tpu.memory_space<semaphore_mem>>) src(%dma_wait3A_1354 : memref<8x4096xf32, #tpu.memory_space<hbm>>) dst(%dma_wait3A_1352 : memref<8x4096xf32, #tpu.memory_space<vmem>>)
      %add3A_1355 = arith.constant 240 : i32
      %add3A_1356 = arith.addi %mul3A_2, %add3A_1355 : i32
      %dma_start3A_1357 = arith.constant 0 : i32
      %dma_start3A_1358 = arith.constant 0 : i32
      %dma_start3A_1359 = tpu.memref_slice %arg7[%dma_start3A_1357, %dma_start3A_1358] : memref<24x4096xf32, #tpu.memory_space<vmem>> -> memref<8x4096xf32, #tpu.memory_space<vmem>>
      %dma_start3A_1360 = arith.constant 0 : i32
      %dma_start3A_1361 = tpu.memref_slice %arg4[%add3A_1356, %dma_start3A_1360] : memref<8192x4096xf32, #tpu.memory_space<hbm>> -> memref<8x4096xf32, #tpu.memory_space<hbm>>
      %dma_start3A_1362 = arith.constant 0 : i32
      %dma_start3A_1363 = tpu.memref_slice %arg4[%add3A_1356, %dma_start3A_1362] : memref<8192x4096xf32, #tpu.memory_space<hbm>> -> memref<8x4096xf32, #tpu.memory_space<hbm>>
      %dma_start3A_1364 = arith.constant 0 : i32
      %dma_start3A_1365 = arith.constant 0 : i32
      %dma_start3A_1366 = tpu.memref_slice %arg7[%dma_start3A_1364, %dma_start3A_1365] : memref<24x4096xf32, #tpu.memory_space<vmem>> -> memref<8x4096xf32, #tpu.memory_space<vmem>>
      tpu.enqueue_dma source(%dma_start3A_1366 : memref<8x4096xf32, #tpu.memory_space<vmem>>) target(%dma_start3A_1363 : memref<8x4096xf32, #tpu.memory_space<hbm>>) target_semaphore(%arg11 : memref<!tpu.dma_semaphore, #tpu.memory_space<semaphore_mem>>)
      %dma_wait3A_1367 = arith.constant 8 : i32
      %dma_wait3A_1368 = arith.constant 0 : i32
      %dma_wait3A_1369 = tpu.memref_slice %arg7[%dma_wait3A_1367, %dma_wait3A_1368] : memref<24x4096xf32, #tpu.memory_space<vmem>> -> memref<8x4096xf32, #tpu.memory_space<vmem>>
      %dma_wait3A_1370 = arith.constant 0 : i32
      %dma_wait3A_1371 = tpu.memref_slice %arg3[%add3A_1334, %dma_wait3A_1370] : memref<8192x4096xf32, #tpu.memory_space<hbm>> -> memref<8x4096xf32, #tpu.memory_space<hbm>>
      %dma_wait3A_1372 = arith.constant 8 : i32
      %dma_wait3A_1373 = arith.constant 0 : i32
      %dma_wait3A_1374 = tpu.memref_slice %arg7[%dma_wait3A_1372, %dma_wait3A_1373] : memref<24x4096xf32, #tpu.memory_space<vmem>> -> memref<8x4096xf32, #tpu.memory_space<vmem>>
      %dma_wait3A_1375 = arith.constant 0 : i32
      %dma_wait3A_1376 = tpu.memref_slice %arg3[%add3A_1334, %dma_wait3A_1375] : memref<8192x4096xf32, #tpu.memory_space<hbm>> -> memref<8x4096xf32, #tpu.memory_space<hbm>>
      tpu.wait_dma2 semaphore(%arg9 : memref<!tpu.dma_semaphore, #tpu.memory_space<semaphore_mem>>) src(%dma_wait3A_1376 : memref<8x4096xf32, #tpu.memory_space<hbm>>) dst(%dma_wait3A_1374 : memref<8x4096xf32, #tpu.memory_space<vmem>>)
      %add3A_1377 = arith.constant 248 : i32
      %add3A_1378 = arith.addi %mul3A_2, %add3A_1377 : i32
      %dma_start3A_1379 = arith.constant 8 : i32
      %dma_start3A_1380 = arith.constant 0 : i32
      %dma_start3A_1381 = tpu.memref_slice %arg7[%dma_start3A_1379, %dma_start3A_1380] : memref<24x4096xf32, #tpu.memory_space<vmem>> -> memref<8x4096xf32, #tpu.memory_space<vmem>>
      %dma_start3A_1382 = arith.constant 0 : i32
      %dma_start3A_1383 = tpu.memref_slice %arg4[%add3A_1378, %dma_start3A_1382] : memref<8192x4096xf32, #tpu.memory_space<hbm>> -> memref<8x4096xf32, #tpu.memory_space<hbm>>
      %dma_start3A_1384 = arith.constant 0 : i32
      %dma_start3A_1385 = tpu.memref_slice %arg4[%add3A_1378, %dma_start3A_1384] : memref<8192x4096xf32, #tpu.memory_space<hbm>> -> memref<8x4096xf32, #tpu.memory_space<hbm>>
      %dma_start3A_1386 = arith.constant 8 : i32
      %dma_start3A_1387 = arith.constant 0 : i32
      %dma_start3A_1388 = tpu.memref_slice %arg7[%dma_start3A_1386, %dma_start3A_1387] : memref<24x4096xf32, #tpu.memory_space<vmem>> -> memref<8x4096xf32, #tpu.memory_space<vmem>>
      tpu.enqueue_dma source(%dma_start3A_1388 : memref<8x4096xf32, #tpu.memory_space<vmem>>) target(%dma_start3A_1385 : memref<8x4096xf32, #tpu.memory_space<hbm>>) target_semaphore(%arg12 : memref<!tpu.dma_semaphore, #tpu.memory_space<semaphore_mem>>)
      %dma_wait3A_1389 = arith.constant 16 : i32
      %dma_wait3A_1390 = arith.constant 0 : i32
      %dma_wait3A_1391 = tpu.memref_slice %arg7[%dma_wait3A_1389, %dma_wait3A_1390] : memref<24x4096xf32, #tpu.memory_space<vmem>> -> memref<8x4096xf32, #tpu.memory_space<vmem>>
      %dma_wait3A_1392 = arith.constant 0 : i32
      %dma_wait3A_1393 = tpu.memref_slice %arg4[%add3A_1312, %dma_wait3A_1392] : memref<8192x4096xf32, #tpu.memory_space<hbm>> -> memref<8x4096xf32, #tpu.memory_space<hbm>>
      %dma_wait3A_1394 = arith.constant 0 : i32
      %dma_wait3A_1395 = tpu.memref_slice %arg4[%add3A_1312, %dma_wait3A_1394] : memref<8192x4096xf32, #tpu.memory_space<hbm>> -> memref<8x4096xf32, #tpu.memory_space<hbm>>
      %dma_wait3A_1396 = arith.constant 16 : i32
      %dma_wait3A_1397 = arith.constant 0 : i32
      %dma_wait3A_1398 = tpu.memref_slice %arg7[%dma_wait3A_1396, %dma_wait3A_1397] : memref<24x4096xf32, #tpu.memory_space<vmem>> -> memref<8x4096xf32, #tpu.memory_space<vmem>>
      tpu.wait_dma2 semaphore(%arg13 : memref<!tpu.dma_semaphore, #tpu.memory_space<semaphore_mem>>) src(%dma_wait3A_1398 : memref<8x4096xf32, #tpu.memory_space<vmem>>) dst(%dma_wait3A_1395 : memref<8x4096xf32, #tpu.memory_space<hbm>>)
      %dma_wait3A_1399 = arith.constant 0 : i32
      %dma_wait3A_1400 = arith.constant 0 : i32
      %dma_wait3A_1401 = tpu.memref_slice %arg7[%dma_wait3A_1399, %dma_wait3A_1400] : memref<24x4096xf32, #tpu.memory_space<vmem>> -> memref<8x4096xf32, #tpu.memory_space<vmem>>
      %dma_wait3A_1402 = arith.constant 0 : i32
      %dma_wait3A_1403 = tpu.memref_slice %arg4[%add3A_1356, %dma_wait3A_1402] : memref<8192x4096xf32, #tpu.memory_space<hbm>> -> memref<8x4096xf32, #tpu.memory_space<hbm>>
      %dma_wait3A_1404 = arith.constant 0 : i32
      %dma_wait3A_1405 = tpu.memref_slice %arg4[%add3A_1356, %dma_wait3A_1404] : memref<8192x4096xf32, #tpu.memory_space<hbm>> -> memref<8x4096xf32, #tpu.memory_space<hbm>>
      %dma_wait3A_1406 = arith.constant 0 : i32
      %dma_wait3A_1407 = arith.constant 0 : i32
      %dma_wait3A_1408 = tpu.memref_slice %arg7[%dma_wait3A_1406, %dma_wait3A_1407] : memref<24x4096xf32, #tpu.memory_space<vmem>> -> memref<8x4096xf32, #tpu.memory_space<vmem>>
      tpu.wait_dma2 semaphore(%arg11 : memref<!tpu.dma_semaphore, #tpu.memory_space<semaphore_mem>>) src(%dma_wait3A_1408 : memref<8x4096xf32, #tpu.memory_space<vmem>>) dst(%dma_wait3A_1405 : memref<8x4096xf32, #tpu.memory_space<hbm>>)
      %dma_wait3A_1409 = arith.constant 8 : i32
      %dma_wait3A_1410 = arith.constant 0 : i32
      %dma_wait3A_1411 = tpu.memref_slice %arg7[%dma_wait3A_1409, %dma_wait3A_1410] : memref<24x4096xf32, #tpu.memory_space<vmem>> -> memref<8x4096xf32, #tpu.memory_space<vmem>>
      %dma_wait3A_1412 = arith.constant 0 : i32
      %dma_wait3A_1413 = tpu.memref_slice %arg4[%add3A_1378, %dma_wait3A_1412] : memref<8192x4096xf32, #tpu.memory_space<hbm>> -> memref<8x4096xf32, #tpu.memory_space<hbm>>
      %dma_wait3A_1414 = arith.constant 0 : i32
      %dma_wait3A_1415 = tpu.memref_slice %arg4[%add3A_1378, %dma_wait3A_1414] : memref<8192x4096xf32, #tpu.memory_space<hbm>> -> memref<8x4096xf32, #tpu.memory_space<hbm>>
      %dma_wait3A_1416 = arith.constant 8 : i32
      %dma_wait3A_1417 = arith.constant 0 : i32
      %dma_wait3A_1418 = tpu.memref_slice %arg7[%dma_wait3A_1416, %dma_wait3A_1417] : memref<24x4096xf32, #tpu.memory_space<vmem>> -> memref<8x4096xf32, #tpu.memory_space<vmem>>
      tpu.wait_dma2 semaphore(%arg12 : memref<!tpu.dma_semaphore, #tpu.memory_space<semaphore_mem>>) src(%dma_wait3A_1418 : memref<8x4096xf32, #tpu.memory_space<vmem>>) dst(%dma_wait3A_1415 : memref<8x4096xf32, #tpu.memory_space<hbm>>)
    } else {
    }
    %add3A_8 = arith.constant 256 : i32
    %add3A_9 = arith.addi %mul3A_2, %add3A_8 : i32
    %gt3A = arith.cmpi sgt, %add3A_9, %squeeze3A : i32
    %convert_element_type3A_10 = arith.extui %gt3A : i1 to i32
    %cond3A_11 = arith.constant 0 : i32
    %cond3A_12 = arith.cmpi ne, %convert_element_type3A_10, %cond3A_11 : i32
    scf.if %cond3A_12 {
      %scan3A = arith.constant 0 : i32
      %scan3A_13 = arith.constant 0 : i32
      %scan3A_14 = arith.constant 16 : i32
      %scan3A_15 = arith.addi %scan3A_13, %scan3A_14 : i32
      %scan3A_16 = arith.constant 1 : i32
      scf.for %scan3A_18 = %scan3A_13 to %scan3A_15 step %scan3A_16  : i32 {
        %mul3A_19 = arith.constant 16 : i32
        %mul3A_20 = arith.muli %scan3A_18, %mul3A_19 : i32
        %add3A_21 = arith.addi %mul3A_2, %mul3A_20 : i32
        %iota3A = tpu.iota {dimensions = array<i32: 0>} : vector<16xi32>
        %add3A_22 = vector.broadcast %add3A_21 : i32 to vector<16xi32>
        %add3A_23 = arith.addi %add3A_22, %iota3A : vector<16xi32>
        %sub3A = arith.constant 1 : i32
        %sub3A_24 = arith.subi %squeeze3A, %sub3A : i32
        %min3A = vector.broadcast %sub3A_24 : i32 to vector<16xi32>
        %min3A_25 = arith.minsi %add3A_23, %min3A : vector<16xi32>
        %swap3A = arith.constant 0 : index
        %swap3A_26 = tpu.vector_load %arg6[%swap3A] {strides = array<i32>} : memref<16xi32, #tpu.memory_space<vmem>>, vector<16xi32>,
        %swap3A_27 = vector.shape_cast %swap3A_26 : vector<16xi32> to vector<16xi32>
        %swap3A_28 = vector.shape_cast %min3A_25 : vector<16xi32> to vector<16xi32>
        tpu.vector_store %arg6[%swap3A], %swap3A_28 {strides = array<i32>} : memref<16xi32, #tpu.memory_space<vmem>>, vector<16xi32>,
        %dma_start3A = arith.constant 0 : i32
        %dma_start3A_29 = arith.constant 0 : i32
        %dma_start3A_30 = tpu.memref_slice %arg7[%dma_start3A, %dma_start3A_29] : memref<24x4096xf32, #tpu.memory_space<vmem>> -> memref<16x4096xf32, #tpu.memory_space<vmem>>
        %dma_start3A_31 = arith.constant 0 : i32
        %dma_start3A_32 = arith.constant 0 : i32
        %dma_start3A_33 = tpu.memref_slice %arg3[%dma_start3A_31, %dma_start3A_32] : memref<8192x4096xf32, #tpu.memory_space<hbm>> -> memref<8192x4096xf32, #tpu.memory_space<hbm>>
        tpu.enqueue_indirect_dma source(%dma_start3A_33 : memref<8192x4096xf32, #tpu.memory_space<hbm>>) target(%dma_start3A_30 : memref<16x4096xf32, #tpu.memory_space<vmem>>) offsets(%arg6 : memref<16xi32, #tpu.memory_space<vmem>>) semaphore(%arg8 : memref<!tpu.dma_semaphore, #tpu.memory_space<semaphore_mem>>)
        %dma_wait3A = arith.constant 0 : i32
        %dma_wait3A_34 = arith.constant 0 : i32
        %dma_wait3A_35 = tpu.memref_slice %arg7[%dma_wait3A, %dma_wait3A_34] : memref<24x4096xf32, #tpu.memory_space<vmem>> -> memref<16x4096xf32, #tpu.memory_space<vmem>>
        %dma_wait3A_36 = arith.constant 0 : i32
        %dma_wait3A_37 = arith.constant 0 : i32
        %dma_wait3A_38 = tpu.memref_slice %arg3[%dma_wait3A_36, %dma_wait3A_37] : memref<8192x4096xf32, #tpu.memory_space<hbm>> -> memref<8192x4096xf32, #tpu.memory_space<hbm>>
        tpu.wait_indirect_dma semaphore(%arg8 : memref<!tpu.dma_semaphore, #tpu.memory_space<semaphore_mem>>) src(%dma_wait3A_38 : memref<8192x4096xf32, #tpu.memory_space<hbm>>) dst(%dma_wait3A_35 : memref<16x4096xf32, #tpu.memory_space<vmem>>)
        "tpu.region"() ({
          %run_scoped3A = tpu.sem_alloc : memref<!tpu.dma_semaphore, #tpu.memory_space<semaphore_mem>>
          %dma_start3A_39 = arith.constant 0 : i32
          %dma_start3A_40 = arith.constant 0 : i32
          %dma_start3A_41 = tpu.memref_slice %arg7[%dma_start3A_39, %dma_start3A_40] : memref<24x4096xf32, #tpu.memory_space<vmem>> -> memref<16x4096xf32, #tpu.memory_space<vmem>>
          %dma_start3A_42 = arith.constant 0 : i32
          %dma_start3A_43 = tpu.memref_slice %arg4[%add3A_21, %dma_start3A_42] : memref<8192x4096xf32, #tpu.memory_space<hbm>> -> memref<16x4096xf32, #tpu.memory_space<hbm>>
          %dma_start3A_44 = arith.constant 0 : i32
          %dma_start3A_45 = tpu.memref_slice %arg4[%add3A_21, %dma_start3A_44] : memref<8192x4096xf32, #tpu.memory_space<hbm>> -> memref<16x4096xf32, #tpu.memory_space<hbm>>
          %dma_start3A_46 = arith.constant 0 : i32
          %dma_start3A_47 = arith.constant 0 : i32
          %dma_start3A_48 = tpu.memref_slice %arg7[%dma_start3A_46, %dma_start3A_47] : memref<24x4096xf32, #tpu.memory_space<vmem>> -> memref<16x4096xf32, #tpu.memory_space<vmem>>
          tpu.enqueue_dma source(%dma_start3A_48 : memref<16x4096xf32, #tpu.memory_space<vmem>>) target(%dma_start3A_45 : memref<16x4096xf32, #tpu.memory_space<hbm>>) target_semaphore(%run_scoped3A : memref<!tpu.dma_semaphore, #tpu.memory_space<semaphore_mem>>)
          %dma_wait3A_49 = arith.constant 0 : i32
          %dma_wait3A_50 = arith.constant 0 : i32
          %dma_wait3A_51 = tpu.memref_slice %arg7[%dma_wait3A_49, %dma_wait3A_50] : memref<24x4096xf32, #tpu.memory_space<vmem>> -> memref<16x4096xf32, #tpu.memory_space<vmem>>
          %dma_wait3A_52 = arith.constant 0 : i32
          %dma_wait3A_53 = tpu.memref_slice %arg4[%add3A_21, %dma_wait3A_52] : memref<8192x4096xf32, #tpu.memory_space<hbm>> -> memref<16x4096xf32, #tpu.memory_space<hbm>>
          %dma_wait3A_54 = arith.constant 0 : i32
          %dma_wait3A_55 = tpu.memref_slice %arg4[%add3A_21, %dma_wait3A_54] : memref<8192x4096xf32, #tpu.memory_space<hbm>> -> memref<16x4096xf32, #tpu.memory_space<hbm>>
          %dma_wait3A_56 = arith.constant 0 : i32
          %dma_wait3A_57 = arith.constant 0 : i32
          %dma_wait3A_58 = tpu.memref_slice %arg7[%dma_wait3A_56, %dma_wait3A_57] : memref<24x4096xf32, #tpu.memory_space<vmem>> -> memref<16x4096xf32, #tpu.memory_space<vmem>>
          tpu.wait_dma2 semaphore(%run_scoped3A : memref<!tpu.dma_semaphore, #tpu.memory_space<semaphore_mem>>) src(%dma_wait3A_58 : memref<16x4096xf32, #tpu.memory_space<vmem>>) dst(%dma_wait3A_55 : memref<16x4096xf32, #tpu.memory_space<hbm>>)
          tpu.yield
        }) : () -> ()
      }
      %scan3A_17 = arith.constant 16 : i32
    } else {
    }
    return
  }
}

</mosaic_0001>

<sc_bundles>
// kernel: kernel.3.cloned.1.call-start
scs
__scs_entry_jumppad:
0x0: {  	(pc) =	sbr.rel $0x88, $3  }
0x1: {  	(tag) =	ssettag $0x0;
	lr =	simm.s32 $0x1  }
0x2: {  	[smem:$0x3F9F] =	sst lr;
	_ =	strace $0xD0000000  }
0x3: {  	_ = 	snop  }
0x4: {  	_ = 	snop  }
0x5: {  	_ = 	snop  }
0x6: {  	_ = 	snop  }
0x7: {  	_ = 	snop  }
__scs_overlays_trampoline_lowered:
0x8: {  	[smem:$0x3FAE] =	sst s0  }
0x9: {  	[smem:$0x3FAF] =	sst s1  }
0xa: {  	[smem:$0x3FB0] =	sst s2  }
0xb: {  	[smem:$0x3FB1] =	sst s3  }
0xc: {  	[smem:$0x3FB2] =	sst s4  }
0xd: {  	[smem:$0x3FB3] =	sst s5  }
0xe: {  	[smem:$0x3FB4] =	sst s6  }
0xf: {  	[smem:$0x3FB5] =	sst s7  }
0x10: {  	[smem:$0x3FB6] =	sst s8  }
0x11: {  	[smem:$0x3FB7] =	sst s9;
	s0 =	simm.s32 @!p0 $0x0  }
0x12: {  	s1 =	sld [smem:$0x3F9D];
	s0 =	simm.s32 @p0 $0x1  }
0x13: {  	[smem:$0x3FB8] =	sst s0;
	s0 =	simm.s32 @!p1 $0x0  }
0x14: {  	s2 =	sld [smem:$0x3F9C];
	s0 =	simm.s32 @p1 $0x1  }
0x15: {  	[smem:$0x3FB9] =	sst s0;
	s0 =	simm.s32 @!p2 $0x0  }
0x16: {  	s3 =	sld [smem:$0x3FDB];
	s0 =	simm.s32 @p2 $0x1  }
0x17: {  	s4 =	simm.s32 $0x1BF5;
	[smem:$0x3FBB] =	sst s0  }
0x18: {  	s0 =	sld [smem:$0x3F9E];
	_ =	swait.ge [sflag:s4], $0x0  }
0x19: {  	s7 =	sld [smem:$0x3F9F]  }
0x1a: {  	s8 =	sadd.s32 $0xFFFFE003, lr  }
0x1b: {  	s9 =	sadd.s32 $0xFFFFFEF7, lr;
	s5 =	simm.s32 $0xFFFFFFFF;
	p2 =	slt.u32 s8, $0xFFFFF086  }
0x1c: {  	p1 =	slt.u32 s9, $0xF7A;
	s5 =	simm.s32 @!p2 $0x0  }
0x1d: {  	s5 =	simm.s32 @p1 $0x1;
	p0 =	seq.s32 s7, s2  }
0x1e: {  	s7 =	smul.u32 @!p0 $0xF7A, s2;
	p2 =	seq.s32 @!p0 s5, $0x0  }
0x1f: {  	s9 =	smul.u32 $0xF7A, s1;
	s8 =	simm.s32 @!p0 $0x1BF5;
	p2 =	por !p2, p0  }
0x20: {  	[sflag:s8] =	ssyncset.s32 @!p0 $0xFFFFF086;
	s6 =	sadd.s32 @!p0 s3, s7;
	s7 =	simm.s32 @!p0 $0x108  }
0x21: {  	s3 =	sadd.s32 s3, s9;
	s6 =	sadd.s32 @!p0 $0x88, s6;
	s7 =	simm.s32 @p2 $0x1082  }
0x22: {  	[simem:s7], [sflag:s8] =	dma.local @!p0 [hbm:s6], $0xF7A  }
0x23: {  	s9 =	sor.u32 $0xD0000000, s2;
	s6 =	simm.s32 $0x108;
	_ =	swait.ge @!p0 [sflag:s8], $0x0  }
0x24: {  	s3 =	sadd.s32 $0x88, s3;
	s6 =	simm.s32 @!p1 $0x1082;
	[sflag:s4] =	ssyncset.s32 $0xFFFFF086  }
0x25: {  	[simem:s6], [sflag:s4] =	dma.local [hbm:s3], $0xF7A  }
0x26: {  	[smem:$0x3F9F] =	sst s1;
	(tag) =	ssettag s2;
	_ =	strace s9  }
0x27: {  	s1 =	sld [smem:$0x3FAF]  }
0x28: {  	s2 =	sld [smem:$0x3FB0]  }
0x29: {  	s4 =	sld [smem:$0x3FB2]  }
0x2a: {  	p0 =	seq.s32 s5, $0x0;
	s5 =	sld [smem:$0x3FB3]  }
0x2b: {  	s6 =	sld [smem:$0x3FB4]  }
0x2c: {  	s7 =	sld [smem:$0x3FB5]  }
0x2d: {  	s3 =	simm.s32 $0x108;
	s8 =	sld [smem:$0x3FB6]  }
0x2e: {  	s3 =	simm.s32 @!p0 $0x1082;
	s9 =	sld [smem:$0x3FB7]  }
0x2f: {  	lr =	sadd.s32 s0, s3;
	s0 =	sld [smem:$0x3FAE]  }
0x30: {  	s3 =	sld [smem:$0x3FB1]  }
0x31: {  	[smem:$0x3FBA] =	sst s10  }
0x32: {  	s10 =	sld [smem:$0x3FB8];
	_ =	sdelay $0x3  }
0x33: {  	p0 =	seq.s32 s10, $0x1;
	s10 =	sld [smem:$0x3FBA];
	_ =	sdelay $0x3  }
0x34: {  	[smem:$0x3FBA] =	sst s10  }
0x35: {  	s10 =	sld [smem:$0x3FB9];
	_ =	sdelay $0x3  }
0x36: {  	p1 =	seq.s32 s10, $0x1;
	s10 =	sld [smem:$0x3FBA];
	_ =	sdelay $0x3  }
0x37: {  	[smem:$0x3FBA] =	sst s10  }
0x38: {  	s10 =	sld [smem:$0x3FBB]  }
0x39: {  	_ = 	snop;
	(pc) =	sbr.ind lr, $3  }
0x3a: {  	_ = 	snop  }
0x3b: {  	_ = 	snop  }
0x3c: {  	p2 =	seq.s32 s10, $0x1;
	s10 =	sld [smem:$0x3FBA]  }
0x3d: {  	_ =	shalt  }
0x3e: {  	_ =	shalt  }
0x3f: {  	_ =	shalt  }
0x40: {  	_ =	shalt  }
0x41: {  	_ =	shalt  }
0x42: {  	_ =	shalt  }
0x43: {  	_ =	shalt  }
0x44: {  	_ =	shalt  }
0x45: {  	_ =	shalt  }
0x46: {  	_ =	shalt  }
0x47: {  	_ =	shalt  }
0x48: {  	_ =	shalt  }
0x49: {  	_ =	shalt  }
0x4a: {  	_ =	shalt  }
0x4b: {  	_ =	shalt  }
0x4c: {  	_ =	shalt  }
0x4d: {  	_ =	shalt  }
0x4e: {  	_ =	shalt  }
0x4f: {  	_ =	shalt  }
0x50: {  	_ =	shalt  }
0x51: {  	_ =	shalt  }
0x52: {  	_ =	shalt  }
0x53: {  	_ =	shalt  }
0x54: {  	_ =	shalt  }
0x55: {  	_ =	shalt  }
0x56: {  	_ =	shalt  }
0x57: {  	_ =	shalt  }
0x58: {  	_ =	shalt  }
0x59: {  	_ =	shalt  }
0x5a: {  	_ =	shalt  }
0x5b: {  	_ =	shalt  }
0x5c: {  	_ =	shalt  }
0x5d: {  	_ =	shalt  }
0x5e: {  	_ =	shalt  }
0x5f: {  	_ =	shalt  }
0x60: {  	_ =	shalt  }
0x61: {  	_ =	shalt  }
0x62: {  	_ =	shalt  }
0x63: {  	_ =	shalt  }
0x64: {  	_ =	shalt  }
0x65: {  	_ =	shalt  }
0x66: {  	_ =	shalt  }
0x67: {  	_ =	shalt  }
0x68: {  	_ =	shalt  }
0x69: {  	_ =	shalt  }
0x6a: {  	_ =	shalt  }
0x6b: {  	_ =	shalt  }
0x6c: {  	_ =	shalt  }
0x6d: {  	_ =	shalt  }
0x6e: {  	_ =	shalt  }
0x6f: {  	_ =	shalt  }
0x70: {  	_ =	shalt  }
0x71: {  	_ =	shalt  }
0x72: {  	_ =	shalt  }
0x73: {  	_ =	shalt  }
0x74: {  	_ =	shalt  }
0x75: {  	_ =	shalt  }
0x76: {  	_ =	shalt  }
0x77: {  	_ =	shalt  }
0x78: {  	_ =	shalt  }
0x79: {  	_ =	shalt  }
0x7a: {  	_ =	shalt  }
0x7b: {  	_ =	shalt  }
0x7c: {  	_ =	shalt  }
0x7d: {  	_ =	shalt  }
0x7e: {  	_ =	shalt  }
0x7f: {  	_ =	shalt  }
0x80: {  	_ =	shalt  }
0x81: {  	_ =	shalt  }
0x82: {  	_ =	shalt  }
0x83: {  	_ =	shalt  }
0x84: {  	_ =	shalt  }
0x85: {  	_ =	shalt  }
0x86: {  	_ =	shalt  }
0x87: {  	_ =	shalt  }
.Lfunc_end0:
.L_simem_size_0:
called_computation_lowered:
.L_overlay_start_0:
0x88: {  	s2 =	sld [smem:$0x3FD9]  }
0x89: {  	s3 =	sld [smem:$0x3FFE];
	_ =	sdelay $0x1  }
0x8a: {  	s1 =	srdreg.scid  }
0x8b: {  	s0 =	sand.u32 $0x1, s1  }
0x8c: {  	s17 =	sshll.u32 s0, $0xA;
	s2 =	sadd.s32 s3, s2  }
0x8d: {  	s2 =	sadd.s32 s2, s17  }
0x8e: {  	[smem:$0x3FC6] =	sst s2  }
0x8f: {  	_ = 	snop  }
0x90: {  	s2 =	sld [smem:$0x3FC8]  }
0x91: {  	s18 =	sld [smem:$0x3FD0];
	(tm) =	ssettm $0x1  }
0x92: {  	s4 =	sld [smem:$0x3FFB];
	_ =	sdelay $0x3  }
0x93: {  	_ =	strace s4  }
0x94: {  	s4 =	sld [smem:$0x3FFC];
	_ =	sdelay $0x3  }
0x95: {  	_ =	strace s4  }
0x96: {  	s4 =	sld [smem:$0x3FFD];
	_ =	sdelay $0x3  }
0x97: {  	_ =	strace s4  }
0x98: {  	_ =	strace $0x8FFFFFFF  }
0x99: {  	s19 =	sld [smem:$0x3FDB];
	_ =	sdelay $0x1  }
0x9a: {  	s5 =	simm.s32 $_scs_section_size  }
0x9b: {  	s6 =	simm.s32 $_size__tile_overlayer_lowered;
	s7 =	simm.s32 $_tile_overlayer_lowered  }
0x9c: {  	s22 =	simm.s32 $0x1BFF;
	s21 =	sshll.u32 s7, $0x1;
	s4 =	sadd.s32 s5, s19  }
0x9d: {  	s8 =	simm.s32 $0x0;
	s20 =	sshll.u32 s6, $0x1;
	s6 =	sadd.s32 s21, s4  }
0x9e: {  	[timem:s8], [sflag:s22] =	dma.local [hbm:s6], s20  }
0x9f: {  	_ =	swait.ge [sflag:s22], s20  }
0xa0: {  	s5 =	ssub.s32 $0x0, s20;
	[sflag:s22] =	ssyncset.done $0x0  }
0xa1: {  	[sflag:s22] =	ssyncadd.s32 s5;
	_ =	sdelay $0x1  }
0xa2: {  	s23 =	simm.s32 $0x1B8B  }
0xa3: {  	_ =	swait.ge [sflag:s23], $0x1  }
0xa4: {  	[sflag:s23] =	ssyncset.done $0x0  }
0xa5: {  	s25 =	simm.s32 $0x1B8E;
	s24 =	sld [smem:$0x3FFE];
	[sflag:s23] =	ssyncadd.s32 $0xFFFFFFFF  }
0xa6: {  	s26 =	simm.s32 $execute0_lowered;
	[smem:$0x3FD2] =	sst s25  }
0xa7: {  	s6 =	sshll.u32 s26, $0x1;
	_ =	strace $0x80000046;
	[dreg:$0x1] =	wrdreg $0xFFFFFFFF  }
0xa8: {  	s28 =	simm.s32 $_size_execute0_lowered;
	s4 =	sadd.s32 s4, s6;
	[dreg:$0x0] =	wrdreg $0x0  }
0xa9: {  	s6 =	sshll.u32 s28, $0x1;
	[dreg:$0x2] =	wrdreg s4  }
0xaa: {  	[dreg:$0x3] =	wrdreg s6  }
0xab: {  	[dreg:$0x4] =	wrdreg $0xC0  }
0xac: {  	_ =	task [dreg:s8], $0x5FFFF  }
0xad: {  	[dreg:$0x1] =	wrdreg $0xFFFFFFFF  }
0xae: {  	[dreg:$0x0] =	wrdreg $0x60  }
0xaf: {  	[dreg:$0x2] =	wrdreg s24  }
0xb0: {  	[dreg:$0x3] =	wrdreg s2  }
0xb1: {  	[dreg:$0x4] =	wrdreg s18  }
0xb2: {  	[dreg:$0x5] =	wrdreg $0x9  }
0xb3: {  	_ =	task.clear_ibuf [dreg:s8], $0x6FFFF;
	_ =	strace $0x90000046  }
0xb4: {  	s29 =	simm.s32 $0x9;
	_ =	strace $0x80000048  }
0xb5: {  	_ =	swait.ge [sflag:s29], $0x1  }
0xb6: {  	[sflag:s29] =	ssyncadd.s32 $0xFFFFFFFF  }
0xb7: {  	_ =	strace $0x90000048  }
0xb8: {  	_ =	sfence  }
0xb9: {  	s30 =	sld [smem:$0x0];
	_ =	sdelay $0x2  }
0xba: {  	s31 =	sshll.u32 s1, $0xD;
	s1 =	sshrl.u32 s1, $0x2  }
0xbb: {  	s3 =	sand.u32 $0x4000, s31;
	s1 =	sadd.s32 s1, s30  }
0xbc: {  	s0 =	sor.u32 s3, s0;
	s1 =	sshll.u32 s1, $0x11  }
0xbd: {  	s0 =	sor.u32 s1, s0  }
0xbe: {  	s0 =	sadd.s32 $0x8F2B, s0  }
0xbf: {  	[sflag:s0] =	ssyncadd.remote.s32 $0x1  }
0xc0: {  	_ =	sfence.sel $0xFFFF  }
0xc1: {  	[dreg:$0x0] =	wrdreg $0xFFFFFFFF;
	(pc) =	sbr.abs _section_cstart, $3  }
0xc2: {  	[dreg:$0x1] =	wrdreg $0xFFFFFFFF  }
0xc3: {  	_ =	task.clear_ibuf [dreg:s8], $0x2FFFF;
	_ =	strace $0x9FFFFFFF  }
0xc4: {  	(tm) =	ssettm $0x7FFFFFFF  }
0xc5: {  	_ =	shalt  }
tec
execute0_lowered:
.L_overlay_start_1:
0x0: {  	(tag) =	ssettag $0x1  }
0x1: {  	s3 =	rddreg [dreg:$0x0]  }
0x2: {  	s1 =	rddreg [dreg:$0x1]  }
0x3: {  	s0 =	rddreg [dreg:$0x2];
	s2 =	simm.s32 $0x0  }
0x4: {  	[smem:$0x7FF] =	sst s2;
	s3 =	sadd.s32 $0x400, s3  }
0x5: {  	s24 =	simm.s32 $0x900;
	_ =	strace $0x80000047;
	[dreg:$0x1e] =	wrdreg s3  }
0x6: {  	s25 =	simm.s32 $0x1100;
	[dreg:$0x4] =	wrdreg s24  }
0x7: {  	s26 =	simm.s32 $0x1900;
	[dreg:$0x5] =	wrdreg s25  }
0x8: {  	s11 =	simm.s32 $0x2100;
	[dreg:$0x6] =	wrdreg s26  }
0x9: {  	s13 =	simm.s32 $0x2900;
	[dreg:$0x7] =	wrdreg s11  }
0xa: {  	s14 =	simm.s32 $0x3100;
	[dreg:$0x8] =	wrdreg s13  }
0xb: {  	s15 =	simm.s32 $0x3900;
	[dreg:$0x9] =	wrdreg s14  }
0xc: {  	s17 =	simm.s32 $0x4100;
	[dreg:$0xa] =	wrdreg s15  }
0xd: {  	s19 =	simm.s32 $0x4900;
	[dreg:$0xb] =	wrdreg s17  }
0xe: {  	s4 =	srdreg.scid;
	s20 =	simm.s32 $0x5100;
	[dreg:$0xc] =	wrdreg s19  }
0xf: {  	s10 =	stileid.u32;
	[dreg:$0xd] =	wrdreg s20;
	s24 =	simm.s32 $0x6100  }
0x10: {  	s6 =	sand.u32 $0x1, s4;
	s25 =	simm.s32 $0x6900;
	[dreg:$0xf] =	wrdreg s24  }
0x11: {  	s5 =	sshll.u32 s10, $0x9;
	s14 =	simm.s32 $0x7900;
	[dreg:$0x10] =	wrdreg s25  }
0x12: {  	s10 =	sshll.u32 s10, $0x12;
	s15 =	simm.s32 $0x8900;
	[dreg:$0x12] =	wrdreg s14  }
0x13: {  	s22 =	ssub.s32 $0x2, s6;
	s17 =	simm.s32 $0x9100;
	[dreg:$0x13] =	wrdreg s15  }
0x14: {  	s7 =	sshll.u32 s6, $0x8;
	s19 =	simm.s32 $0x9900;
	[dreg:$0x14] =	wrdreg s17  }
0x15: {  	s20 =	simm.s32 $0xA100;
	s10 =	sadd.s32 s10, s0;
	[dreg:$0x15] =	wrdreg s19  }
0x16: {  	s6 =	sshll.u32 s6, $0x11;
	[dreg:$0x16] =	wrdreg s20;
	s24 =	simm.s32 $0xB100  }
0x17: {  	s23 =	sshrl.u32 s22, $0x1;
	s25 =	simm.s32 $0xB900;
	[dreg:$0x18] =	wrdreg s24  }
0x18: {  	s5 =	sor.u32 s7, s5;
	s6 =	sadd.s32 s6, s10;
	[dreg:$0x19] =	wrdreg s25  }
0x19: {  	s14 =	simm.s32 $0xD900;
	s3 =	ssub.s32 s22, s23;
	[smem:$0x7C7] =	sst s6  }
0x1a: {  	s4 =	sshll.u32 s5, $0x9;
	s22 =	simm.s32 $0x5900;
	[dreg:$0x1d] =	wrdreg s14  }
0x1b: {  	s8 =	sor.u32 $0x1000, s4;
	[dreg:$0xe] =	wrdreg s22;
	s22 =	simm.s32 $0xA900  }
0x1c: {  	s12 =	sor.u32 $0x2000, s4;
	s9 =	sadd.s32 s1, s8;
	[dreg:$0x17] =	wrdreg s22  }
0x1d: {  	s11 =	sadd.s32 s1, s12;
	[dreg:$0x1f] =	wrdreg s9  }
0x1e: {  	s16 =	sor.u32 $0x3000, s4;
	s8 =	sadd.s32 s0, s8;
	[smem:$0x7BC] =	sst s11  }
0x1f: {  	s21 =	sor.u32 $0x4000, s4;
	s18 =	sadd.s32 s1, s16;
	[smem:$0x7BD] =	sst s8  }
0x20: {  	s26 =	sor.u32 $0x5000, s4;
	s23 =	sadd.s32 s1, s21;
	[smem:$0x7BE] =	sst s18  }
0x21: {  	s24 =	sor.u32 $0xC000, s4;
	s13 =	sadd.s32 s1, s26;
	[smem:$0x7C0] =	sst s23  }
0x22: {  	s25 =	sadd.s32 s1, s24;
	[smem:$0x7C2] =	sst s13  }
0x23: {  	s9 =	sadd.s32 s0, s12;
	[smem:$0x7D2] =	sst s25  }
0x24: {  	s8 =	sadd.s32 s0, s16;
	[smem:$0x7BF] =	sst s9  }
0x25: {  	s12 =	simm.s32 $0x7100;
	[smem:$0x7C1] =	sst s8  }
0x26: {  	s11 =	simm.s32 $0xC900;
	[dreg:$0x11] =	wrdreg s12  }
0x27: {  	s16 =	sor.u32 $0x6000, s4;
	s9 =	sadd.s32 s0, s21;
	[dreg:$0x1b] =	wrdreg s11  }
0x28: {  	s18 =	sadd.s32 s1, s16;
	[smem:$0x7C3] =	sst s9  }
0x29: {  	s8 =	sadd.s32 s0, s26;
	[smem:$0x7C4] =	sst s18  }
0x2a: {  	s26 =	simm.s32 $0xC100;
	[smem:$0x7C5] =	sst s8  }
0x2b: {  	s13 =	sor.u32 $0x8000, s4;
	s12 =	simm.s32 $0xD100;
	[dreg:$0x1a] =	wrdreg s26  }
0x2c: {  	s15 =	sadd.s32 s1, s13;
	[dreg:$0x1c] =	wrdreg s12  }
0x2d: {  	s21 =	sor.u32 $0x7000, s4;
	s17 =	sadd.s32 s0, s13;
	[smem:$0x7C9] =	sst s15  }
0x2e: {  	s23 =	sadd.s32 s1, s21;
	[smem:$0x7CB] =	sst s17  }
0x2f: {  	s9 =	sadd.s32 s0, s16;
	[smem:$0x7C6] =	sst s23  }
0x30: {  	s20 =	sor.u32 $0xA000, s4;
	s16 =	sadd.s32 s0, s21;
	[smem:$0x7C8] =	sst s9  }
0x31: {  	s11 =	sor.u32 $0xF000, s4;
	s21 =	sadd.s32 s1, s20;
	[smem:$0x7CA] =	sst s16  }
0x32: {  	s13 =	sor.u32 $0x10000, s4;
	s12 =	sadd.s32 s1, s11;
	[smem:$0x7CE] =	sst s21  }
0x33: {  	s18 =	sor.u32 $0x9000, s4;
	s14 =	sadd.s32 s1, s13;
	[smem:$0x7D8] =	sst s12  }
0x34: {  	s19 =	sadd.s32 s1, s18;
	[smem:$0x7DA] =	sst s14  }
0x35: {  	s22 =	sor.u32 $0xB000, s4;
	s6 =	sadd.s32 s0, s18;
	[smem:$0x7CC] =	sst s19  }
0x36: {  	s26 =	sor.u32 $0xD000, s4;
	s23 =	sadd.s32 s1, s22;
	[smem:$0x7CD] =	sst s6  }
0x37: {  	s15 =	sor.u32 $0x11000, s4;
	s8 =	sadd.s32 s1, s26;
	[smem:$0x7D0] =	sst s23  }
0x38: {  	s17 =	sor.u32 $0x12000, s4;
	s16 =	sadd.s32 s1, s15;
	[smem:$0x7D4] =	sst s8  }
0x39: {  	s18 =	sadd.s32 s1, s17;
	[smem:$0x7DC] =	sst s16  }
0x3a: {  	s9 =	sor.u32 $0xE000, s4;
	s6 =	sadd.s32 s0, s20;
	[smem:$0x7DE] =	sst s18  }
0x3b: {  	s10 =	sadd.s32 s1, s9;
	[smem:$0x7CF] =	sst s6  }
0x3c: {  	s19 =	sor.u32 $0x13000, s4;
	s6 =	sadd.s32 s0, s22;
	[smem:$0x7D6] =	sst s10  }
0x3d: {  	s21 =	sor.u32 $0x14000, s4;
	s20 =	sadd.s32 s1, s19;
	[smem:$0x7D1] =	sst s6  }
0x3e: {  	s22 =	sadd.s32 s1, s21;
	[smem:$0x7E0] =	sst s20  }
0x3f: {  	s23 =	sor.u32 $0x15000, s4;
	s6 =	sadd.s32 s0, s24;
	[smem:$0x7E2] =	sst s22  }
0x40: {  	s24 =	sadd.s32 s1, s23;
	[smem:$0x7D3] =	sst s6  }
0x41: {  	s28 =	sadd.s32 $0x700, s1;
	s22 =	sadd.s32 s1, s4;
	[smem:$0x7E4] =	sst s24  }
0x42: {  	s25 =	sor.u32 $0x16000, s4;
	s6 =	sadd.s32 s0, s26;
	[smem:$0x7F6] =	sst s22  }
0x43: {  	s29 =	sadd.s32 $0x800, s1;
	s26 =	sadd.s32 s1, s25;
	[smem:$0x7D5] =	sst s6  }
0x44: {  	s8 =	sor.u32 $0x17000, s4;
	s6 =	sadd.s32 s0, s9;
	[smem:$0x7E6] =	sst s26  }
0x45: {  	s30 =	sadd.s32 $0x900, s1;
	s9 =	sadd.s32 s1, s8;
	[smem:$0x7D7] =	sst s6  }
0x46: {  	s10 =	sor.u32 $0x18000, s4;
	s6 =	sadd.s32 s0, s11;
	[smem:$0x7E8] =	sst s9  }
0x47: {  	s31 =	sadd.s32 $0xA00, s1;
	s11 =	sadd.s32 s1, s10;
	[smem:$0x7D9] =	sst s6  }
0x48: {  	s12 =	sor.u32 $0x19000, s4;
	s6 =	sadd.s32 s0, s13;
	[smem:$0x7EA] =	sst s11  }
0x49: {  	s7 =	sadd.s32 $0xE00, s1;
	s13 =	sadd.s32 s1, s12;
	[smem:$0x7DB] =	sst s6  }
0x4a: {  	s14 =	sor.u32 $0x1A000, s4;
	s6 =	sadd.s32 s0, s15;
	[smem:$0x7EC] =	sst s13  }
0x4b: {  	s16 =	sor.u32 $0x1B000, s4;
	s15 =	sadd.s32 s1, s14;
	[smem:$0x7DD] =	sst s6  }
0x4c: {  	s18 =	sor.u32 $0x1C000, s4;
	s6 =	sadd.s32 s0, s17;
	[smem:$0x7EE] =	sst s15  }
0x4d: {  	s20 =	sor.u32 $0x1D000, s4;
	s17 =	sadd.s32 s1, s16;
	[smem:$0x7DF] =	sst s6  }
0x4e: {  	s24 =	sor.u32 $0x1E000, s4;
	s6 =	sadd.s32 s0, s19;
	[smem:$0x7F0] =	sst s17  }
0x4f: {  	s22 =	sadd.s32 $0x200, s1;
	s19 =	sadd.s32 s1, s18;
	[smem:$0x7E1] =	sst s6  }
0x50: {  	s9 =	simm.s32 $0x7;
	s17 =	smax.u32 s3, $0x1;
	[smem:$0x7F2] =	sst s19  }
0x51: {  	s11 =	simm.s32 $0x8100;
	s6 =	sadd.s32 s0, s21;
	[smem:$0x7FC] =	sst s17  }
0x52: {  	s13 =	simm.s32 $0xE900;
	s21 =	sadd.s32 s1, s20;
	[smem:$0x7E3] =	sst s6  }
0x53: {  	s15 =	simm.s32 $0xF900;
	s19 =	sadd.s32 $0x100, s5;
	[smem:$0x7F4] =	sst s21  }
0x54: {  	s3 =	sadd.s32 $0xC00, s1;
	s6 =	sadd.s32 s0, s23;
	[smem:$0x7FD] =	sst s19  }
0x55: {  	s23 =	sadd.s32 s0, s4;
	s4 =	sor.u32 $0x1F000, s4;
	[smem:$0x7E5] =	sst s6  }
0x56: {  	s21 =	sadd.s32 $0x100, s1;
	s6 =	sadd.s32 s0, s25;
	[smem:$0x7F7] =	sst s23  }
0x57: {  	s25 =	sadd.s32 s1, s24;
	s26 =	sadd.s32 s1, s4;
	[smem:$0x7E7] =	sst s6  }
0x58: {  	s23 =	sadd.s32 $0x300, s1;
	s6 =	sadd.s32 s0, s8;
	[smem:$0x7F8] =	sst s25  }
0x59: {  	[smem:$0x7FB] =	sst s26;
	s25 =	sadd.s32 $0x500, s1;
	s26 =	sadd.s32 $0x600, s1  }
0x5a: {  	s8 =	sadd.s32 $0xF00, s1;
	[smem:$0x7E9] =	sst s6;
	s6 =	sadd.s32 s0, s10  }
0x5b: {  	s10 =	simm.s32 $0x100;
	[smem:$0x7EB] =	sst s6;
	s6 =	sadd.s32 s0, s12  }
0x5c: {  	s12 =	simm.s32 $0xE100;
	[smem:$0x7ED] =	sst s6;
	s6 =	sadd.s32 s0, s14  }
0x5d: {  	s14 =	simm.s32 $0xF100;
	[smem:$0x7EF] =	sst s6;
	s6 =	sadd.s32 s0, s16  }
.Ltmp0:
0x5e: {  	[smem:$0x7F1] =	sst s6;
	s6 =	sadd.s32 s0, s18;
	(pc) =	sbr.rel .LBB2_1-.Ltmp0, $4  }
0x5f: {  	s16 =	simm.s32 $0x1;
	[smem:$0x7F3] =	sst s6;
	s6 =	sadd.s32 s0, s20  }
0x60: {  	v0 =	vlaneseq.u32;
	[smem:$0x7F5] =	sst s6;
	s6 =	sadd.s32 s0, s24;
	s0 =	sadd.s32 s0, s4  }
0x61: {  	vm0 =	vmmov $0xffff;
	v2 =	vshrl.u32 v0, $0x3;
	s24 =	sadd.s32 $0x400, s1;
	s4 =	simm.s32 $0x0;
	[smem:$0x7F9] =	sst s6  }
0x62: {  	v1 =	vand.u32 $0x7, v0;
	v3 =	vor.u32 $0x8, v0;
	v2 =	vmul.u32 $0x8, v2;
	[smem:$0x7FA] =	sst s0;
	s0 =	sadd.s32 $0xB00, s1;
	s6 =	sadd.s32 $0xD00, s1  }
.LBB2_7:
0x63: {  	s4 =	sld [smem:$0x7F6];
	_ =	sdelay $0x2  }
0x64: {  	[tilespmem:s10], [sflag:$0x1] =	stream.linear.gather [hbm4b:s4+s2], $0x8000, $0x38;
	[tilespmem:$0x18100] =	vst v63  }
0x65: {  	s20 =	rddreg [dreg:$0x1f]  }
0x66: {  	[tilespmem:s11], [sflag:$0x2] =	stream.linear.gather [hbm4b:s20+s2], $0x8000, $0x38;
	[tilespmem:$0x18100] =	vst v63  }
0x67: {  	_ =	swait.ge [sflag:s16], $0x8000  }
0x68: {  	s17 =	sld [smem:$0x7F7]  }
0x69: {  	[sflag:s16] =	ssyncset.done $0x0  }
0x6a: {  	s18 =	sld [smem:$0x7BC];
	[sflag:s16] =	ssyncadd.s32 $0xFFFF8000  }
0x6b: {  	[hbm4b:s17+s2] =	stream.linear.scatter [tilespmem:s10], [sflag:$0x4], $0x8000, $0x38;
	[tilespmem:$0x18100] =	vst v63  }
0x6c: {  	s19 =	simm.s32 $0x2;
	s20 =	simm.s32 $0x10100  }
0x6d: {  	[tilespmem:s20], [sflag:$0x3] =	stream.linear.gather [hbm4b:s18+s2], $0x8000, $0x38;
	[tilespmem:$0x18100] =	vst v63  }
0x6e: {  	_ =	swait.ge [sflag:s19], $0x8000  }
0x6f: {  	s20 =	sld [smem:$0x7BD]  }
0x70: {  	[sflag:s19] =	ssyncset.done $0x0  }
0x71: {  	[sflag:s19] =	ssyncadd.s32 $0xFFFF8000  }
0x72: {  	[hbm4b:s20+s2] =	stream.linear.scatter [tilespmem:s11], [sflag:$0x5], $0x8000, $0x38;
	[tilespmem:$0x18100] =	vst v63  }
0x73: {  	s20 =	simm.s32 $0x4  }
0x74: {  	_ =	swait.ge [sflag:s20], $0x8000  }
0x75: {  	s17 =	sld [smem:$0x7BE]  }
0x76: {  	[sflag:s20] =	ssyncset.done $0x0  }
0x77: {  	s19 =	simm.s32 $0x3;
	[sflag:s20] =	ssyncadd.s32 $0xFFFF8000  }
0x78: {  	[tilespmem:s10], [sflag:$0x1] =	stream.linear.gather [hbm4b:s17+s2], $0x8000, $0x38;
	[tilespmem:$0x18100] =	vst v63  }
0x79: {  	_ =	swait.ge [sflag:s19], $0x8000  }
0x7a: {  	s17 =	sld [smem:$0x7BF]  }
0x7b: {  	[sflag:s19] =	ssyncset.done $0x0  }
0x7c: {  	s18 =	simm.s32 $0x10100;
	[sflag:s19] =	ssyncadd.s32 $0xFFFF8000  }
0x7d: {  	[hbm4b:s17+s2] =	stream.linear.scatter [tilespmem:s18], [sflag:$0x6], $0x8000, $0x38;
	[tilespmem:$0x18100] =	vst v63  }
0x7e: {  	s18 =	simm.s32 $0x5  }
0x7f: {  	_ =	swait.ge [sflag:s18], $0x8000  }
0x80: {  	s19 =	sld [smem:$0x7C0]  }
0x81: {  	[sflag:s18] =	ssyncset.done $0x0  }
0x82: {  	[sflag:s18] =	ssyncadd.s32 $0xFFFF8000  }
0x83: {  	[tilespmem:s11], [sflag:$0x2] =	stream.linear.gather [hbm4b:s19+s2], $0x8000, $0x38;
	[tilespmem:$0x18100] =	vst v63  }
0x84: {  	_ =	swait.ge [sflag:s16], $0x8000  }
0x85: {  	s17 =	sld [smem:$0x7C1]  }
0x86: {  	[sflag:s16] =	ssyncset.done $0x0  }
0x87: {  	[sflag:s16] =	ssyncadd.s32 $0xFFFF8000  }
0x88: {  	[hbm4b:s17+s2] =	stream.linear.scatter [tilespmem:s10], [sflag:$0x4], $0x8000, $0x38;
	[tilespmem:$0x18100] =	vst v63  }
0x89: {  	s17 =	simm.s32 $0x6  }
0x8a: {  	_ =	swait.ge [sflag:s17], $0x8000  }
0x8b: {  	s4 =	sld [smem:$0x7C2]  }
0x8c: {  	[sflag:s17] =	ssyncset.done $0x0  }
0x8d: {  	s19 =	simm.s32 $0x10100;
	[sflag:s17] =	ssyncadd.s32 $0xFFFF8000  }
0x8e: {  	[tilespmem:s19], [sflag:$0x3] =	stream.linear.gather [hbm4b:s4+s2], $0x8000, $0x38;
	[tilespmem:$0x18100] =	vst v63  }
0x8f: {  	s19 =	simm.s32 $0x2  }
0x90: {  	_ =	swait.ge [sflag:s19], $0x8000  }
0x91: {  	s4 =	sld [smem:$0x7C3]  }
0x92: {  	[sflag:s19] =	ssyncset.done $0x0  }
0x93: {  	[sflag:s19] =	ssyncadd.s32 $0xFFFF8000  }
0x94: {  	[hbm4b:s4+s2] =	stream.linear.scatter [tilespmem:s11], [sflag:$0x5], $0x8000, $0x38;
	[tilespmem:$0x18100] =	vst v63  }
0x95: {  	_ =	swait.ge [sflag:s20], $0x8000  }
0x96: {  	[sflag:s20] =	ssyncset.done $0x0  }
0x97: {  	[sflag:s20] =	ssyncadd.s32 $0xFFFF8000;
	s20 =	sld [smem:$0x7C4];
	_ =	sdelay $0x2  }
0x98: {  	[tilespmem:s10], [sflag:$0x1] =	stream.linear.gather [hbm4b:s20+s2], $0x8000, $0x38;
	[tilespmem:$0x18100] =	vst v63  }
0x99: {  	s20 =	simm.s32 $0x3  }
0x9a: {  	_ =	swait.ge [sflag:s20], $0x8000  }
0x9b: {  	s4 =	sld [smem:$0x7C5]  }
0x9c: {  	[sflag:s20] =	ssyncset.done $0x0  }
0x9d: {  	[sflag:s20] =	ssyncadd.s32 $0xFFFF8000;
	s20 =	simm.s32 $0x10100  }
0x9e: {  	[hbm4b:s4+s2] =	stream.linear.scatter [tilespmem:s20], [sflag:$0x6], $0x8000, $0x38;
	[tilespmem:$0x18100] =	vst v63  }
0x9f: {  	_ =	swait.ge [sflag:s18], $0x8000  }
0xa0: {  	s4 =	sld [smem:$0x7C6]  }
0xa1: {  	[sflag:s18] =	ssyncset.done $0x0  }
0xa2: {  	[sflag:s18] =	ssyncadd.s32 $0xFFFF8000  }
0xa3: {  	[tilespmem:s11], [sflag:$0x2] =	stream.linear.gather [hbm4b:s4+s2], $0x8000, $0x38;
	[tilespmem:$0x18100] =	vst v63  }
0xa4: {  	_ =	swait.ge [sflag:s16], $0x8000  }
0xa5: {  	s4 =	sld [smem:$0x7C8]  }
0xa6: {  	[sflag:s16] =	ssyncset.done $0x0  }
0xa7: {  	[sflag:s16] =	ssyncadd.s32 $0xFFFF8000  }
0xa8: {  	[hbm4b:s4+s2] =	stream.linear.scatter [tilespmem:s10], [sflag:$0x4], $0x8000, $0x38;
	[tilespmem:$0x18100] =	vst v63  }
0xa9: {  	_ =	swait.ge [sflag:s17], $0x8000  }
0xaa: {  	s4 =	sld [smem:$0x7C9]  }
0xab: {  	[sflag:s17] =	ssyncset.done $0x0  }
0xac: {  	s19 =	simm.s32 $0x2;
	s20 =	simm.s32 $0x10100;
	[sflag:s17] =	ssyncadd.s32 $0xFFFF8000  }
0xad: {  	[tilespmem:s20], [sflag:$0x3] =	stream.linear.gather [hbm4b:s4+s2], $0x8000, $0x38;
	[tilespmem:$0x18100] =	vst v63  }
0xae: {  	_ =	swait.ge [sflag:s19], $0x8000  }
0xaf: {  	[sflag:s19] =	ssyncset.done $0x0  }
0xb0: {  	[sflag:s19] =	ssyncadd.s32 $0xFFFF8000;
	s19 =	sld [smem:$0x7CA];
	_ =	sdelay $0x2  }
0xb1: {  	[hbm4b:s19+s2] =	stream.linear.scatter [tilespmem:s11], [sflag:$0x5], $0x8000, $0x38;
	[tilespmem:$0x18100] =	vst v63  }
0xb2: {  	s19 =	simm.s32 $0x4  }
0xb3: {  	_ =	swait.ge [sflag:s19], $0x8000  }
0xb4: {  	[sflag:s19] =	ssyncset.done $0x0  }
0xb5: {  	[sflag:s19] =	ssyncadd.s32 $0xFFFF8000;
	s19 =	sld [smem:$0x7CC];
	_ =	sdelay $0x2  }
0xb6: {  	[tilespmem:s10], [sflag:$0x1] =	stream.linear.gather [hbm4b:s19+s2], $0x8000, $0x38;
	[tilespmem:$0x18100] =	vst v63  }
0xb7: {  	s19 =	simm.s32 $0x3  }
0xb8: {  	_ =	swait.ge [sflag:s19], $0x8000  }
0xb9: {  	[sflag:s19] =	ssyncset.done $0x0  }
0xba: {  	[sflag:s19] =	ssyncadd.s32 $0xFFFF8000;
	s19 =	sld [smem:$0x7CB];
	_ =	sdelay $0x1  }
0xbb: {  	s20 =	simm.s32 $0x10100  }
0xbc: {  	[hbm4b:s19+s2] =	stream.linear.scatter [tilespmem:s20], [sflag:$0x6], $0x8000, $0x38;
	[tilespmem:$0x18100] =	vst v63  }
0xbd: {  	_ =	swait.ge [sflag:s18], $0x8000  }
0xbe: {  	s19 =	sld [smem:$0x7CE]  }
0xbf: {  	[sflag:s18] =	ssyncset.done $0x0  }
0xc0: {  	[sflag:s18] =	ssyncadd.s32 $0xFFFF8000  }
0xc1: {  	[tilespmem:s11], [sflag:$0x2] =	stream.linear.gather [hbm4b:s19+s2], $0x8000, $0x38;
	[tilespmem:$0x18100] =	vst v63  }
0xc2: {  	_ =	swait.ge [sflag:s16], $0x8000  }
0xc3: {  	s20 =	sld [smem:$0x7CD]  }
0xc4: {  	[sflag:s16] =	ssyncset.done $0x0  }
0xc5: {  	[sflag:s16] =	ssyncadd.s32 $0xFFFF8000  }
0xc6: {  	[hbm4b:s20+s2] =	stream.linear.scatter [tilespmem:s10], [sflag:$0x4], $0x8000, $0x38;
	[tilespmem:$0x18100] =	vst v63  }
0xc7: {  	_ =	swait.ge [sflag:s17], $0x8000  }
0xc8: {  	[sflag:s17] =	ssyncset.done $0x0  }
0xc9: {  	[sflag:s17] =	ssyncadd.s32 $0xFFFF8000;
	s17 =	sld [smem:$0x7D0];
	_ =	sdelay $0x1  }
0xca: {  	s19 =	simm.s32 $0x10100  }
0xcb: {  	[tilespmem:s19], [sflag:$0x3] =	stream.linear.gather [hbm4b:s17+s2], $0x8000, $0x38;
	[tilespmem:$0x18100] =	vst v63  }
0xcc: {  	s17 =	simm.s32 $0x2  }
0xcd: {  	_ =	swait.ge [sflag:s17], $0x8000  }
0xce: {  	s20 =	sld [smem:$0x7CF]  }
0xcf: {  	[sflag:s17] =	ssyncset.done $0x0  }
0xd0: {  	[sflag:s17] =	ssyncadd.s32 $0xFFFF8000  }
0xd1: {  	[hbm4b:s20+s2] =	stream.linear.scatter [tilespmem:s11], [sflag:$0x5], $0x8000, $0x38;
	[tilespmem:$0x18100] =	vst v63  }
0xd2: {  	s20 =	simm.s32 $0x4  }
0xd3: {  	_ =	swait.ge [sflag:s20], $0x8000  }
0xd4: {  	[sflag:s20] =	ssyncset.done $0x0  }
0xd5: {  	[sflag:s20] =	ssyncadd.s32 $0xFFFF8000;
	s20 =	sld [smem:$0x7D2];
	_ =	sdelay $0x2  }
0xd6: {  	[tilespmem:s10], [sflag:$0x1] =	stream.linear.gather [hbm4b:s20+s2], $0x8000, $0x38;
	[tilespmem:$0x18100] =	vst v63  }
0xd7: {  	s20 =	simm.s32 $0x3  }
0xd8: {  	_ =	swait.ge [sflag:s20], $0x8000  }
0xd9: {  	[sflag:s20] =	ssyncset.done $0x0  }
0xda: {  	[sflag:s20] =	ssyncadd.s32 $0xFFFF8000;
	s20 =	sld [smem:$0x7D1];
	_ =	sdelay $0x1  }
0xdb: {  	s19 =	simm.s32 $0x10100  }
0xdc: {  	[hbm4b:s20+s2] =	stream.linear.scatter [tilespmem:s19], [sflag:$0x6], $0x8000, $0x38;
	[tilespmem:$0x18100] =	vst v63  }
0xdd: {  	_ =	swait.ge [sflag:s18], $0x8000  }
0xde: {  	s19 =	sld [smem:$0x7D4]  }
0xdf: {  	[sflag:s18] =	ssyncset.done $0x0  }
0xe0: {  	[sflag:s18] =	ssyncadd.s32 $0xFFFF8000  }
0xe1: {  	[tilespmem:s11], [sflag:$0x2] =	stream.linear.gather [hbm4b:s19+s2], $0x8000, $0x38;
	[tilespmem:$0x18100] =	vst v63  }
0xe2: {  	_ =	swait.ge [sflag:s16], $0x8000  }
0xe3: {  	s20 =	sld [smem:$0x7D3]  }
0xe4: {  	[sflag:s16] =	ssyncset.done $0x0  }
0xe5: {  	s19 =	simm.s32 $0x6;
	[sflag:s16] =	ssyncadd.s32 $0xFFFF8000  }
0xe6: {  	[hbm4b:s20+s2] =	stream.linear.scatter [tilespmem:s10], [sflag:$0x4], $0x8000, $0x38;
	[tilespmem:$0x18100] =	vst v63  }
0xe7: {  	_ =	swait.ge [sflag:s19], $0x8000  }
0xe8: {  	s4 =	sld [smem:$0x7D6]  }
0xe9: {  	[sflag:s19] =	ssyncset.done $0x0  }
0xea: {  	s17 =	simm.s32 $0x2;
	s20 =	simm.s32 $0x10100;
	[sflag:s19] =	ssyncadd.s32 $0xFFFF8000  }
0xeb: {  	[tilespmem:s20], [sflag:$0x3] =	stream.linear.gather [hbm4b:s4+s2], $0x8000, $0x38;
	[tilespmem:$0x18100] =	vst v63  }
0xec: {  	_ =	swait.ge [sflag:s17], $0x8000  }
0xed: {  	s4 =	sld [smem:$0x7D5]  }
0xee: {  	[sflag:s17] =	ssyncset.done $0x0  }
0xef: {  	[sflag:s17] =	ssyncadd.s32 $0xFFFF8000  }
0xf0: {  	[hbm4b:s4+s2] =	stream.linear.scatter [tilespmem:s11], [sflag:$0x5], $0x8000, $0x38;
	[tilespmem:$0x18100] =	vst v63  }
0xf1: {  	s4 =	simm.s32 $0x4  }
0xf2: {  	_ =	swait.ge [sflag:s4], $0x8000  }
0xf3: {  	[sflag:s4] =	ssyncset.done $0x0  }
0xf4: {  	[sflag:s4] =	ssyncadd.s32 $0xFFFF8000;
	s4 =	sld [smem:$0x7D8];
	_ =	sdelay $0x2  }
0xf5: {  	[tilespmem:s10], [sflag:$0x1] =	stream.linear.gather [hbm4b:s4+s2], $0x8000, $0x38;
	[tilespmem:$0x18100] =	vst v63  }
0xf6: {  	s4 =	simm.s32 $0x3  }
0xf7: {  	_ =	swait.ge [sflag:s4], $0x8000  }
0xf8: {  	[sflag:s4] =	ssyncset.done $0x0  }
0xf9: {  	[sflag:s4] =	ssyncadd.s32 $0xFFFF8000;
	s4 =	sld [smem:$0x7D7];
	_ =	sdelay $0x1  }
0xfa: {  	s20 =	simm.s32 $0x10100  }
0xfb: {  	[hbm4b:s4+s2] =	stream.linear.scatter [tilespmem:s20], [sflag:$0x6], $0x8000, $0x38;
	[tilespmem:$0x18100] =	vst v63  }
0xfc: {  	_ =	swait.ge [sflag:s18], $0x8000  }
0xfd: {  	s4 =	sld [smem:$0x7DA]  }
0xfe: {  	[sflag:s18] =	ssyncset.done $0x0  }
0xff: {  	[sflag:s18] =	ssyncadd.s32 $0xFFFF8000  }
0x100: {  	[tilespmem:s11], [sflag:$0x2] =	stream.linear.gather [hbm4b:s4+s2], $0x8000, $0x38;
	[tilespmem:$0x18100] =	vst v63  }
0x101: {  	_ =	swait.ge [sflag:s16], $0x8000  }
0x102: {  	s4 =	sld [smem:$0x7D9]  }
0x103: {  	[sflag:s16] =	ssyncset.done $0x0  }
0x104: {  	s19 =	simm.s32 $0x6;
	[sflag:s16] =	ssyncadd.s32 $0xFFFF8000  }
0x105: {  	[hbm4b:s4+s2] =	stream.linear.scatter [tilespmem:s10], [sflag:$0x4], $0x8000, $0x38;
	[tilespmem:$0x18100] =	vst v63  }
0x106: {  	_ =	swait.ge [sflag:s19], $0x8000  }
0x107: {  	s4 =	sld [smem:$0x7DC]  }
0x108: {  	[sflag:s19] =	ssyncset.done $0x0  }
0x109: {  	[sflag:s19] =	ssyncadd.s32 $0xFFFF8000  }
0x10a: {  	[tilespmem:s20], [sflag:$0x3] =	stream.linear.gather [hbm4b:s4+s2], $0x8000, $0x38;
	[tilespmem:$0x18100] =	vst v63  }
0x10b: {  	_ =	swait.ge [sflag:s17], $0x8000  }
0x10c: {  	s20 =	sld [smem:$0x7DB]  }
0x10d: {  	[sflag:s17] =	ssyncset.done $0x0  }
0x10e: {  	[sflag:s17] =	ssyncadd.s32 $0xFFFF8000  }
0x10f: {  	[hbm4b:s20+s2] =	stream.linear.scatter [tilespmem:s11], [sflag:$0x5], $0x8000, $0x38;
	[tilespmem:$0x18100] =	vst v63  }
0x110: {  	s20 =	simm.s32 $0x4  }
0x111: {  	_ =	swait.ge [sflag:s20], $0x8000  }
0x112: {  	[sflag:s20] =	ssyncset.done $0x0  }
0x113: {  	[sflag:s20] =	ssyncadd.s32 $0xFFFF8000;
	s20 =	sld [smem:$0x7DE];
	_ =	sdelay $0x2  }
0x114: {  	[tilespmem:s10], [sflag:$0x1] =	stream.linear.gather [hbm4b:s20+s2], $0x8000, $0x38;
	[tilespmem:$0x18100] =	vst v63  }
0x115: {  	s20 =	simm.s32 $0x3  }
0x116: {  	_ =	swait.ge [sflag:s20], $0x8000  }
0x117: {  	s4 =	sld [smem:$0x7DD]  }
0x118: {  	[sflag:s20] =	ssyncset.done $0x0  }
0x119: {  	[sflag:s20] =	ssyncadd.s32 $0xFFFF8000;
	s20 =	simm.s32 $0x10100  }
0x11a: {  	[hbm4b:s4+s2] =	stream.linear.scatter [tilespmem:s20], [sflag:$0x6], $0x8000, $0x38;
	[tilespmem:$0x18100] =	vst v63  }
0x11b: {  	_ =	swait.ge [sflag:s18], $0x8000  }
0x11c: {  	s20 =	sld [smem:$0x7E0]  }
0x11d: {  	[sflag:s18] =	ssyncset.done $0x0  }
0x11e: {  	[sflag:s18] =	ssyncadd.s32 $0xFFFF8000  }
0x11f: {  	[tilespmem:s11], [sflag:$0x2] =	stream.linear.gather [hbm4b:s20+s2], $0x8000, $0x38;
	[tilespmem:$0x18100] =	vst v63  }
0x120: {  	_ =	swait.ge [sflag:s16], $0x8000  }
0x121: {  	s20 =	sld [smem:$0x7DF]  }
0x122: {  	[sflag:s16] =	ssyncset.done $0x0  }
0x123: {  	[sflag:s16] =	ssyncadd.s32 $0xFFFF8000  }
0x124: {  	[hbm4b:s20+s2] =	stream.linear.scatter [tilespmem:s10], [sflag:$0x4], $0x8000, $0x38;
	[tilespmem:$0x18100] =	vst v63  }
0x125: {  	_ =	swait.ge [sflag:s19], $0x8000  }
0x126: {  	s20 =	sld [smem:$0x7E2]  }
0x127: {  	[sflag:s19] =	ssyncset.done $0x0  }
0x128: {  	[sflag:s19] =	ssyncadd.s32 $0xFFFF8000;
	s19 =	simm.s32 $0x10100  }
0x129: {  	[tilespmem:s19], [sflag:$0x3] =	stream.linear.gather [hbm4b:s20+s2], $0x8000, $0x38;
	[tilespmem:$0x18100] =	vst v63  }
0x12a: {  	_ =	swait.ge [sflag:s17], $0x8000  }
0x12b: {  	s19 =	sld [smem:$0x7E1]  }
0x12c: {  	[sflag:s17] =	ssyncset.done $0x0  }
0x12d: {  	[sflag:s17] =	ssyncadd.s32 $0xFFFF8000  }
0x12e: {  	[hbm4b:s19+s2] =	stream.linear.scatter [tilespmem:s11], [sflag:$0x5], $0x8000, $0x38;
	[tilespmem:$0x18100] =	vst v63  }
0x12f: {  	s19 =	simm.s32 $0x4  }
0x130: {  	_ =	swait.ge [sflag:s19], $0x8000  }
0x131: {  	[sflag:s19] =	ssyncset.done $0x0  }
0x132: {  	[sflag:s19] =	ssyncadd.s32 $0xFFFF8000;
	s19 =	sld [smem:$0x7E4];
	_ =	sdelay $0x2  }
0x133: {  	[tilespmem:s10], [sflag:$0x1] =	stream.linear.gather [hbm4b:s19+s2], $0x8000, $0x38;
	[tilespmem:$0x18100] =	vst v63  }
0x134: {  	s19 =	simm.s32 $0x3  }
0x135: {  	_ =	swait.ge [sflag:s19], $0x8000  }
0x136: {  	[sflag:s19] =	ssyncset.done $0x0  }
0x137: {  	[sflag:s19] =	ssyncadd.s32 $0xFFFF8000;
	s19 =	sld [smem:$0x7E3];
	_ =	sdelay $0x1  }
0x138: {  	s20 =	simm.s32 $0x10100  }
0x139: {  	[hbm4b:s19+s2] =	stream.linear.scatter [tilespmem:s20], [sflag:$0x6], $0x8000, $0x38;
	[tilespmem:$0x18100] =	vst v63  }
0x13a: {  	_ =	swait.ge [sflag:s18], $0x8000  }
0x13b: {  	s20 =	sld [smem:$0x7E6]  }
0x13c: {  	[sflag:s18] =	ssyncset.done $0x0  }
0x13d: {  	[sflag:s18] =	ssyncadd.s32 $0xFFFF8000  }
0x13e: {  	[tilespmem:s11], [sflag:$0x2] =	stream.linear.gather [hbm4b:s20+s2], $0x8000, $0x38;
	[tilespmem:$0x18100] =	vst v63  }
0x13f: {  	_ =	swait.ge [sflag:s16], $0x8000  }
0x140: {  	s20 =	sld [smem:$0x7E5]  }
0x141: {  	[sflag:s16] =	ssyncset.done $0x0  }
0x142: {  	[sflag:s16] =	ssyncadd.s32 $0xFFFF8000  }
0x143: {  	[hbm4b:s20+s2] =	stream.linear.scatter [tilespmem:s10], [sflag:$0x4], $0x8000, $0x38;
	[tilespmem:$0x18100] =	vst v63  }
0x144: {  	s20 =	simm.s32 $0x6  }
0x145: {  	_ =	swait.ge [sflag:s20], $0x8000  }
0x146: {  	[sflag:s20] =	ssyncset.done $0x0  }
0x147: {  	[sflag:s20] =	ssyncadd.s32 $0xFFFF8000;
	s20 =	sld [smem:$0x7E8];
	_ =	sdelay $0x1  }
0x148: {  	s19 =	simm.s32 $0x10100  }
0x149: {  	[tilespmem:s19], [sflag:$0x3] =	stream.linear.gather [hbm4b:s20+s2], $0x8000, $0x38;
	[tilespmem:$0x18100] =	vst v63  }
0x14a: {  	_ =	swait.ge [sflag:s17], $0x8000  }
0x14b: {  	s19 =	sld [smem:$0x7E7]  }
0x14c: {  	[sflag:s17] =	ssyncset.done $0x0  }
0x14d: {  	s20 =	simm.s32 $0x4;
	[sflag:s17] =	ssyncadd.s32 $0xFFFF8000  }
0x14e: {  	[hbm4b:s19+s2] =	stream.linear.scatter [tilespmem:s11], [sflag:$0x5], $0x8000, $0x38;
	[tilespmem:$0x18100] =	vst v63  }
0x14f: {  	_ =	swait.ge [sflag:s20], $0x8000  }
0x150: {  	s19 =	sld [smem:$0x7EA]  }
0x151: {  	[sflag:s20] =	ssyncset.done $0x0  }
0x152: {  	[sflag:s20] =	ssyncadd.s32 $0xFFFF8000  }
0x153: {  	[tilespmem:s10], [sflag:$0x1] =	stream.linear.gather [hbm4b:s19+s2], $0x8000, $0x38;
	[tilespmem:$0x18100] =	vst v63  }
0x154: {  	s19 =	simm.s32 $0x3  }
0x155: {  	_ =	swait.ge [sflag:s19], $0x8000  }
0x156: {  	s4 =	sld [smem:$0x7E9]  }
0x157: {  	[sflag:s19] =	ssyncset.done $0x0  }
0x158: {  	[sflag:s19] =	ssyncadd.s32 $0xFFFF8000;
	s19 =	simm.s32 $0x10100  }
0x159: {  	[hbm4b:s4+s2] =	stream.linear.scatter [tilespmem:s19], [sflag:$0x6], $0x8000, $0x38;
	[tilespmem:$0x18100] =	vst v63  }
0x15a: {  	_ =	swait.ge [sflag:s18], $0x8000  }
0x15b: {  	s19 =	sld [smem:$0x7EC]  }
0x15c: {  	[sflag:s18] =	ssyncset.done $0x0  }
0x15d: {  	[sflag:s18] =	ssyncadd.s32 $0xFFFF8000  }
0x15e: {  	[tilespmem:s11], [sflag:$0x2] =	stream.linear.gather [hbm4b:s19+s2], $0x8000, $0x38;
	[tilespmem:$0x18100] =	vst v63  }
0x15f: {  	_ =	swait.ge [sflag:s16], $0x8000  }
0x160: {  	s19 =	sld [smem:$0x7EB]  }
0x161: {  	[sflag:s16] =	ssyncset.done $0x0  }
0x162: {  	[sflag:s16] =	ssyncadd.s32 $0xFFFF8000  }
0x163: {  	[hbm4b:s19+s2] =	stream.linear.scatter [tilespmem:s10], [sflag:$0x4], $0x8000, $0x38;
	[tilespmem:$0x18100] =	vst v63  }
0x164: {  	s19 =	simm.s32 $0x6  }
0x165: {  	_ =	swait.ge [sflag:s19], $0x8000  }
0x166: {  	s4 =	sld [smem:$0x7EE]  }
0x167: {  	[sflag:s19] =	ssyncset.done $0x0  }
0x168: {  	[sflag:s19] =	ssyncadd.s32 $0xFFFF8000;
	s19 =	simm.s32 $0x10100  }
0x169: {  	[tilespmem:s19], [sflag:$0x3] =	stream.linear.gather [hbm4b:s4+s2], $0x8000, $0x38;
	[tilespmem:$0x18100] =	vst v63  }
0x16a: {  	_ =	swait.ge [sflag:s17], $0x8000  }
0x16b: {  	s19 =	sld [smem:$0x7ED]  }
0x16c: {  	[sflag:s17] =	ssyncset.done $0x0  }
0x16d: {  	s20 =	simm.s32 $0x4;
	[sflag:s17] =	ssyncadd.s32 $0xFFFF8000  }
0x16e: {  	[hbm4b:s19+s2] =	stream.linear.scatter [tilespmem:s11], [sflag:$0x5], $0x8000, $0x38;
	[tilespmem:$0x18100] =	vst v63  }
0x16f: {  	_ =	swait.ge [sflag:s20], $0x8000  }
0x170: {  	[sflag:s20] =	ssyncset.done $0x0  }
0x171: {  	[sflag:s20] =	ssyncadd.s32 $0xFFFF8000;
	s20 =	sld [smem:$0x7F0];
	_ =	sdelay $0x1  }
0x172: {  	s19 =	simm.s32 $0x3  }
0x173: {  	[tilespmem:s10], [sflag:$0x1] =	stream.linear.gather [hbm4b:s20+s2], $0x8000, $0x38;
	[tilespmem:$0x18100] =	vst v63  }
0x174: {  	_ =	swait.ge [sflag:s19], $0x8000  }
0x175: {  	s4 =	sld [smem:$0x7EF]  }
0x176: {  	[sflag:s19] =	ssyncset.done $0x0  }
0x177: {  	s20 =	simm.s32 $0x10100;
	[sflag:s19] =	ssyncadd.s32 $0xFFFF8000  }
0x178: {  	[hbm4b:s4+s2] =	stream.linear.scatter [tilespmem:s20], [sflag:$0x6], $0x8000, $0x38;
	[tilespmem:$0x18100] =	vst v63  }
0x179: {  	_ =	swait.ge [sflag:s18], $0x8000  }
0x17a: {  	s4 =	sld [smem:$0x7F2]  }
0x17b: {  	[sflag:s18] =	ssyncset.done $0x0  }
0x17c: {  	[sflag:s18] =	ssyncadd.s32 $0xFFFF8000  }
0x17d: {  	[tilespmem:s11], [sflag:$0x2] =	stream.linear.gather [hbm4b:s4+s2], $0x8000, $0x38;
	[tilespmem:$0x18100] =	vst v63  }
0x17e: {  	_ =	swait.ge [sflag:s16], $0x8000  }
0x17f: {  	s4 =	sld [smem:$0x7F1]  }
0x180: {  	[sflag:s16] =	ssyncset.done $0x0  }
0x181: {  	[sflag:s16] =	ssyncadd.s32 $0xFFFF8000  }
0x182: {  	[hbm4b:s4+s2] =	stream.linear.scatter [tilespmem:s10], [sflag:$0x4], $0x8000, $0x38;
	[tilespmem:$0x18100] =	vst v63  }
0x183: {  	s4 =	simm.s32 $0x6  }
0x184: {  	_ =	swait.ge [sflag:s4], $0x8000  }
0x185: {  	[sflag:s4] =	ssyncset.done $0x0  }
0x186: {  	[sflag:s4] =	ssyncadd.s32 $0xFFFF8000;
	s4 =	sld [smem:$0x7F4];
	_ =	sdelay $0x1  }
0x187: {  	s20 =	simm.s32 $0x10100  }
0x188: {  	[tilespmem:s20], [sflag:$0x3] =	stream.linear.gather [hbm4b:s4+s2], $0x8000, $0x38;
	[tilespmem:$0x18100] =	vst v63  }
0x189: {  	_ =	swait.ge [sflag:s17], $0x8000  }
0x18a: {  	s20 =	sld [smem:$0x7F3]  }
0x18b: {  	[sflag:s17] =	ssyncset.done $0x0  }
0x18c: {  	[sflag:s17] =	ssyncadd.s32 $0xFFFF8000  }
0x18d: {  	[hbm4b:s20+s2] =	stream.linear.scatter [tilespmem:s11], [sflag:$0x5], $0x8000, $0x38;
	[tilespmem:$0x18100] =	vst v63  }
0x18e: {  	s20 =	simm.s32 $0x4  }
0x18f: {  	_ =	swait.ge [sflag:s20], $0x8000  }
0x190: {  	s4 =	sld [smem:$0x7F8]  }
0x191: {  	[sflag:s20] =	ssyncset.done $0x0  }
0x192: {  	s19 =	simm.s32 $0x3;
	[sflag:s20] =	ssyncadd.s32 $0xFFFF8000  }
0x193: {  	[tilespmem:s10], [sflag:$0x1] =	stream.linear.gather [hbm4b:s4+s2], $0x8000, $0x38;
	[tilespmem:$0x18100] =	vst v63  }
0x194: {  	_ =	swait.ge [sflag:s19], $0x8000  }
0x195: {  	s4 =	sld [smem:$0x7F5]  }
0x196: {  	[sflag:s19] =	ssyncset.done $0x0  }
0x197: {  	[sflag:s19] =	ssyncadd.s32 $0xFFFF8000;
	s19 =	simm.s32 $0x10100  }
0x198: {  	[hbm4b:s4+s2] =	stream.linear.scatter [tilespmem:s19], [sflag:$0x6], $0x8000, $0x38;
	[tilespmem:$0x18100] =	vst v63  }
0x199: {  	_ =	swait.ge [sflag:s18], $0x8000  }
0x19a: {  	s19 =	sld [smem:$0x7FB]  }
0x19b: {  	[sflag:s18] =	ssyncset.done $0x0  }
0x19c: {  	[sflag:s18] =	ssyncadd.s32 $0xFFFF8000  }
0x19d: {  	[tilespmem:s11], [sflag:$0x2] =	stream.linear.gather [hbm4b:s19+s2], $0x8000, $0x38;
	[tilespmem:$0x18100] =	vst v63  }
0x19e: {  	_ =	swait.ge [sflag:s16], $0x8000  }
0x19f: {  	s19 =	sld [smem:$0x7F9]  }
0x1a0: {  	[sflag:s16] =	ssyncset.done $0x0  }
0x1a1: {  	[sflag:s16] =	ssyncadd.s32 $0xFFFF8000  }
0x1a2: {  	[hbm4b:s19+s2] =	stream.linear.scatter [tilespmem:s10], [sflag:$0x4], $0x8000, $0x38;
	[tilespmem:$0x18100] =	vst v63  }
0x1a3: {  	_ =	swait.ge [sflag:s17], $0x8000  }
0x1a4: {  	s19 =	sld [smem:$0x7FA]  }
0x1a5: {  	[sflag:s17] =	ssyncset.done $0x0  }
0x1a6: {  	[sflag:s17] =	ssyncadd.s32 $0xFFFF8000  }
0x1a7: {  	[hbm4b:s19+s2] =	stream.linear.scatter [tilespmem:s11], [sflag:$0x5], $0x8000, $0x38;
	[tilespmem:$0x18100] =	vst v63  }
0x1a8: {  	s19 =	simm.s32 $0x6  }
0x1a9: {  	s17 =	sld [smem:$0x7FC];
	_ =	swait.ge [sflag:s19], $0x8000  }
0x1aa: {  	[sflag:s19] =	ssyncset.done $0x0  }
0x1ab: {  	s20 =	simm.s32 $0x4;
	[sflag:s19] =	ssyncadd.s32 $0xFFFF8000  }
0x1ac: {  	_ =	swait.ge [sflag:s20], $0x8000  }
0x1ad: {  	[sflag:s20] =	ssyncset.done $0x0  }
0x1ae: {  	[sflag:s20] =	ssyncadd.s32 $0xFFFF8000  }
0x1af: {  	s19 =	sld [smem:$0x7FD];
	_ =	swait.ge [sflag:s18], $0x8000  }
0x1b0: {  	[sflag:s18] =	ssyncset.done $0x0  }
0x1b1: {  	s4 =	sld [smem:$0x7BB];
	[sflag:s18] =	ssyncadd.s32 $0xFFFF8000  }
.LBB2_5:
0x1b2: {  	_ =	sdelay $0x1  }
0x1b3: {  	s4 =	sadd.s32 $0x1, s4  }
0x1b4: {  	p0 =	sne.s32 s4, s17  }
.Ltmp1:
0x1b5: {  	_ = 	snop;
	(pc) =	sbr.rel @!p0 .LBB2_6-.Ltmp1, $1  }
0x1b6: {  	_ =	sdelay $0x3  }
.LBB2_1:
0x1b7: {  	[smem:$0x7BB] =	sst s4  }
0x1b8: {  	s20 =	rddreg [dreg:$0x1e]  }
0x1b9: {  	[tilespmem:s2], [sflag:$0x7] =	stream.linear.gather [hbm4b:s20+s2], $0x80, $0x38;
	[tilespmem:$0x18100] =	vst v63  }
0x1ba: {  	_ =	swait.ge [sflag:s9], $0x80  }
0x1bb: {  	[sflag:s9] =	ssyncset.done $0x0  }
0x1bc: {  	[sflag:s9] =	ssyncadd.s32 $0xFFFFFF80  }
0x1bd: {  	v4 =	vld [tilespmem:$0x0];
	_ =	sdelay $0x4  }
0x1be: {  	(v2sf) =	vpush v4, $0x0;
	_ =	sdelay $0xe  }
0x1bf: {  	s4 =	spop (v2sf)  }
0x1c0: {  	p0 =	sle.s32 s19, s4  }
.Ltmp2:
0x1c1: {  	_ = 	snop;
	(pc) =	sbr.rel @p0 .LBB2_7-.Ltmp2, $1  }
0x1c2: {  	_ =	sdelay $0x3  }
0x1c3: {  	s4 =	sadd.s32 $0xFFFFFFFF, s4;
	s18 =	sadd.s32 $0x0, s5  }
0x1c4: {  	v4 =	vmov s4;
	v5 =	vor.u32 s18, v0  }
0x1c5: {  	vm1 =	vlt.s32 v5, v4  }
0x1c6: {  	v5 =	vsel vm1, v5, v4  }
0x1c7: {  	v6 =	vshll.u32 v5, $0x5  }
0x1c8: {  	v7 =	vand.u32 $0x7, v5;
	v6 =	vand.u32 $0xFFFFFF00, v6  }
0x1c9: {  	v6 =	vor.u32 v7, v6  }
0x1ca: {  	v7 =	vperm.xlane v6, v1;
	_ =	sdelay $0x1  }
0x1cb: {  	v7 =	vadd.s32 v2, v7;
	_ =	sdelay $0x3  }
0x1cc: {  	[tilespmem:$0x80] =	vst v5  }
0x1cd: {  	[tilespmem:s10], [sflag:$0x1] =	stream.indirect_vreg.gather [hbm4b:s1+s2], $0x80, v7, vm0, $0xb8;
	[tilespmem:$0x18100] =	vst v63  }
0x1ce: {  	s19 =	rddreg [dreg:$0x4]  }
0x1cf: {  	[tilespmem:s19], [sflag:$0x1] =	stream.indirect_vreg.gather [hbm4b:s21+s2], $0x80, v7, vm0, $0xb8;
	[tilespmem:$0x18100] =	vst v63  }
0x1d0: {  	s17 =	rddreg [dreg:$0x5]  }
0x1d1: {  	[tilespmem:s17], [sflag:$0x1] =	stream.indirect_vreg.gather [hbm4b:s22+s2], $0x80, v7, vm0, $0xb8;
	[tilespmem:$0x18100] =	vst v63  }
0x1d2: {  	s20 =	rddreg [dreg:$0x6]  }
0x1d3: {  	[tilespmem:s20], [sflag:$0x1] =	stream.indirect_vreg.gather [hbm4b:s23+s2], $0x80, v7, vm0, $0xb8;
	[tilespmem:$0x18100] =	vst v63  }
0x1d4: {  	s18 =	rddreg [dreg:$0x7]  }
0x1d5: {  	[tilespmem:s18], [sflag:$0x1] =	stream.indirect_vreg.gather [hbm4b:s24+s2], $0x80, v7, vm0, $0xb8;
	[tilespmem:$0x18100] =	vst v63  }
0x1d6: {  	s19 =	rddreg [dreg:$0x8]  }
0x1d7: {  	[tilespmem:s19], [sflag:$0x1] =	stream.indirect_vreg.gather [hbm4b:s25+s2], $0x80, v7, vm0, $0xb8;
	[tilespmem:$0x18100] =	vst v63  }
0x1d8: {  	s20 =	rddreg [dreg:$0x9]  }
0x1d9: {  	[tilespmem:s20], [sflag:$0x1] =	stream.indirect_vreg.gather [hbm4b:s26+s2], $0x80, v7, vm0, $0xb8;
	[tilespmem:$0x18100] =	vst v63  }
0x1da: {  	s18 =	rddreg [dreg:$0xa]  }
0x1db: {  	[tilespmem:s18], [sflag:$0x1] =	stream.indirect_vreg.gather [hbm4b:s28+s2], $0x80, v7, vm0, $0xb8;
	[tilespmem:$0x18100] =	vst v63  }
0x1dc: {  	s19 =	rddreg [dreg:$0xb]  }
0x1dd: {  	[tilespmem:s19], [sflag:$0x1] =	stream.indirect_vreg.gather [hbm4b:s29+s2], $0x80, v7, vm0, $0xb8;
	[tilespmem:$0x18100] =	vst v63  }
0x1de: {  	s20 =	rddreg [dreg:$0xc]  }
0x1df: {  	[tilespmem:s20], [sflag:$0x1] =	stream.indirect_vreg.gather [hbm4b:s30+s2], $0x80, v7, vm0, $0xb8;
	[tilespmem:$0x18100] =	vst v63  }
0x1e0: {  	s18 =	rddreg [dreg:$0xd]  }
0x1e1: {  	[tilespmem:s18], [sflag:$0x1] =	stream.indirect_vreg.gather [hbm4b:s31+s2], $0x80, v7, vm0, $0xb8;
	[tilespmem:$0x18100] =	vst v63  }
0x1e2: {  	s19 =	rddreg [dreg:$0xe]  }
0x1e3: {  	[tilespmem:s19], [sflag:$0x1] =	stream.indirect_vreg.gather [hbm4b:s0+s2], $0x80, v7, vm0, $0xb8;
	[tilespmem:$0x18100] =	vst v63  }
0x1e4: {  	s20 =	rddreg [dreg:$0xf]  }
0x1e5: {  	[tilespmem:s20], [sflag:$0x1] =	stream.indirect_vreg.gather [hbm4b:s3+s2], $0x80, v7, vm0, $0xb8;
	[tilespmem:$0x18100] =	vst v63  }
0x1e6: {  	v5 =	vperm.xlane v6, v3;
	s18 =	rddreg [dreg:$0x10]  }
0x1e7: {  	[tilespmem:s18], [sflag:$0x1] =	stream.indirect_vreg.gather [hbm4b:s6+s2], $0x80, v7, vm0, $0xb8;
	[tilespmem:$0x18100] =	vst v63  }
0x1e8: {  	v5 =	vadd.s32 v2, v5;
	s19 =	rddreg [dreg:$0x11]  }
0x1e9: {  	[tilespmem:s19], [sflag:$0x1] =	stream.indirect_vreg.gather [hbm4b:s7+s2], $0x80, v7, vm0, $0xb8;
	[tilespmem:$0x18100] =	vst v63  }
0x1ea: {  	s20 =	rddreg [dreg:$0x12]  }
0x1eb: {  	[tilespmem:s20], [sflag:$0x1] =	stream.indirect_vreg.gather [hbm4b:s8+s2], $0x80, v7, vm0, $0xb8;
	[tilespmem:$0x18100] =	vst v63  }
0x1ec: {  	_ = 	snop  }
0x1ed: {  	[tilespmem:s11], [sflag:$0x1] =	stream.indirect_vreg.gather [hbm4b:s1+s2], $0x80, v5, vm0, $0xb8;
	[tilespmem:$0x18100] =	vst v63  }
0x1ee: {  	s18 =	rddreg [dreg:$0x13]  }
0x1ef: {  	[tilespmem:s18], [sflag:$0x1] =	stream.indirect_vreg.gather [hbm4b:s21+s2], $0x80, v5, vm0, $0xb8;
	[tilespmem:$0x18100] =	vst v63  }
0x1f0: {  	s19 =	rddreg [dreg:$0x14]  }
0x1f1: {  	[tilespmem:s19], [sflag:$0x1] =	stream.indirect_vreg.gather [hbm4b:s22+s2], $0x80, v5, vm0, $0xb8;
	[tilespmem:$0x18100] =	vst v63  }
0x1f2: {  	s20 =	rddreg [dreg:$0x15]  }
0x1f3: {  	[tilespmem:s20], [sflag:$0x1] =	stream.indirect_vreg.gather [hbm4b:s23+s2], $0x80, v5, vm0, $0xb8;
	[tilespmem:$0x18100] =	vst v63  }
0x1f4: {  	s18 =	rddreg [dreg:$0x16]  }
0x1f5: {  	[tilespmem:s18], [sflag:$0x1] =	stream.indirect_vreg.gather [hbm4b:s24+s2], $0x80, v5, vm0, $0xb8;
	[tilespmem:$0x18100] =	vst v63  }
0x1f6: {  	s19 =	rddreg [dreg:$0x17]  }
0x1f7: {  	[tilespmem:s19], [sflag:$0x1] =	stream.indirect_vreg.gather [hbm4b:s25+s2], $0x80, v5, vm0, $0xb8;
	[tilespmem:$0x18100] =	vst v63  }
0x1f8: {  	s20 =	rddreg [dreg:$0x18]  }
0x1f9: {  	[tilespmem:s20], [sflag:$0x1] =	stream.indirect_vreg.gather [hbm4b:s26+s2], $0x80, v5, vm0, $0xb8;
	[tilespmem:$0x18100] =	vst v63  }
0x1fa: {  	s18 =	rddreg [dreg:$0x19]  }
0x1fb: {  	[tilespmem:s18], [sflag:$0x1] =	stream.indirect_vreg.gather [hbm4b:s28+s2], $0x80, v5, vm0, $0xb8;
	[tilespmem:$0x18100] =	vst v63  }
0x1fc: {  	s19 =	rddreg [dreg:$0x1a]  }
0x1fd: {  	[tilespmem:s19], [sflag:$0x1] =	stream.indirect_vreg.gather [hbm4b:s29+s2], $0x80, v5, vm0, $0xb8;
	[tilespmem:$0x18100] =	vst v63  }
0x1fe: {  	s20 =	rddreg [dreg:$0x1b]  }
0x1ff: {  	[tilespmem:s20], [sflag:$0x1] =	stream.indirect_vreg.gather [hbm4b:s30+s2], $0x80, v5, vm0, $0xb8;
	[tilespmem:$0x18100] =	vst v63  }
0x200: {  	s18 =	rddreg [dreg:$0x1c]  }
0x201: {  	[tilespmem:s18], [sflag:$0x1] =	stream.indirect_vreg.gather [hbm4b:s31+s2], $0x80, v5, vm0, $0xb8;
	[tilespmem:$0x18100] =	vst v63  }
0x202: {  	s19 =	rddreg [dreg:$0x1d]  }
0x203: {  	[tilespmem:s19], [sflag:$0x1] =	stream.indirect_vreg.gather [hbm4b:s0+s2], $0x80, v5, vm0, $0xb8;
	[tilespmem:$0x18100] =	vst v63  }
0x204: {  	_ = 	snop  }
0x205: {  	[tilespmem:s12], [sflag:$0x1] =	stream.indirect_vreg.gather [hbm4b:s3+s2], $0x80, v5, vm0, $0xb8;
	[tilespmem:$0x18100] =	vst v63  }
0x206: {  	_ = 	snop  }
0x207: {  	[tilespmem:s13], [sflag:$0x1] =	stream.indirect_vreg.gather [hbm4b:s6+s2], $0x80, v5, vm0, $0xb8;
	[tilespmem:$0x18100] =	vst v63  }
0x208: {  	s20 =	sadd.s32 $0x10, s5  }
0x209: {  	[tilespmem:s14], [sflag:$0x1] =	stream.indirect_vreg.gather [hbm4b:s7+s2], $0x80, v5, vm0, $0xb8;
	[tilespmem:$0x18100] =	vst v63  }
0x20a: {  	v6 =	vor.u32 s20, v0  }
0x20b: {  	vm1 =	vlt.s32 v6, v4;
	[tilespmem:s15], [sflag:$0x1] =	stream.indirect_vreg.gather [hbm4b:s8+s2], $0x80, v5, vm0, $0xb8;
	[tilespmem:$0x18100] =	vst v63  }
0x20c: {  	v7 =	vsel vm1, v6, v4;
	_ =	swait.ge [sflag:s16], $0x10000  }
0x20d: {  	v5 =	vshll.u32 v7, $0x5;
	s19 =	sld [smem:$0x7C7]  }
0x20e: {  	v6 =	vand.u32 $0x7, v7;
	v5 =	vand.u32 $0xFFFFFF00, v5;
	[sflag:s16] =	ssyncset.done $0x0  }
0x20f: {  	v5 =	vor.u32 v6, v5;
	[sflag:s16] =	ssyncadd.s32 $0xFFFF0000  }
0x210: {  	v8 =	vperm.xlane v5, v1;
	[hbm4b:s19+s2] =	stream.linear.scatter [tilespmem:s10], [sflag:$0x7], $0x10000, $0x38;
	[tilespmem:$0x18100] =	vst v63  }
0x211: {  	_ =	swait.ge [sflag:s9], $0x10000  }
0x212: {  	s17 =	simm.s32 $0x20;
	v6 =	vperm.xlane v5, v3;
	v5 =	vadd.s32 v2, v8;
	[sflag:s9] =	ssyncset.done $0x0  }
.LBB2_3:
0x213: {  	_ =	sdelay $0x1  }
0x214: {  	[sflag:s9] =	ssyncadd.s32 $0xFFFF0000  }
0x215: {  	s4 =	smov.u32 s17;
	[tilespmem:$0x80] =	vst v7  }
0x216: {  	[tilespmem:s10], [sflag:$0x1] =	stream.indirect_vreg.gather [hbm4b:s1+s2], $0x80, v5, vm0, $0xb8;
	[tilespmem:$0x18100] =	vst v63  }
0x217: {  	s18 =	sadd.s32 $0x10, s17;
	p0 =	sne.s32 s17, $0xF0;
	s17 =	rddreg [dreg:$0x4]  }
0x218: {  	[tilespmem:s17], [sflag:$0x1] =	stream.indirect_vreg.gather [hbm4b:s21+s2], $0x80, v5, vm0, $0xb8;
	[tilespmem:$0x18100] =	vst v63  }
0x219: {  	s20 =	rddreg [dreg:$0x5]  }
0x21a: {  	[tilespmem:s20], [sflag:$0x1] =	stream.indirect_vreg.gather [hbm4b:s22+s2], $0x80, v5, vm0, $0xb8;
	[tilespmem:$0x18100] =	vst v63  }
0x21b: {  	s17 =	rddreg [dreg:$0x6]  }
0x21c: {  	[tilespmem:s17], [sflag:$0x1] =	stream.indirect_vreg.gather [hbm4b:s23+s2], $0x80, v5, vm0, $0xb8;
	[tilespmem:$0x18100] =	vst v63  }
0x21d: {  	s20 =	rddreg [dreg:$0x7]  }
0x21e: {  	[tilespmem:s20], [sflag:$0x1] =	stream.indirect_vreg.gather [hbm4b:s24+s2], $0x80, v5, vm0, $0xb8;
	[tilespmem:$0x18100] =	vst v63  }
0x21f: {  	s17 =	rddreg [dreg:$0x8]  }
0x220: {  	[tilespmem:s17], [sflag:$0x1] =	stream.indirect_vreg.gather [hbm4b:s25+s2], $0x80, v5, vm0, $0xb8;
	[tilespmem:$0x18100] =	vst v63  }
0x221: {  	s20 =	rddreg [dreg:$0x9]  }
0x222: {  	[tilespmem:s20], [sflag:$0x1] =	stream.indirect_vreg.gather [hbm4b:s26+s2], $0x80, v5, vm0, $0xb8;
	[tilespmem:$0x18100] =	vst v63  }
0x223: {  	s17 =	rddreg [dreg:$0xa]  }
0x224: {  	[tilespmem:s17], [sflag:$0x1] =	stream.indirect_vreg.gather [hbm4b:s28+s2], $0x80, v5, vm0, $0xb8;
	[tilespmem:$0x18100] =	vst v63  }
0x225: {  	s20 =	rddreg [dreg:$0xb]  }
0x226: {  	[tilespmem:s20], [sflag:$0x1] =	stream.indirect_vreg.gather [hbm4b:s29+s2], $0x80, v5, vm0, $0xb8;
	[tilespmem:$0x18100] =	vst v63  }
0x227: {  	s17 =	rddreg [dreg:$0xc]  }
0x228: {  	[tilespmem:s17], [sflag:$0x1] =	stream.indirect_vreg.gather [hbm4b:s30+s2], $0x80, v5, vm0, $0xb8;
	[tilespmem:$0x18100] =	vst v63  }
0x229: {  	s20 =	rddreg [dreg:$0xd]  }
0x22a: {  	[tilespmem:s20], [sflag:$0x1] =	stream.indirect_vreg.gather [hbm4b:s31+s2], $0x80, v5, vm0, $0xb8;
	[tilespmem:$0x18100] =	vst v63  }
0x22b: {  	s17 =	rddreg [dreg:$0xe]  }
0x22c: {  	[tilespmem:s17], [sflag:$0x1] =	stream.indirect_vreg.gather [hbm4b:s0+s2], $0x80, v5, vm0, $0xb8;
	[tilespmem:$0x18100] =	vst v63  }
0x22d: {  	s20 =	rddreg [dreg:$0xf]  }
0x22e: {  	[tilespmem:s20], [sflag:$0x1] =	stream.indirect_vreg.gather [hbm4b:s3+s2], $0x80, v5, vm0, $0xb8;
	[tilespmem:$0x18100] =	vst v63  }
0x22f: {  	s17 =	rddreg [dreg:$0x10]  }
0x230: {  	[tilespmem:s17], [sflag:$0x1] =	stream.indirect_vreg.gather [hbm4b:s6+s2], $0x80, v5, vm0, $0xb8;
	[tilespmem:$0x18100] =	vst v63  }
0x231: {  	v6 =	vadd.s32 v2, v6;
	s20 =	rddreg [dreg:$0x11]  }
0x232: {  	[tilespmem:s20], [sflag:$0x1] =	stream.indirect_vreg.gather [hbm4b:s7+s2], $0x80, v5, vm0, $0xb8;
	[tilespmem:$0x18100] =	vst v63  }
0x233: {  	s17 =	rddreg [dreg:$0x12]  }
0x234: {  	[tilespmem:s17], [sflag:$0x1] =	stream.indirect_vreg.gather [hbm4b:s8+s2], $0x80, v5, vm0, $0xb8;
	[tilespmem:$0x18100] =	vst v63  }
0x235: {  	_ = 	snop  }
0x236: {  	[tilespmem:s11], [sflag:$0x1] =	stream.indirect_vreg.gather [hbm4b:s1+s2], $0x80, v6, vm0, $0xb8;
	[tilespmem:$0x18100] =	vst v63  }
0x237: {  	s17 =	rddreg [dreg:$0x13]  }
0x238: {  	[tilespmem:s17], [sflag:$0x1] =	stream.indirect_vreg.gather [hbm4b:s21+s2], $0x80, v6, vm0, $0xb8;
	[tilespmem:$0x18100] =	vst v63  }
0x239: {  	s20 =	rddreg [dreg:$0x14]  }
0x23a: {  	[tilespmem:s20], [sflag:$0x1] =	stream.indirect_vreg.gather [hbm4b:s22+s2], $0x80, v6, vm0, $0xb8;
	[tilespmem:$0x18100] =	vst v63  }
0x23b: {  	s17 =	rddreg [dreg:$0x15]  }
0x23c: {  	[tilespmem:s17], [sflag:$0x1] =	stream.indirect_vreg.gather [hbm4b:s23+s2], $0x80, v6, vm0, $0xb8;
	[tilespmem:$0x18100] =	vst v63  }
0x23d: {  	s20 =	rddreg [dreg:$0x16]  }
0x23e: {  	[tilespmem:s20], [sflag:$0x1] =	stream.indirect_vreg.gather [hbm4b:s24+s2], $0x80, v6, vm0, $0xb8;
	[tilespmem:$0x18100] =	vst v63  }
0x23f: {  	s17 =	rddreg [dreg:$0x17]  }
0x240: {  	[tilespmem:s17], [sflag:$0x1] =	stream.indirect_vreg.gather [hbm4b:s25+s2], $0x80, v6, vm0, $0xb8;
	[tilespmem:$0x18100] =	vst v63  }
0x241: {  	s20 =	rddreg [dreg:$0x18]  }
0x242: {  	[tilespmem:s20], [sflag:$0x1] =	stream.indirect_vreg.gather [hbm4b:s26+s2], $0x80, v6, vm0, $0xb8;
	[tilespmem:$0x18100] =	vst v63  }
0x243: {  	s17 =	rddreg [dreg:$0x19]  }
0x244: {  	[tilespmem:s17], [sflag:$0x1] =	stream.indirect_vreg.gather [hbm4b:s28+s2], $0x80, v6, vm0, $0xb8;
	[tilespmem:$0x18100] =	vst v63  }
0x245: {  	s20 =	rddreg [dreg:$0x1a]  }
0x246: {  	[tilespmem:s20], [sflag:$0x1] =	stream.indirect_vreg.gather [hbm4b:s29+s2], $0x80, v6, vm0, $0xb8;
	[tilespmem:$0x18100] =	vst v63  }
0x247: {  	s17 =	rddreg [dreg:$0x1b]  }
0x248: {  	[tilespmem:s17], [sflag:$0x1] =	stream.indirect_vreg.gather [hbm4b:s30+s2], $0x80, v6, vm0, $0xb8;
	[tilespmem:$0x18100] =	vst v63  }
0x249: {  	s20 =	rddreg [dreg:$0x1c]  }
0x24a: {  	[tilespmem:s20], [sflag:$0x1] =	stream.indirect_vreg.gather [hbm4b:s31+s2], $0x80, v6, vm0, $0xb8;
	[tilespmem:$0x18100] =	vst v63  }
0x24b: {  	s17 =	rddreg [dreg:$0x1d]  }
0x24c: {  	[tilespmem:s17], [sflag:$0x1] =	stream.indirect_vreg.gather [hbm4b:s0+s2], $0x80, v6, vm0, $0xb8;
	[tilespmem:$0x18100] =	vst v63  }
0x24d: {  	_ = 	snop  }
0x24e: {  	[tilespmem:s12], [sflag:$0x1] =	stream.indirect_vreg.gather [hbm4b:s3+s2], $0x80, v6, vm0, $0xb8;
	[tilespmem:$0x18100] =	vst v63  }
0x24f: {  	_ = 	snop  }
0x250: {  	[tilespmem:s13], [sflag:$0x1] =	stream.indirect_vreg.gather [hbm4b:s6+s2], $0x80, v6, vm0, $0xb8;
	[tilespmem:$0x18100] =	vst v63  }
0x251: {  	s4 =	sadd.s32 s4, s5  }
0x252: {  	v5 =	vor.u32 s4, v0;
	[tilespmem:s14], [sflag:$0x1] =	stream.indirect_vreg.gather [hbm4b:s7+s2], $0x80, v6, vm0, $0xb8;
	[tilespmem:$0x18100] =	vst v63  }
0x253: {  	vm1 =	vlt.s32 v5, v4  }
0x254: {  	v7 =	vsel vm1, v5, v4;
	[tilespmem:s15], [sflag:$0x1] =	stream.indirect_vreg.gather [hbm4b:s8+s2], $0x80, v6, vm0, $0xb8;
	[tilespmem:$0x18100] =	vst v63  }
0x255: {  	v5 =	vshll.u32 v7, $0x5;
	_ =	swait.ge [sflag:s16], $0x10000  }
.Ltmp3:
0x256: {  	v8 =	vand.u32 $0x7, v7;
	v5 =	vand.u32 $0xFFFFFF00, v5;
	[sflag:s16] =	ssyncset.done $0x0;
	(pc) =	sbr.rel @p0 .LBB2_3-.Ltmp3, $4  }
0x257: {  	s19 =	sadd.s32 $0x2000, s19;
	v5 =	vor.u32 v8, v5;
	[sflag:s16] =	ssyncadd.s32 $0xFFFF0000  }
0x258: {  	v8 =	vperm.xlane v5, v1;
	[hbm4b:s19+s2] =	stream.linear.scatter [tilespmem:s10], [sflag:$0x7], $0x10000, $0x38;
	[tilespmem:$0x18100] =	vst v63  }
0x259: {  	_ =	swait.ge [sflag:s9], $0x10000  }
0x25a: {  	s17 =	smov.u32 s18;
	v6 =	vperm.xlane v5, v3;
	v5 =	vadd.s32 v2, v8;
	[sflag:s9] =	ssyncset.done $0x0  }
0x25b: {  	_ =	sdelay $0x1  }
0x25c: {  	[sflag:s9] =	ssyncadd.s32 $0xFFFF0000  }
0x25d: {  	[tilespmem:$0x80] =	vst v7  }
0x25e: {  	[tilespmem:s10], [sflag:$0x1] =	stream.indirect_vreg.gather [hbm4b:s1+s2], $0x80, v5, vm0, $0xb8;
	[tilespmem:$0x18100] =	vst v63  }
0x25f: {  	s4 =	rddreg [dreg:$0x4]  }
0x260: {  	[tilespmem:s4], [sflag:$0x1] =	stream.indirect_vreg.gather [hbm4b:s21+s2], $0x80, v5, vm0, $0xb8;
	[tilespmem:$0x18100] =	vst v63  }
0x261: {  	s17 =	rddreg [dreg:$0x5]  }
0x262: {  	[tilespmem:s17], [sflag:$0x1] =	stream.indirect_vreg.gather [hbm4b:s22+s2], $0x80, v5, vm0, $0xb8;
	[tilespmem:$0x18100] =	vst v63  }
0x263: {  	s20 =	rddreg [dreg:$0x6]  }
0x264: {  	[tilespmem:s20], [sflag:$0x1] =	stream.indirect_vreg.gather [hbm4b:s23+s2], $0x80, v5, vm0, $0xb8;
	[tilespmem:$0x18100] =	vst v63  }
0x265: {  	s18 =	rddreg [dreg:$0x7]  }
0x266: {  	[tilespmem:s18], [sflag:$0x1] =	stream.indirect_vreg.gather [hbm4b:s24+s2], $0x80, v5, vm0, $0xb8;
	[tilespmem:$0x18100] =	vst v63  }
0x267: {  	s20 =	rddreg [dreg:$0x8]  }
0x268: {  	[tilespmem:s20], [sflag:$0x1] =	stream.indirect_vreg.gather [hbm4b:s25+s2], $0x80, v5, vm0, $0xb8;
	[tilespmem:$0x18100] =	vst v63  }
0x269: {  	s18 =	rddreg [dreg:$0x9]  }
0x26a: {  	[tilespmem:s18], [sflag:$0x1] =	stream.indirect_vreg.gather [hbm4b:s26+s2], $0x80, v5, vm0, $0xb8;
	[tilespmem:$0x18100] =	vst v63  }
0x26b: {  	s20 =	rddreg [dreg:$0xa]  }
0x26c: {  	[tilespmem:s20], [sflag:$0x1] =	stream.indirect_vreg.gather [hbm4b:s28+s2], $0x80, v5, vm0, $0xb8;
	[tilespmem:$0x18100] =	vst v63  }
0x26d: {  	s18 =	rddreg [dreg:$0xb]  }
0x26e: {  	[tilespmem:s18], [sflag:$0x1] =	stream.indirect_vreg.gather [hbm4b:s29+s2], $0x80, v5, vm0, $0xb8;
	[tilespmem:$0x18100] =	vst v63  }
0x26f: {  	s20 =	rddreg [dreg:$0xc]  }
0x270: {  	[tilespmem:s20], [sflag:$0x1] =	stream.indirect_vreg.gather [hbm4b:s30+s2], $0x80, v5, vm0, $0xb8;
	[tilespmem:$0x18100] =	vst v63  }
0x271: {  	s18 =	rddreg [dreg:$0xd]  }
0x272: {  	[tilespmem:s18], [sflag:$0x1] =	stream.indirect_vreg.gather [hbm4b:s31+s2], $0x80, v5, vm0, $0xb8;
	[tilespmem:$0x18100] =	vst v63  }
0x273: {  	s20 =	rddreg [dreg:$0xe]  }
0x274: {  	[tilespmem:s20], [sflag:$0x1] =	stream.indirect_vreg.gather [hbm4b:s0+s2], $0x80, v5, vm0, $0xb8;
	[tilespmem:$0x18100] =	vst v63  }
0x275: {  	s18 =	rddreg [dreg:$0xf]  }
0x276: {  	[tilespmem:s18], [sflag:$0x1] =	stream.indirect_vreg.gather [hbm4b:s3+s2], $0x80, v5, vm0, $0xb8;
	[tilespmem:$0x18100] =	vst v63  }
0x277: {  	s20 =	rddreg [dreg:$0x10]  }
0x278: {  	[tilespmem:s20], [sflag:$0x1] =	stream.indirect_vreg.gather [hbm4b:s6+s2], $0x80, v5, vm0, $0xb8;
	[tilespmem:$0x18100] =	vst v63  }
0x279: {  	v4 =	vadd.s32 v2, v6;
	s18 =	rddreg [dreg:$0x11]  }
0x27a: {  	[tilespmem:s18], [sflag:$0x1] =	stream.indirect_vreg.gather [hbm4b:s7+s2], $0x80, v5, vm0, $0xb8;
	[tilespmem:$0x18100] =	vst v63  }
0x27b: {  	s20 =	rddreg [dreg:$0x12]  }
0x27c: {  	[tilespmem:s20], [sflag:$0x1] =	stream.indirect_vreg.gather [hbm4b:s8+s2], $0x80, v5, vm0, $0xb8;
	[tilespmem:$0x18100] =	vst v63  }
0x27d: {  	_ = 	snop  }
0x27e: {  	[tilespmem:s11], [sflag:$0x1] =	stream.indirect_vreg.gather [hbm4b:s1+s2], $0x80, v4, vm0, $0xb8;
	[tilespmem:$0x18100] =	vst v63  }
0x27f: {  	s18 =	rddreg [dreg:$0x13]  }
0x280: {  	[tilespmem:s18], [sflag:$0x1] =	stream.indirect_vreg.gather [hbm4b:s21+s2], $0x80, v4, vm0, $0xb8;
	[tilespmem:$0x18100] =	vst v63  }
0x281: {  	s20 =	rddreg [dreg:$0x14]  }
0x282: {  	[tilespmem:s20], [sflag:$0x1] =	stream.indirect_vreg.gather [hbm4b:s22+s2], $0x80, v4, vm0, $0xb8;
	[tilespmem:$0x18100] =	vst v63  }
0x283: {  	s18 =	rddreg [dreg:$0x15]  }
0x284: {  	[tilespmem:s18], [sflag:$0x1] =	stream.indirect_vreg.gather [hbm4b:s23+s2], $0x80, v4, vm0, $0xb8;
	[tilespmem:$0x18100] =	vst v63  }
0x285: {  	s20 =	rddreg [dreg:$0x16]  }
0x286: {  	[tilespmem:s20], [sflag:$0x1] =	stream.indirect_vreg.gather [hbm4b:s24+s2], $0x80, v4, vm0, $0xb8;
	[tilespmem:$0x18100] =	vst v63  }
0x287: {  	s18 =	rddreg [dreg:$0x17]  }
0x288: {  	[tilespmem:s18], [sflag:$0x1] =	stream.indirect_vreg.gather [hbm4b:s25+s2], $0x80, v4, vm0, $0xb8;
	[tilespmem:$0x18100] =	vst v63  }
0x289: {  	s20 =	rddreg [dreg:$0x18]  }
0x28a: {  	[tilespmem:s20], [sflag:$0x1] =	stream.indirect_vreg.gather [hbm4b:s26+s2], $0x80, v4, vm0, $0xb8;
	[tilespmem:$0x18100] =	vst v63  }
0x28b: {  	s18 =	rddreg [dreg:$0x19]  }
0x28c: {  	[tilespmem:s18], [sflag:$0x1] =	stream.indirect_vreg.gather [hbm4b:s28+s2], $0x80, v4, vm0, $0xb8;
	[tilespmem:$0x18100] =	vst v63  }
0x28d: {  	s20 =	rddreg [dreg:$0x1a]  }
0x28e: {  	[tilespmem:s20], [sflag:$0x1] =	stream.indirect_vreg.gather [hbm4b:s29+s2], $0x80, v4, vm0, $0xb8;
	[tilespmem:$0x18100] =	vst v63  }
0x28f: {  	s18 =	rddreg [dreg:$0x1b]  }
0x290: {  	[tilespmem:s18], [sflag:$0x1] =	stream.indirect_vreg.gather [hbm4b:s30+s2], $0x80, v4, vm0, $0xb8;
	[tilespmem:$0x18100] =	vst v63  }
0x291: {  	s20 =	rddreg [dreg:$0x1c]  }
0x292: {  	[tilespmem:s20], [sflag:$0x1] =	stream.indirect_vreg.gather [hbm4b:s31+s2], $0x80, v4, vm0, $0xb8;
	[tilespmem:$0x18100] =	vst v63  }
0x293: {  	s18 =	rddreg [dreg:$0x1d]  }
0x294: {  	[tilespmem:s18], [sflag:$0x1] =	stream.indirect_vreg.gather [hbm4b:s0+s2], $0x80, v4, vm0, $0xb8;
	[tilespmem:$0x18100] =	vst v63  }
0x295: {  	_ = 	snop  }
0x296: {  	[tilespmem:s12], [sflag:$0x1] =	stream.indirect_vreg.gather [hbm4b:s3+s2], $0x80, v4, vm0, $0xb8;
	[tilespmem:$0x18100] =	vst v63  }
0x297: {  	_ = 	snop  }
0x298: {  	[tilespmem:s13], [sflag:$0x1] =	stream.indirect_vreg.gather [hbm4b:s6+s2], $0x80, v4, vm0, $0xb8;
	[tilespmem:$0x18100] =	vst v63  }
0x299: {  	_ = 	snop  }
0x29a: {  	[tilespmem:s14], [sflag:$0x1] =	stream.indirect_vreg.gather [hbm4b:s7+s2], $0x80, v4, vm0, $0xb8;
	[tilespmem:$0x18100] =	vst v63  }
0x29b: {  	_ = 	snop  }
0x29c: {  	[tilespmem:s15], [sflag:$0x1] =	stream.indirect_vreg.gather [hbm4b:s8+s2], $0x80, v4, vm0, $0xb8;
	[tilespmem:$0x18100] =	vst v63  }
0x29d: {  	_ =	swait.ge [sflag:s16], $0x10000  }
0x29e: {  	[sflag:s16] =	ssyncset.done $0x0  }
0x29f: {  	s20 =	sadd.s32 $0x2000, s19;
	[sflag:s16] =	ssyncadd.s32 $0xFFFF0000  }
0x2a0: {  	[hbm4b:s20+s2] =	stream.linear.scatter [tilespmem:s10], [sflag:$0x7], $0x10000, $0x38;
	[tilespmem:$0x18100] =	vst v63  }
.Ltmp4:
0x2a1: {  	_ = 	snop;
	(pc) =	sbr.rel .LBB2_5-.Ltmp4, $4  }
0x2a2: {  	_ =	swait.ge [sflag:s9], $0x10000  }
0x2a3: {  	s17 =	sld [smem:$0x7FC]  }
0x2a4: {  	[sflag:s9] =	ssyncset.done $0x0;
	s19 =	sld [smem:$0x7FD]  }
0x2a5: {  	s4 =	sld [smem:$0x7BB];
	[sflag:s9] =	ssyncadd.s32 $0xFFFF0000  }
.LBB2_6:
0x2a6: {  	_ =	sfence.sel $0x180000  }
0x2a7: {  	[bflag:$0x0] =	sbarrier.arrive $0xFFFF  }
0x2a8: {  	_ =	strace $0x90000047  }
0x2a9: {  	s0 =	stileid.u32;
	[bflag:$0x2] =	sbarrier.arrive $0xFFFF  }
0x2aa: {  	p0 =	sne.s32 s0, $0x0;
	s0 =	rddreg [dreg:$0x3]  }
0x2ab: {  	s0 =	sadd.s32 @!p0 $0x100000, s0  }
0x2ac: {  	[sflag:s0] =	ssyncadd.tile.s32 @!p0 $0x1;
	_ =	shalt  }
.Lfunc_end2:
_tile_overlayer_lowered:
.L_overlay_start_2:
0x2ad: {  	(tag) =	ssettag $0x2  }
0x2ae: {  	s0 =	rddreg [dreg:$0x0];
	s2 =	stileid.u32  }
0x2af: {  	s1 =	rddreg [dreg:$0x1];
	p0 =	sne.s32 s2, $0x0  }
0x2b0: {  	s3 =	rddreg [dreg:$0x2];
	[bflag:$0x3] =	sbarrier.arrive $0xFFFF;
	s2 =	simm.s32 @!p0 $0x1C07  }
0x2b1: {  	[timem:s3], [sflag:s2] =	dma.local @!p0 [hbm:s0], s1  }
0x2b2: {  	s0 =	simm.s32 @!p0 $0x7  }
0x2b3: {  	_ =	swait.ge @!p0 [sflag:s0], s1  }
0x2b4: {  	s1 =	ssub.s32 @!p0 $0x0, s1;
	[sflag:s0] =	ssyncset.done @!p0 $0x0  }
0x2b5: {  	[sflag:s0] =	ssyncadd.s32 @!p0 s1  }
0x2b6: {  	[bflag:$0x3] =	sbarrier.arrive $0xFFFF  }
0x2b7: {  	_ =	shalt  }

</sc_bundles>
